<compile_context>
chip_gen: v7x
topology: tpu7x:2x2x1
jax: 0.10.2.dev20260603
libtpu: 0.0.44.dev20260713+nightly
codegen_flags: <defaults>
</compile_context>

<pallas_src>
import functools

import jax
import jax.numpy as jnp
from jax import lax
from jax.experimental import pallas as pl
from jax.experimental.pallas import tpu as pltpu
from jax.experimental.pallas import tpu_sc as plsc

N = 10000
E = 320000
D = 128
NC = 2
NS = 16
NW = NC * NS
EPW = E // NW
NP_ = 10240
RPS = NP_ // NS
KE = 80
STEPS = EPW // KE

def _sc_degrees_body(src_hbm, dst_hbm, outs_hbm, outd_hbm, sidx, didx, degs, degd):
    c = lax.axis_index("c")
    s = lax.axis_index("s")
    wid = s * NC + c
    base = wid * EPW
    pltpu.sync_copy(src_hbm.at[pl.ds(base, EPW)], sidx)
    pltpu.sync_copy(dst_hbm.at[pl.ds(base, EPW)], didx)

    zeros = jnp.zeros((16,), jnp.float32)

    def zbody(i, carry):
        degs[pl.ds(i * 16, 16)] = zeros
        degd[pl.ds(i * 16, 16)] = zeros
        return carry

    lax.fori_loop(0, N // 16, zbody, 0)

    ones = jnp.ones((16,), jnp.float32)

    def body(i, carry):
        sv = sidx[pl.ds(i * 16, 16)]
        dv = didx[pl.ds(i * 16, 16)]
        plsc.addupdate_scatter(degs, [sv], ones)
        plsc.addupdate_scatter(degd, [dv], ones)
        return carry

    lax.fori_loop(0, EPW // 16, body, 0)

    pltpu.sync_copy(degs, outs_hbm.at[wid])
    pltpu.sync_copy(degd, outd_hbm.at[wid])


def _sc_spmm_body(h_hbm, src_hbm, dst_hbm, zrows_hbm, out_hbm,
                  sidx0, didx0, sidx1, didx1, sidx2, didx2,
                  rows0, rows1, rows2, agg_sh,
                  gsem0, gsem1, gsem2, ssem0, ssem1, ssem2):
    c = lax.axis_index("c")
    s = lax.axis_index("s")
    wid = s * NC + c
    base = wid * EPW

    sidx = (sidx0, sidx1, sidx2)
    didx = (didx0, didx1, didx2)
    rows = (rows0, rows1, rows2)
    gsems = (gsem0, gsem1, gsem2)
    ssems = (ssem0, ssem1, ssem2)

    def fetch_idx(i, b):
        pltpu.sync_copy(src_hbm.at[pl.ds(base + i * KE, KE)], sidx[b])
        pltpu.sync_copy(dst_hbm.at[pl.ds(base + i * KE, KE)], didx[b])

    def issue_gather(b):
        pltpu.async_copy(h_hbm.at[sidx[b]], rows[b], gsems[b])

    def wait_gather(b):
        pltpu.make_async_copy(h_hbm.at[sidx[b]], rows[b], gsems[b]).wait()

    def issue_scatter(b):
        pltpu.async_copy(rows[b], agg_sh.at[didx[b]], ssems[b], add=True)

    def wait_scatter(b):
        pltpu.make_async_copy(rows[b], agg_sh.at[didx[b]], ssems[b]).wait()

    pltpu.sync_copy(zrows_hbm, agg_sh.at[pl.ds(s * RPS, RPS)])
    plsc.subcore_barrier()

    fetch_idx(0, 0)
    issue_gather(0)
    fetch_idx(1, 1)
    issue_gather(1)
    wait_gather(0)
    issue_scatter(0)
    fetch_idx(2, 2)
    issue_gather(2)
    wait_gather(1)
    issue_scatter(1)
    wait_scatter(0)
    fetch_idx(3, 0)
    issue_gather(0)

    def body(j, carry):
        i = j * 3
        for k, b in ((2, 2), (3, 0), (4, 1)):
            step = i + k
            wait_gather(b)
            issue_scatter(b)
            wait_scatter((b + 2) % 3)
            fetch_idx(step + 2, (b + 2) % 3)
            issue_gather((b + 2) % 3)
        return carry

    lax.fori_loop(0, (STEPS - 5) // 3, body, 0)

    wait_gather(2)
    issue_scatter(2)
    wait_scatter(1)
    fetch_idx(STEPS - 1, 1)
    issue_gather(1)
    wait_gather(0)
    issue_scatter(0)
    wait_scatter(2)
    wait_gather(1)
    issue_scatter(1)
    wait_scatter(0)
    wait_scatter(1)
    plsc.subcore_barrier()

    pltpu.sync_copy(agg_sh.at[pl.ds(s * RPS, RPS)],
                    out_hbm.at[c, pl.ds(s * RPS, RPS)])


@functools.lru_cache(maxsize=1)
def _build_sc_kernels():
    mesh = plsc.VectorSubcoreMesh(
        core_axis_name="c", subcore_axis_name="s",
        num_cores=NC, num_subcores=NS)
    sc_degrees = pl.kernel(
        _sc_degrees_body,
        out_type=(jax.ShapeDtypeStruct((NW, N), jnp.float32),
                  jax.ShapeDtypeStruct((NW, N), jnp.float32)),
        mesh=mesh,
        scratch_types=[
            pltpu.VMEM((EPW,), jnp.int32),
            pltpu.VMEM((EPW,), jnp.int32),
            pltpu.VMEM((N,), jnp.float32),
            pltpu.VMEM((N,), jnp.float32),
        ],
        compiler_params=pltpu.CompilerParams(needs_layout_passes=False),
    )
    sc_spmm = pl.kernel(
        _sc_spmm_body,
        out_type=jax.ShapeDtypeStruct((NC, NP_, D), jnp.float32),
        mesh=mesh,
        scratch_types=(
            [pltpu.VMEM((KE,), jnp.int32)] * 6
            + [pltpu.VMEM((KE, D), jnp.float32)] * 3
            + [pltpu.VMEM_SHARED((NP_, D), jnp.float32)]
            + [pltpu.SemaphoreType.DMA] * 6
        ),
    )
    return sc_degrees, sc_spmm


def _tc_norms_body(degs_ref, degd_ref, nsd_ref):
    ds_ = jnp.sum(degs_ref[...], axis=0)
    dd_ = jnp.sum(degd_ref[...], axis=0)
    nsd_ref[0, :] = lax.rsqrt(jnp.maximum(ds_, 1.0))
    nsd_ref[1, :] = lax.rsqrt(jnp.maximum(dd_, 1.0))


_tc_norms = pl.pallas_call(
    _tc_norms_body,
    out_shape=jax.ShapeDtypeStruct((2, N), jnp.float32),
)


def _tc_scale_body(x_ref, ns_ref, o_ref):
    o_ref[...] = x_ref[...] * ns_ref[...]


_tc_scale = pl.pallas_call(
    _tc_scale_body,
    out_shape=jax.ShapeDtypeStruct((N, D), jnp.float32),
)


def _tc_mid_body(p_ref, nd_ref, ns_ref, W_ref, b_ref, g_ref, be_ref, o_ref):
    agg = (p_ref[0, :N] + p_ref[1, :N]) * nd_ref[...]
    y = jnp.dot(agg, W_ref[...], preferred_element_type=jnp.float32)
    y = y + b_ref[...][None, :]
    mu = jnp.mean(y, axis=0, keepdims=True)
    var = jnp.mean((y - mu) ** 2, axis=0, keepdims=True)
    yn = (y - mu) * lax.rsqrt(var + 1e-5) * g_ref[...][None, :] + be_ref[...][None, :]
    o_ref[...] = jnp.maximum(yn, 0.0) * ns_ref[...]


_tc_mid = pl.pallas_call(
    _tc_mid_body,
    out_shape=jax.ShapeDtypeStruct((N, D), jnp.float32),
)


def _tc_final_body(p_ref, nd_ref, W_ref, b_ref, o_ref):
    agg = (p_ref[0, :N] + p_ref[1, :N]) * nd_ref[...]
    y = jnp.dot(agg, W_ref[...], preferred_element_type=jnp.float32)
    o_ref[...] = y + b_ref[...][None, :]


_tc_final = pl.pallas_call(
    _tc_final_body,
    out_shape=jax.ShapeDtypeStruct((N, D), jnp.float32),
)


def kernel(x, edge_index, W1, b1, g1, be1, W2, b2, g2, be2, W3, b3):
    src = edge_index[0]
    dst = edge_index[1]
    _sc_degrees, _sc_spmm = _build_sc_kernels()

    degs_p, degd_p = _sc_degrees(src, dst)
    nsd = _tc_norms(degs_p, degd_p)
    ns_col = nsd[0].reshape(N, 1)
    nd_col = nsd[1].reshape(N, 1)

    zrows = jnp.zeros((RPS, D), jnp.float32)

    h = _tc_scale(x, ns_col)
    p = _sc_spmm(h, src, dst, zrows)
    h = _tc_mid(p, nd_col, ns_col, W1, b1, g1, be1)
    p = _sc_spmm(h, src, dst, zrows)
    h = _tc_mid(p, nd_col, ns_col, W2, b2, g2, be2)
    p = _sc_spmm(h, src, dst, zrows)
    return _tc_final(p, nd_col, W3, b3)

# --- scband reference (transcript-rebuilt; emitter-appended) ---
"""Pipeline reference for scband-three-layer-gcn-bn-20710332301830 (READ-ONLY COPY).

The authoritative reference and input builder live on the scoring server;
editing this copy changes nothing except your own understanding.
"""

import jax, jax.numpy as jnp
import numpy as np

N, E, D_IN, D_H, D_OUT = 10000, 320000, 128, 128, 128

def setup_inputs(seed: int = 0):
    key = jax.random.key(seed)
    ks = jax.random.split(key, 16)
    x = jax.random.normal(ks[0], (N, D_IN), dtype=jnp.float32)
    edge_index = jax.random.randint(ks[1], (2, E), 0, N, dtype=jnp.int32)
    s1 = 1.0 / np.sqrt(D_IN)
    s2 = 1.0 / np.sqrt(D_H)
    W1 = jax.random.uniform(ks[2], (D_IN, D_H), dtype=jnp.float32, minval=-s1, maxval=s1)
    b1 = jnp.zeros((D_H,), dtype=jnp.float32)
    g1 = jnp.ones((D_H,), dtype=jnp.float32)
    be1 = jnp.zeros((D_H,), dtype=jnp.float32)
    W2 = jax.random.uniform(ks[3], (D_H, D_H), dtype=jnp.float32, minval=-s2, maxval=s2)
    b2 = jnp.zeros((D_H,), dtype=jnp.float32)
    g2 = jnp.ones((D_H,), dtype=jnp.float32)
    be2 = jnp.zeros((D_H,), dtype=jnp.float32)
    W3 = jax.random.uniform(ks[4], (D_H, D_OUT), dtype=jnp.float32, minval=-s2, maxval=s2)
    b3 = jnp.zeros((D_OUT,), dtype=jnp.float32)
    return {"x": x, "edge_index": edge_index, "W1": W1, "b1": b1, "g1": g1, "be1": be1,
            "W2": W2, "b2": b2, "g2": g2, "be2": be2, "W3": W3, "b3": b3}

def reference(x, edge_index, W1, b1, g1, be1, W2, b2, g2, be2, W3, b3):
    # DGL GraphConv with norm='both': h = D_dst^{-1/2} * A * (D_src^{-1/2} * x) * W + b
    src = edge_index[0]
    dst = edge_index[1]
    ones = jnp.ones((src.shape[0],), dtype=x.dtype)
    out_deg = jnp.maximum(jax.ops.segment_sum(ones, src, num_segments=N), 1.0)
    in_deg = jnp.maximum(jax.ops.segment_sum(ones, dst, num_segments=N), 1.0)
    norm_src = out_deg ** -0.5
    norm_dst = in_deg ** -0.5

    def conv(h, W, b):
        h = h * norm_src[:, None]
        m = jnp.take(h, src, axis=0)
        agg = jax.ops.segment_sum(m, dst, num_segments=N)
        agg = agg * norm_dst[:, None]
        return agg @ W + b

    def bn(h, g, be):
        # BatchNorm1d in training mode: batch statistics (biased variance)
        mu = jnp.mean(h, axis=0)
        var = jnp.mean((h - mu) ** 2, axis=0)
        return (h - mu) / jnp.sqrt(var + 1e-5) * g + be

    h = jax.nn.relu(bn(conv(x, W1, b1), g1, be1))
    # dropout is identity in eval mode
    h = jax.nn.relu(bn(conv(h, W2, b2), g2, be2))
    return conv(h, W3, b3)

if __name__ == "__main__":
    import jax
    _d = setup_inputs()
    print(jax.jit(kernel)(*tuple(_d.values())))

</pallas_src>

<mosaic_0001>
#map = affine_map<(d0, d1) -> (0)>
#map1 = affine_map<(d0, d1) -> (0, 0)>
module attributes {stable_mosaic.version = 14 : i64} {
  func.func @_sc_degrees_body(%arg0: i32, %arg1: i32, %arg2: memref<320000xi32, #tpu.memory_space<hbm>>, %arg3: memref<320000xi32, #tpu.memory_space<hbm>>, %arg4: memref<32x10000xf32, #tpu.memory_space<hbm>>, %arg5: memref<32x10000xf32, #tpu.memory_space<hbm>>, %arg6: memref<10000xi32, #tpu.memory_space<vmem>>, %arg7: memref<10000xi32, #tpu.memory_space<vmem>>, %arg8: memref<10000xf32, #tpu.memory_space<vmem>>, %arg9: memref<10000xf32, #tpu.memory_space<vmem>>) attributes {dimension_semantics = [#tpu.dimension_semantics<core_parallel>, #tpu.dimension_semantics<subcore_parallel>], iteration_bounds = array<i64: 2, 16>, scalar_prefetch = 0 : i64, scratch_operands = 4 : i64, tpu.core_type = #tpu.core_type<sc_vector_subcore>, window_params = [{transform_indices = #map}, {transform_indices = #map}, {transform_indices = #map1}, {transform_indices = #map1}]} {
    %mul3A = arith.constant 2 : i32
    %mul3A_0 = arith.muli %arg1, %mul3A : i32
    %add3A = arith.addi %mul3A_0, %arg0 : i32
    %mul3A_1 = arith.constant 10000 : i32
    %mul3A_2 = arith.muli %add3A, %mul3A_1 : i32
    "tpu.region"() ({
      %run_scoped3A = tpu.sem_alloc : memref<!tpu.dma_semaphore, #tpu.memory_space<semaphore_mem>>
      %dma_start3A = tpu.memref_slice %arg2[%mul3A_2] : memref<320000xi32, #tpu.memory_space<hbm>> -> memref<10000xi32, #tpu.memory_space<hbm>>
      %dma_start3A_17 = tpu.memref_slice %arg2[%mul3A_2] : memref<320000xi32, #tpu.memory_space<hbm>> -> memref<10000xi32, #tpu.memory_space<hbm>>
      tpu.enqueue_dma source(%dma_start3A_17 : memref<10000xi32, #tpu.memory_space<hbm>>) target(%arg6 : memref<10000xi32, #tpu.memory_space<vmem>>) target_semaphore(%run_scoped3A : memref<!tpu.dma_semaphore, #tpu.memory_space<semaphore_mem>>)
      %dma_wait3A = tpu.memref_slice %arg2[%mul3A_2] : memref<320000xi32, #tpu.memory_space<hbm>> -> memref<10000xi32, #tpu.memory_space<hbm>>
      %dma_wait3A_18 = tpu.memref_slice %arg2[%mul3A_2] : memref<320000xi32, #tpu.memory_space<hbm>> -> memref<10000xi32, #tpu.memory_space<hbm>>
      tpu.wait_dma2 semaphore(%run_scoped3A : memref<!tpu.dma_semaphore, #tpu.memory_space<semaphore_mem>>) src(%dma_wait3A_18 : memref<10000xi32, #tpu.memory_space<hbm>>) dst(%arg6 : memref<10000xi32, #tpu.memory_space<vmem>>)
      tpu.yield
    }) : () -> ()
    "tpu.region"() ({
      %run_scoped3A = tpu.sem_alloc : memref<!tpu.dma_semaphore, #tpu.memory_space<semaphore_mem>>
      %dma_start3A = tpu.memref_slice %arg3[%mul3A_2] : memref<320000xi32, #tpu.memory_space<hbm>> -> memref<10000xi32, #tpu.memory_space<hbm>>
      %dma_start3A_17 = tpu.memref_slice %arg3[%mul3A_2] : memref<320000xi32, #tpu.memory_space<hbm>> -> memref<10000xi32, #tpu.memory_space<hbm>>
      tpu.enqueue_dma source(%dma_start3A_17 : memref<10000xi32, #tpu.memory_space<hbm>>) target(%arg7 : memref<10000xi32, #tpu.memory_space<vmem>>) target_semaphore(%run_scoped3A : memref<!tpu.dma_semaphore, #tpu.memory_space<semaphore_mem>>)
      %dma_wait3A = tpu.memref_slice %arg3[%mul3A_2] : memref<320000xi32, #tpu.memory_space<hbm>> -> memref<10000xi32, #tpu.memory_space<hbm>>
      %dma_wait3A_18 = tpu.memref_slice %arg3[%mul3A_2] : memref<320000xi32, #tpu.memory_space<hbm>> -> memref<10000xi32, #tpu.memory_space<hbm>>
      tpu.wait_dma2 semaphore(%run_scoped3A : memref<!tpu.dma_semaphore, #tpu.memory_space<semaphore_mem>>) src(%dma_wait3A_18 : memref<10000xi32, #tpu.memory_space<hbm>>) dst(%arg7 : memref<10000xi32, #tpu.memory_space<vmem>>)
      tpu.yield
    }) : () -> ()
    %broadcast_in_dim3A = arith.constant 0.000000e+00 : f32
    %broadcast_in_dim3A_3 = vector.broadcast %broadcast_in_dim3A : f32 to vector<16xf32>
    %scan3A = arith.constant 0 : i32
    %scan3A_4 = arith.constant 0 : i32
    %scan3A_5 = arith.constant 625 : i32
    %scan3A_6 = arith.addi %scan3A_4, %scan3A_5 : i32
    %scan3A_7 = arith.constant 1 : i32
    scf.for %scan3A_17 = %scan3A_4 to %scan3A_6 step %scan3A_7  : i32 {
      %mul3A_18 = arith.constant 16 : i32
      %mul3A_19 = arith.muli %scan3A_17, %mul3A_18 : i32
      %swap3A = arith.index_cast %mul3A_19 : i32 to index
      %swap3A_20 = tpu.vector_load %arg8[%swap3A] {strides = array<i32>} : memref<10000xf32, #tpu.memory_space<vmem>>, vector<16xf32>,
      tpu.vector_store %arg8[%swap3A], %broadcast_in_dim3A_3 {strides = array<i32>} : memref<10000xf32, #tpu.memory_space<vmem>>, vector<16xf32>,
      %mul3A_21 = arith.constant 16 : i32
      %mul3A_22 = arith.muli %scan3A_17, %mul3A_21 : i32
      %swap3A_23 = arith.index_cast %mul3A_22 : i32 to index
      %swap3A_24 = tpu.vector_load %arg9[%swap3A_23] {strides = array<i32>} : memref<10000xf32, #tpu.memory_space<vmem>>, vector<16xf32>,
      tpu.vector_store %arg9[%swap3A_23], %broadcast_in_dim3A_3 {strides = array<i32>} : memref<10000xf32, #tpu.memory_space<vmem>>, vector<16xf32>,
    }
    %scan3A_8 = arith.constant 625 : i32
    %broadcast_in_dim3A_9 = arith.constant 1.000000e+00 : f32
    %broadcast_in_dim3A_10 = vector.broadcast %broadcast_in_dim3A_9 : f32 to vector<16xf32>
    %scan3A_11 = arith.constant 0 : i32
    %scan3A_12 = arith.constant 0 : i32
    %scan3A_13 = arith.constant 625 : i32
    %scan3A_14 = arith.addi %scan3A_12, %scan3A_13 : i32
    %scan3A_15 = arith.constant 1 : i32
    scf.for %scan3A_17 = %scan3A_12 to %scan3A_14 step %scan3A_15  : i32 {
      %mul3A_18 = arith.constant 16 : i32
      %mul3A_19 = arith.muli %scan3A_17, %mul3A_18 : i32
      %get3A = arith.index_cast %mul3A_19 : i32 to index
      %get3A_20 = tpu.vector_load %arg6[%get3A] {strides = array<i32>} : memref<10000xi32, #tpu.memory_space<vmem>>, vector<16xi32>,
      %mul3A_21 = arith.constant 16 : i32
      %mul3A_22 = arith.muli %scan3A_17, %mul3A_21 : i32
      %get3A_23 = arith.index_cast %mul3A_22 : i32 to index
      %get3A_24 = tpu.vector_load %arg7[%get3A_23] {strides = array<i32>} : memref<10000xi32, #tpu.memory_space<vmem>>, vector<16xi32>,
      tpu.vector_store_idx %arg8[%get3A_20], %broadcast_in_dim3A_10 {add = true} : memref<10000xf32, #tpu.memory_space<vmem>>[vector<16xi32>], vector<16xf32>,
      tpu.vector_store_idx %arg9[%get3A_24], %broadcast_in_dim3A_10 {add = true} : memref<10000xf32, #tpu.memory_space<vmem>>[vector<16xi32>], vector<16xf32>,
    }
    %scan3A_16 = arith.constant 625 : i32
    "tpu.region"() ({
      %run_scoped3A = tpu.sem_alloc : memref<!tpu.dma_semaphore, #tpu.memory_space<semaphore_mem>>
      %dma_start3A = arith.constant 0 : i32
      %dma_start3A_17 = tpu.memref_slice %arg4[%add3A, %dma_start3A] : memref<32x10000xf32, #tpu.memory_space<hbm>> -> memref<1x10000xf32, #tpu.memory_space<hbm>>
      %dma_start3A_18 = tpu.memref_squeeze %dma_start3A_17 : memref<1x10000xf32, #tpu.memory_space<hbm>> -> memref<10000xf32, #tpu.memory_space<hbm>>
      %dma_start3A_19 = arith.constant 0 : i32
      %dma_start3A_20 = tpu.memref_slice %arg4[%add3A, %dma_start3A_19] : memref<32x10000xf32, #tpu.memory_space<hbm>> -> memref<1x10000xf32, #tpu.memory_space<hbm>>
      %dma_start3A_21 = tpu.memref_squeeze %dma_start3A_20 : memref<1x10000xf32, #tpu.memory_space<hbm>> -> memref<10000xf32, #tpu.memory_space<hbm>>
      tpu.enqueue_dma source(%arg8 : memref<10000xf32, #tpu.memory_space<vmem>>) target(%dma_start3A_21 : memref<10000xf32, #tpu.memory_space<hbm>>) target_semaphore(%run_scoped3A : memref<!tpu.dma_semaphore, #tpu.memory_space<semaphore_mem>>)
      %dma_wait3A = arith.constant 0 : i32
      %dma_wait3A_22 = tpu.memref_slice %arg4[%add3A, %dma_wait3A] : memref<32x10000xf32, #tpu.memory_space<hbm>> -> memref<1x10000xf32, #tpu.memory_space<hbm>>
      %dma_wait3A_23 = tpu.memref_squeeze %dma_wait3A_22 : memref<1x10000xf32, #tpu.memory_space<hbm>> -> memref<10000xf32, #tpu.memory_space<hbm>>
      %dma_wait3A_24 = arith.constant 0 : i32
      %dma_wait3A_25 = tpu.memref_slice %arg4[%add3A, %dma_wait3A_24] : memref<32x10000xf32, #tpu.memory_space<hbm>> -> memref<1x10000xf32, #tpu.memory_space<hbm>>
      %dma_wait3A_26 = tpu.memref_squeeze %dma_wait3A_25 : memref<1x10000xf32, #tpu.memory_space<hbm>> -> memref<10000xf32, #tpu.memory_space<hbm>>
      tpu.wait_dma2 semaphore(%run_scoped3A : memref<!tpu.dma_semaphore, #tpu.memory_space<semaphore_mem>>) src(%arg8 : memref<10000xf32, #tpu.memory_space<vmem>>) dst(%dma_wait3A_26 : memref<10000xf32, #tpu.memory_space<hbm>>)
      tpu.yield
    }) : () -> ()
    "tpu.region"() ({
      %run_scoped3A = tpu.sem_alloc : memref<!tpu.dma_semaphore, #tpu.memory_space<semaphore_mem>>
      %dma_start3A = arith.constant 0 : i32
      %dma_start3A_17 = tpu.memref_slice %arg5[%add3A, %dma_start3A] : memref<32x10000xf32, #tpu.memory_space<hbm>> -> memref<1x10000xf32, #tpu.memory_space<hbm>>
      %dma_start3A_18 = tpu.memref_squeeze %dma_start3A_17 : memref<1x10000xf32, #tpu.memory_space<hbm>> -> memref<10000xf32, #tpu.memory_space<hbm>>
      %dma_start3A_19 = arith.constant 0 : i32
      %dma_start3A_20 = tpu.memref_slice %arg5[%add3A, %dma_start3A_19] : memref<32x10000xf32, #tpu.memory_space<hbm>> -> memref<1x10000xf32, #tpu.memory_space<hbm>>
      %dma_start3A_21 = tpu.memref_squeeze %dma_start3A_20 : memref<1x10000xf32, #tpu.memory_space<hbm>> -> memref<10000xf32, #tpu.memory_space<hbm>>
      tpu.enqueue_dma source(%arg9 : memref<10000xf32, #tpu.memory_space<vmem>>) target(%dma_start3A_21 : memref<10000xf32, #tpu.memory_space<hbm>>) target_semaphore(%run_scoped3A : memref<!tpu.dma_semaphore, #tpu.memory_space<semaphore_mem>>)
      %dma_wait3A = arith.constant 0 : i32
      %dma_wait3A_22 = tpu.memref_slice %arg5[%add3A, %dma_wait3A] : memref<32x10000xf32, #tpu.memory_space<hbm>> -> memref<1x10000xf32, #tpu.memory_space<hbm>>
      %dma_wait3A_23 = tpu.memref_squeeze %dma_wait3A_22 : memref<1x10000xf32, #tpu.memory_space<hbm>> -> memref<10000xf32, #tpu.memory_space<hbm>>
      %dma_wait3A_24 = arith.constant 0 : i32
      %dma_wait3A_25 = tpu.memref_slice %arg5[%add3A, %dma_wait3A_24] : memref<32x10000xf32, #tpu.memory_space<hbm>> -> memref<1x10000xf32, #tpu.memory_space<hbm>>
      %dma_wait3A_26 = tpu.memref_squeeze %dma_wait3A_25 : memref<1x10000xf32, #tpu.memory_space<hbm>> -> memref<10000xf32, #tpu.memory_space<hbm>>
      tpu.wait_dma2 semaphore(%run_scoped3A : memref<!tpu.dma_semaphore, #tpu.memory_space<semaphore_mem>>) src(%arg9 : memref<10000xf32, #tpu.memory_space<vmem>>) dst(%dma_wait3A_26 : memref<10000xf32, #tpu.memory_space<hbm>>)
      tpu.yield
    }) : () -> ()
    return
  }
}

#map = affine_map<(d0, d1) -> (0, 0)>
#map1 = affine_map<(d0, d1) -> (0)>
#map2 = affine_map<(d0, d1) -> (0, 0, 0)>
module attributes {stable_mosaic.version = 14 : i64} {
  func.func @_sc_spmm_body(%arg0: i32, %arg1: i32, %arg2: memref<10000x128xf32, #tpu.memory_space<hbm>>, %arg3: memref<320000xi32, #tpu.memory_space<hbm>>, %arg4: memref<320000xi32, #tpu.memory_space<hbm>>, %arg5: memref<640x128xf32, #tpu.memory_space<hbm>>, %arg6: memref<2x10240x128xf32, #tpu.memory_space<hbm>>, %arg7: memref<80xi32, #tpu.memory_space<vmem>>, %arg8: memref<80xi32, #tpu.memory_space<vmem>>, %arg9: memref<80xi32, #tpu.memory_space<vmem>>, %arg10: memref<80xi32, #tpu.memory_space<vmem>>, %arg11: memref<80xi32, #tpu.memory_space<vmem>>, %arg12: memref<80xi32, #tpu.memory_space<vmem>>, %arg13: memref<80x128xf32, #tpu.memory_space<vmem>>, %arg14: memref<80x128xf32, #tpu.memory_space<vmem>>, %arg15: memref<80x128xf32, #tpu.memory_space<vmem>>, %arg16: memref<10240x128xf32, #tpu.memory_space<vmem_shared>>, %arg17: memref<!tpu.dma_semaphore, #tpu.memory_space<semaphore_mem>>, %arg18: memref<!tpu.dma_semaphore, #tpu.memory_space<semaphore_mem>>, %arg19: memref<!tpu.dma_semaphore, #tpu.memory_space<semaphore_mem>>, %arg20: memref<!tpu.dma_semaphore, #tpu.memory_space<semaphore_mem>>, %arg21: memref<!tpu.dma_semaphore, #tpu.memory_space<semaphore_mem>>, %arg22: memref<!tpu.dma_semaphore, #tpu.memory_space<semaphore_mem>>) attributes {dimension_semantics = [#tpu.dimension_semantics<core_parallel>, #tpu.dimension_semantics<subcore_parallel>], iteration_bounds = array<i64: 2, 16>, scalar_prefetch = 0 : i64, scratch_operands = 16 : i64, tpu.core_type = #tpu.core_type<sc_vector_subcore>, window_params = [{transform_indices = #map}, {transform_indices = #map1}, {transform_indices = #map1}, {transform_indices = #map}, {transform_indices = #map2}]} {
    %mul3A = arith.constant 2 : i32
    %mul3A_0 = arith.muli %arg1, %mul3A : i32
    %add3A = arith.addi %mul3A_0, %arg0 : i32
    %mul3A_1 = arith.constant 10000 : i32
    %mul3A_2 = arith.muli %add3A, %mul3A_1 : i32
    %mul3A_3 = arith.constant 640 : i32
    %mul3A_4 = arith.muli %arg1, %mul3A_3 : i32
    "tpu.region"() ({
      %run_scoped3A = tpu.sem_alloc : memref<!tpu.dma_semaphore, #tpu.memory_space<semaphore_mem>>
      %dma_start3A_93 = arith.constant 0 : i32
      %dma_start3A_94 = tpu.memref_slice %arg16[%mul3A_4, %dma_start3A_93] : memref<10240x128xf32, #tpu.memory_space<vmem_shared>> -> memref<640x128xf32, #tpu.memory_space<vmem_shared>>
      tpu.enqueue_dma source(%arg5 : memref<640x128xf32, #tpu.memory_space<hbm>>) target(%dma_start3A_94 : memref<640x128xf32, #tpu.memory_space<vmem_shared>>) target_semaphore(%run_scoped3A : memref<!tpu.dma_semaphore, #tpu.memory_space<semaphore_mem>>)
      %dma_wait3A_95 = arith.constant 0 : i32
      %dma_wait3A_96 = tpu.memref_slice %arg16[%mul3A_4, %dma_wait3A_95] : memref<10240x128xf32, #tpu.memory_space<vmem_shared>> -> memref<640x128xf32, #tpu.memory_space<vmem_shared>>
      tpu.wait_dma2 semaphore(%run_scoped3A : memref<!tpu.dma_semaphore, #tpu.memory_space<semaphore_mem>>) src(%arg5 : memref<640x128xf32, #tpu.memory_space<hbm>>) dst(%dma_wait3A_96 : memref<640x128xf32, #tpu.memory_space<vmem_shared>>)
      tpu.yield
    }) : () -> ()
    %barrier3A = arith.constant 0 : index
    tpu.barrier barrier_id(%barrier3A)
    %add3A_5 = arith.constant 0 : i32
    %add3A_6 = arith.addi %mul3A_2, %add3A_5 : i32
    "tpu.region"() ({
      %run_scoped3A = tpu.sem_alloc : memref<!tpu.dma_semaphore, #tpu.memory_space<semaphore_mem>>
      %dma_start3A_93 = tpu.memref_slice %arg3[%add3A_6] : memref<320000xi32, #tpu.memory_space<hbm>> -> memref<80xi32, #tpu.memory_space<hbm>>
      %dma_start3A_94 = tpu.memref_slice %arg3[%add3A_6] : memref<320000xi32, #tpu.memory_space<hbm>> -> memref<80xi32, #tpu.memory_space<hbm>>
      tpu.enqueue_dma source(%dma_start3A_94 : memref<80xi32, #tpu.memory_space<hbm>>) target(%arg7 : memref<80xi32, #tpu.memory_space<vmem>>) target_semaphore(%run_scoped3A : memref<!tpu.dma_semaphore, #tpu.memory_space<semaphore_mem>>)
      %dma_wait3A_95 = tpu.memref_slice %arg3[%add3A_6] : memref<320000xi32, #tpu.memory_space<hbm>> -> memref<80xi32, #tpu.memory_space<hbm>>
      %dma_wait3A_96 = tpu.memref_slice %arg3[%add3A_6] : memref<320000xi32, #tpu.memory_space<hbm>> -> memref<80xi32, #tpu.memory_space<hbm>>
      tpu.wait_dma2 semaphore(%run_scoped3A : memref<!tpu.dma_semaphore, #tpu.memory_space<semaphore_mem>>) src(%dma_wait3A_96 : memref<80xi32, #tpu.memory_space<hbm>>) dst(%arg7 : memref<80xi32, #tpu.memory_space<vmem>>)
      tpu.yield
    }) : () -> ()
    %add3A_7 = arith.constant 0 : i32
    %add3A_8 = arith.addi %mul3A_2, %add3A_7 : i32
    "tpu.region"() ({
      %run_scoped3A = tpu.sem_alloc : memref<!tpu.dma_semaphore, #tpu.memory_space<semaphore_mem>>
      %dma_start3A_93 = tpu.memref_slice %arg4[%add3A_8] : memref<320000xi32, #tpu.memory_space<hbm>> -> memref<80xi32, #tpu.memory_space<hbm>>
      %dma_start3A_94 = tpu.memref_slice %arg4[%add3A_8] : memref<320000xi32, #tpu.memory_space<hbm>> -> memref<80xi32, #tpu.memory_space<hbm>>
      tpu.enqueue_dma source(%dma_start3A_94 : memref<80xi32, #tpu.memory_space<hbm>>) target(%arg8 : memref<80xi32, #tpu.memory_space<vmem>>) target_semaphore(%run_scoped3A : memref<!tpu.dma_semaphore, #tpu.memory_space<semaphore_mem>>)
      %dma_wait3A_95 = tpu.memref_slice %arg4[%add3A_8] : memref<320000xi32, #tpu.memory_space<hbm>> -> memref<80xi32, #tpu.memory_space<hbm>>
      %dma_wait3A_96 = tpu.memref_slice %arg4[%add3A_8] : memref<320000xi32, #tpu.memory_space<hbm>> -> memref<80xi32, #tpu.memory_space<hbm>>
      tpu.wait_dma2 semaphore(%run_scoped3A : memref<!tpu.dma_semaphore, #tpu.memory_space<semaphore_mem>>) src(%dma_wait3A_96 : memref<80xi32, #tpu.memory_space<hbm>>) dst(%arg8 : memref<80xi32, #tpu.memory_space<vmem>>)
      tpu.yield
    }) : () -> ()
    %dma_start3A = arith.constant 0 : i32
    %dma_start3A_9 = arith.constant 0 : i32
    %dma_start3A_10 = tpu.memref_slice %arg2[%dma_start3A, %dma_start3A_9] : memref<10000x128xf32, #tpu.memory_space<hbm>> -> memref<10000x128xf32, #tpu.memory_space<hbm>>
    tpu.enqueue_indirect_dma source(%dma_start3A_10 : memref<10000x128xf32, #tpu.memory_space<hbm>>) target(%arg13 : memref<80x128xf32, #tpu.memory_space<vmem>>) offsets(%arg7 : memref<80xi32, #tpu.memory_space<vmem>>) semaphore(%arg17 : memref<!tpu.dma_semaphore, #tpu.memory_space<semaphore_mem>>)
    %add3A_11 = arith.constant 80 : i32
    %add3A_12 = arith.addi %mul3A_2, %add3A_11 : i32
    "tpu.region"() ({
      %run_scoped3A = tpu.sem_alloc : memref<!tpu.dma_semaphore, #tpu.memory_space<semaphore_mem>>
      %dma_start3A_93 = tpu.memref_slice %arg3[%add3A_12] : memref<320000xi32, #tpu.memory_space<hbm>> -> memref<80xi32, #tpu.memory_space<hbm>>
      %dma_start3A_94 = tpu.memref_slice %arg3[%add3A_12] : memref<320000xi32, #tpu.memory_space<hbm>> -> memref<80xi32, #tpu.memory_space<hbm>>
      tpu.enqueue_dma source(%dma_start3A_94 : memref<80xi32, #tpu.memory_space<hbm>>) target(%arg9 : memref<80xi32, #tpu.memory_space<vmem>>) target_semaphore(%run_scoped3A : memref<!tpu.dma_semaphore, #tpu.memory_space<semaphore_mem>>)
      %dma_wait3A_95 = tpu.memref_slice %arg3[%add3A_12] : memref<320000xi32, #tpu.memory_space<hbm>> -> memref<80xi32, #tpu.memory_space<hbm>>
      %dma_wait3A_96 = tpu.memref_slice %arg3[%add3A_12] : memref<320000xi32, #tpu.memory_space<hbm>> -> memref<80xi32, #tpu.memory_space<hbm>>
      tpu.wait_dma2 semaphore(%run_scoped3A : memref<!tpu.dma_semaphore, #tpu.memory_space<semaphore_mem>>) src(%dma_wait3A_96 : memref<80xi32, #tpu.memory_space<hbm>>) dst(%arg9 : memref<80xi32, #tpu.memory_space<vmem>>)
      tpu.yield
    }) : () -> ()
    %add3A_13 = arith.constant 80 : i32
    %add3A_14 = arith.addi %mul3A_2, %add3A_13 : i32
    "tpu.region"() ({
      %run_scoped3A = tpu.sem_alloc : memref<!tpu.dma_semaphore, #tpu.memory_space<semaphore_mem>>
      %dma_start3A_93 = tpu.memref_slice %arg4[%add3A_14] : memref<320000xi32, #tpu.memory_space<hbm>> -> memref<80xi32, #tpu.memory_space<hbm>>
      %dma_start3A_94 = tpu.memref_slice %arg4[%add3A_14] : memref<320000xi32, #tpu.memory_space<hbm>> -> memref<80xi32, #tpu.memory_space<hbm>>
      tpu.enqueue_dma source(%dma_start3A_94 : memref<80xi32, #tpu.memory_space<hbm>>) target(%arg10 : memref<80xi32, #tpu.memory_space<vmem>>) target_semaphore(%run_scoped3A : memref<!tpu.dma_semaphore, #tpu.memory_space<semaphore_mem>>)
      %dma_wait3A_95 = tpu.memref_slice %arg4[%add3A_14] : memref<320000xi32, #tpu.memory_space<hbm>> -> memref<80xi32, #tpu.memory_space<hbm>>
      %dma_wait3A_96 = tpu.memref_slice %arg4[%add3A_14] : memref<320000xi32, #tpu.memory_space<hbm>> -> memref<80xi32, #tpu.memory_space<hbm>>
      tpu.wait_dma2 semaphore(%run_scoped3A : memref<!tpu.dma_semaphore, #tpu.memory_space<semaphore_mem>>) src(%dma_wait3A_96 : memref<80xi32, #tpu.memory_space<hbm>>) dst(%arg10 : memref<80xi32, #tpu.memory_space<vmem>>)
      tpu.yield
    }) : () -> ()
    %dma_start3A_15 = arith.constant 0 : i32
    %dma_start3A_16 = arith.constant 0 : i32
    %dma_start3A_17 = tpu.memref_slice %arg2[%dma_start3A_15, %dma_start3A_16] : memref<10000x128xf32, #tpu.memory_space<hbm>> -> memref<10000x128xf32, #tpu.memory_space<hbm>>
    tpu.enqueue_indirect_dma source(%dma_start3A_17 : memref<10000x128xf32, #tpu.memory_space<hbm>>) target(%arg14 : memref<80x128xf32, #tpu.memory_space<vmem>>) offsets(%arg9 : memref<80xi32, #tpu.memory_space<vmem>>) semaphore(%arg18 : memref<!tpu.dma_semaphore, #tpu.memory_space<semaphore_mem>>)
    %dma_wait3A = arith.constant 0 : i32
    %dma_wait3A_18 = arith.constant 0 : i32
    %dma_wait3A_19 = tpu.memref_slice %arg2[%dma_wait3A, %dma_wait3A_18] : memref<10000x128xf32, #tpu.memory_space<hbm>> -> memref<10000x128xf32, #tpu.memory_space<hbm>>
    tpu.wait_indirect_dma semaphore(%arg17 : memref<!tpu.dma_semaphore, #tpu.memory_space<semaphore_mem>>) src(%dma_wait3A_19 : memref<10000x128xf32, #tpu.memory_space<hbm>>) dst(%arg13 : memref<80x128xf32, #tpu.memory_space<vmem>>)
    %dma_start3A_20 = arith.constant 0 : i32
    %dma_start3A_21 = arith.constant 0 : i32
    %dma_start3A_22 = tpu.memref_slice %arg16[%dma_start3A_20, %dma_start3A_21] : memref<10240x128xf32, #tpu.memory_space<vmem_shared>> -> memref<10240x128xf32, #tpu.memory_space<vmem_shared>>
    tpu.enqueue_indirect_dma source(%arg13 : memref<80x128xf32, #tpu.memory_space<vmem>>) target(%dma_start3A_22 : memref<10240x128xf32, #tpu.memory_space<vmem_shared>>) offsets(%arg8 : memref<80xi32, #tpu.memory_space<vmem>>) semaphore(%arg20 : memref<!tpu.dma_semaphore, #tpu.memory_space<semaphore_mem>>) {add = true}
    %add3A_23 = arith.constant 160 : i32
    %add3A_24 = arith.addi %mul3A_2, %add3A_23 : i32
    "tpu.region"() ({
      %run_scoped3A = tpu.sem_alloc : memref<!tpu.dma_semaphore, #tpu.memory_space<semaphore_mem>>
      %dma_start3A_93 = tpu.memref_slice %arg3[%add3A_24] : memref<320000xi32, #tpu.memory_space<hbm>> -> memref<80xi32, #tpu.memory_space<hbm>>
      %dma_start3A_94 = tpu.memref_slice %arg3[%add3A_24] : memref<320000xi32, #tpu.memory_space<hbm>> -> memref<80xi32, #tpu.memory_space<hbm>>
      tpu.enqueue_dma source(%dma_start3A_94 : memref<80xi32, #tpu.memory_space<hbm>>) target(%arg11 : memref<80xi32, #tpu.memory_space<vmem>>) target_semaphore(%run_scoped3A : memref<!tpu.dma_semaphore, #tpu.memory_space<semaphore_mem>>)
      %dma_wait3A_95 = tpu.memref_slice %arg3[%add3A_24] : memref<320000xi32, #tpu.memory_space<hbm>> -> memref<80xi32, #tpu.memory_space<hbm>>
      %dma_wait3A_96 = tpu.memref_slice %arg3[%add3A_24] : memref<320000xi32, #tpu.memory_space<hbm>> -> memref<80xi32, #tpu.memory_space<hbm>>
      tpu.wait_dma2 semaphore(%run_scoped3A : memref<!tpu.dma_semaphore, #tpu.memory_space<semaphore_mem>>) src(%dma_wait3A_96 : memref<80xi32, #tpu.memory_space<hbm>>) dst(%arg11 : memref<80xi32, #tpu.memory_space<vmem>>)
      tpu.yield
    }) : () -> ()
    %add3A_25 = arith.constant 160 : i32
    %add3A_26 = arith.addi %mul3A_2, %add3A_25 : i32
    "tpu.region"() ({
      %run_scoped3A = tpu.sem_alloc : memref<!tpu.dma_semaphore, #tpu.memory_space<semaphore_mem>>
      %dma_start3A_93 = tpu.memref_slice %arg4[%add3A_26] : memref<320000xi32, #tpu.memory_space<hbm>> -> memref<80xi32, #tpu.memory_space<hbm>>
      %dma_start3A_94 = tpu.memref_slice %arg4[%add3A_26] : memref<320000xi32, #tpu.memory_space<hbm>> -> memref<80xi32, #tpu.memory_space<hbm>>
      tpu.enqueue_dma source(%dma_start3A_94 : memref<80xi32, #tpu.memory_space<hbm>>) target(%arg12 : memref<80xi32, #tpu.memory_space<vmem>>) target_semaphore(%run_scoped3A : memref<!tpu.dma_semaphore, #tpu.memory_space<semaphore_mem>>)
      %dma_wait3A_95 = tpu.memref_slice %arg4[%add3A_26] : memref<320000xi32, #tpu.memory_space<hbm>> -> memref<80xi32, #tpu.memory_space<hbm>>
      %dma_wait3A_96 = tpu.memref_slice %arg4[%add3A_26] : memref<320000xi32, #tpu.memory_space<hbm>> -> memref<80xi32, #tpu.memory_space<hbm>>
      tpu.wait_dma2 semaphore(%run_scoped3A : memref<!tpu.dma_semaphore, #tpu.memory_space<semaphore_mem>>) src(%dma_wait3A_96 : memref<80xi32, #tpu.memory_space<hbm>>) dst(%arg12 : memref<80xi32, #tpu.memory_space<vmem>>)
      tpu.yield
    }) : () -> ()
    %dma_start3A_27 = arith.constant 0 : i32
    %dma_start3A_28 = arith.constant 0 : i32
    %dma_start3A_29 = tpu.memref_slice %arg2[%dma_start3A_27, %dma_start3A_28] : memref<10000x128xf32, #tpu.memory_space<hbm>> -> memref<10000x128xf32, #tpu.memory_space<hbm>>
    tpu.enqueue_indirect_dma source(%dma_start3A_29 : memref<10000x128xf32, #tpu.memory_space<hbm>>) target(%arg15 : memref<80x128xf32, #tpu.memory_space<vmem>>) offsets(%arg11 : memref<80xi32, #tpu.memory_space<vmem>>) semaphore(%arg19 : memref<!tpu.dma_semaphore, #tpu.memory_space<semaphore_mem>>)
    %dma_wait3A_30 = arith.constant 0 : i32
    %dma_wait3A_31 = arith.constant 0 : i32
    %dma_wait3A_32 = tpu.memref_slice %arg2[%dma_wait3A_30, %dma_wait3A_31] : memref<10000x128xf32, #tpu.memory_space<hbm>> -> memref<10000x128xf32, #tpu.memory_space<hbm>>
    tpu.wait_indirect_dma semaphore(%arg18 : memref<!tpu.dma_semaphore, #tpu.memory_space<semaphore_mem>>) src(%dma_wait3A_32 : memref<10000x128xf32, #tpu.memory_space<hbm>>) dst(%arg14 : memref<80x128xf32, #tpu.memory_space<vmem>>)
    %dma_start3A_33 = arith.constant 0 : i32
    %dma_start3A_34 = arith.constant 0 : i32
    %dma_start3A_35 = tpu.memref_slice %arg16[%dma_start3A_33, %dma_start3A_34] : memref<10240x128xf32, #tpu.memory_space<vmem_shared>> -> memref<10240x128xf32, #tpu.memory_space<vmem_shared>>
    tpu.enqueue_indirect_dma source(%arg14 : memref<80x128xf32, #tpu.memory_space<vmem>>) target(%dma_start3A_35 : memref<10240x128xf32, #tpu.memory_space<vmem_shared>>) offsets(%arg10 : memref<80xi32, #tpu.memory_space<vmem>>) semaphore(%arg21 : memref<!tpu.dma_semaphore, #tpu.memory_space<semaphore_mem>>) {add = true}
    %dma_wait3A_36 = arith.constant 0 : i32
    %dma_wait3A_37 = arith.constant 0 : i32
    %dma_wait3A_38 = tpu.memref_slice %arg16[%dma_wait3A_36, %dma_wait3A_37] : memref<10240x128xf32, #tpu.memory_space<vmem_shared>> -> memref<10240x128xf32, #tpu.memory_space<vmem_shared>>
    tpu.wait_indirect_dma semaphore(%arg20 : memref<!tpu.dma_semaphore, #tpu.memory_space<semaphore_mem>>) src(%arg13 : memref<80x128xf32, #tpu.memory_space<vmem>>) dst(%dma_wait3A_38 : memref<10240x128xf32, #tpu.memory_space<vmem_shared>>)
    %add3A_39 = arith.constant 240 : i32
    %add3A_40 = arith.addi %mul3A_2, %add3A_39 : i32
    "tpu.region"() ({
      %run_scoped3A = tpu.sem_alloc : memref<!tpu.dma_semaphore, #tpu.memory_space<semaphore_mem>>
      %dma_start3A_93 = tpu.memref_slice %arg3[%add3A_40] : memref<320000xi32, #tpu.memory_space<hbm>> -> memref<80xi32, #tpu.memory_space<hbm>>
      %dma_start3A_94 = tpu.memref_slice %arg3[%add3A_40] : memref<320000xi32, #tpu.memory_space<hbm>> -> memref<80xi32, #tpu.memory_space<hbm>>
      tpu.enqueue_dma source(%dma_start3A_94 : memref<80xi32, #tpu.memory_space<hbm>>) target(%arg7 : memref<80xi32, #tpu.memory_space<vmem>>) target_semaphore(%run_scoped3A : memref<!tpu.dma_semaphore, #tpu.memory_space<semaphore_mem>>)
      %dma_wait3A_95 = tpu.memref_slice %arg3[%add3A_40] : memref<320000xi32, #tpu.memory_space<hbm>> -> memref<80xi32, #tpu.memory_space<hbm>>
      %dma_wait3A_96 = tpu.memref_slice %arg3[%add3A_40] : memref<320000xi32, #tpu.memory_space<hbm>> -> memref<80xi32, #tpu.memory_space<hbm>>
      tpu.wait_dma2 semaphore(%run_scoped3A : memref<!tpu.dma_semaphore, #tpu.memory_space<semaphore_mem>>) src(%dma_wait3A_96 : memref<80xi32, #tpu.memory_space<hbm>>) dst(%arg7 : memref<80xi32, #tpu.memory_space<vmem>>)
      tpu.yield
    }) : () -> ()
    %add3A_41 = arith.constant 240 : i32
    %add3A_42 = arith.addi %mul3A_2, %add3A_41 : i32
    "tpu.region"() ({
      %run_scoped3A = tpu.sem_alloc : memref<!tpu.dma_semaphore, #tpu.memory_space<semaphore_mem>>
      %dma_start3A_93 = tpu.memref_slice %arg4[%add3A_42] : memref<320000xi32, #tpu.memory_space<hbm>> -> memref<80xi32, #tpu.memory_space<hbm>>
      %dma_start3A_94 = tpu.memref_slice %arg4[%add3A_42] : memref<320000xi32, #tpu.memory_space<hbm>> -> memref<80xi32, #tpu.memory_space<hbm>>
      tpu.enqueue_dma source(%dma_start3A_94 : memref<80xi32, #tpu.memory_space<hbm>>) target(%arg8 : memref<80xi32, #tpu.memory_space<vmem>>) target_semaphore(%run_scoped3A : memref<!tpu.dma_semaphore, #tpu.memory_space<semaphore_mem>>)
      %dma_wait3A_95 = tpu.memref_slice %arg4[%add3A_42] : memref<320000xi32, #tpu.memory_space<hbm>> -> memref<80xi32, #tpu.memory_space<hbm>>
      %dma_wait3A_96 = tpu.memref_slice %arg4[%add3A_42] : memref<320000xi32, #tpu.memory_space<hbm>> -> memref<80xi32, #tpu.memory_space<hbm>>
      tpu.wait_dma2 semaphore(%run_scoped3A : memref<!tpu.dma_semaphore, #tpu.memory_space<semaphore_mem>>) src(%dma_wait3A_96 : memref<80xi32, #tpu.memory_space<hbm>>) dst(%arg8 : memref<80xi32, #tpu.memory_space<vmem>>)
      tpu.yield
    }) : () -> ()
    %dma_start3A_43 = arith.constant 0 : i32
    %dma_start3A_44 = arith.constant 0 : i32
    %dma_start3A_45 = tpu.memref_slice %arg2[%dma_start3A_43, %dma_start3A_44] : memref<10000x128xf32, #tpu.memory_space<hbm>> -> memref<10000x128xf32, #tpu.memory_space<hbm>>
    tpu.enqueue_indirect_dma source(%dma_start3A_45 : memref<10000x128xf32, #tpu.memory_space<hbm>>) target(%arg13 : memref<80x128xf32, #tpu.memory_space<vmem>>) offsets(%arg7 : memref<80xi32, #tpu.memory_space<vmem>>) semaphore(%arg17 : memref<!tpu.dma_semaphore, #tpu.memory_space<semaphore_mem>>)
    %scan3A = arith.constant 0 : i32
    %scan3A_46 = arith.constant 0 : i32
    %scan3A_47 = arith.constant 40 : i32
    %scan3A_48 = arith.addi %scan3A_46, %scan3A_47 : i32
    %scan3A_49 = arith.constant 1 : i32
    scf.for %scan3A_93 = %scan3A_46 to %scan3A_48 step %scan3A_49  : i32 {
      %mul3A_94 = arith.constant 3 : i32
      %mul3A_95 = arith.muli %scan3A_93, %mul3A_94 : i32
      %add3A_96 = arith.constant 2 : i32
      %add3A_97 = arith.addi %mul3A_95, %add3A_96 : i32
      %dma_wait3A_98 = arith.constant 0 : i32
      %dma_wait3A_99 = arith.constant 0 : i32
      %dma_wait3A_100 = tpu.memref_slice %arg2[%dma_wait3A_98, %dma_wait3A_99] : memref<10000x128xf32, #tpu.memory_space<hbm>> -> memref<10000x128xf32, #tpu.memory_space<hbm>>
      tpu.wait_indirect_dma semaphore(%arg19 : memref<!tpu.dma_semaphore, #tpu.memory_space<semaphore_mem>>) src(%dma_wait3A_100 : memref<10000x128xf32, #tpu.memory_space<hbm>>) dst(%arg15 : memref<80x128xf32, #tpu.memory_space<vmem>>)
      %dma_start3A_101 = arith.constant 0 : i32
      %dma_start3A_102 = arith.constant 0 : i32
      %dma_start3A_103 = tpu.memref_slice %arg16[%dma_start3A_101, %dma_start3A_102] : memref<10240x128xf32, #tpu.memory_space<vmem_shared>> -> memref<10240x128xf32, #tpu.memory_space<vmem_shared>>
      tpu.enqueue_indirect_dma source(%arg15 : memref<80x128xf32, #tpu.memory_space<vmem>>) target(%dma_start3A_103 : memref<10240x128xf32, #tpu.memory_space<vmem_shared>>) offsets(%arg12 : memref<80xi32, #tpu.memory_space<vmem>>) semaphore(%arg22 : memref<!tpu.dma_semaphore, #tpu.memory_space<semaphore_mem>>) {add = true}
      %dma_wait3A_104 = arith.constant 0 : i32
      %dma_wait3A_105 = arith.constant 0 : i32
      %dma_wait3A_106 = tpu.memref_slice %arg16[%dma_wait3A_104, %dma_wait3A_105] : memref<10240x128xf32, #tpu.memory_space<vmem_shared>> -> memref<10240x128xf32, #tpu.memory_space<vmem_shared>>
      tpu.wait_indirect_dma semaphore(%arg21 : memref<!tpu.dma_semaphore, #tpu.memory_space<semaphore_mem>>) src(%arg14 : memref<80x128xf32, #tpu.memory_space<vmem>>) dst(%dma_wait3A_106 : memref<10240x128xf32, #tpu.memory_space<vmem_shared>>)
      %add3A_107 = arith.constant 2 : i32
      %add3A_108 = arith.addi %add3A_97, %add3A_107 : i32
      %mul3A_109 = arith.constant 80 : i32
      %mul3A_110 = arith.muli %add3A_108, %mul3A_109 : i32
      %add3A_111 = arith.addi %mul3A_2, %mul3A_110 : i32
      "tpu.region"() ({
        %run_scoped3A = tpu.sem_alloc : memref<!tpu.dma_semaphore, #tpu.memory_space<semaphore_mem>>
        %dma_start3A_162 = tpu.memref_slice %arg3[%add3A_111] : memref<320000xi32, #tpu.memory_space<hbm>> -> memref<80xi32, #tpu.memory_space<hbm>>
        %dma_start3A_163 = tpu.memref_slice %arg3[%add3A_111] : memref<320000xi32, #tpu.memory_space<hbm>> -> memref<80xi32, #tpu.memory_space<hbm>>
        tpu.enqueue_dma source(%dma_start3A_163 : memref<80xi32, #tpu.memory_space<hbm>>) target(%arg9 : memref<80xi32, #tpu.memory_space<vmem>>) target_semaphore(%run_scoped3A : memref<!tpu.dma_semaphore, #tpu.memory_space<semaphore_mem>>)
        %dma_wait3A_164 = tpu.memref_slice %arg3[%add3A_111] : memref<320000xi32, #tpu.memory_space<hbm>> -> memref<80xi32, #tpu.memory_space<hbm>>
        %dma_wait3A_165 = tpu.memref_slice %arg3[%add3A_111] : memref<320000xi32, #tpu.memory_space<hbm>> -> memref<80xi32, #tpu.memory_space<hbm>>
        tpu.wait_dma2 semaphore(%run_scoped3A : memref<!tpu.dma_semaphore, #tpu.memory_space<semaphore_mem>>) src(%dma_wait3A_165 : memref<80xi32, #tpu.memory_space<hbm>>) dst(%arg9 : memref<80xi32, #tpu.memory_space<vmem>>)
        tpu.yield
      }) : () -> ()
      %mul3A_112 = arith.constant 80 : i32
      %mul3A_113 = arith.muli %add3A_108, %mul3A_112 : i32
      %add3A_114 = arith.addi %mul3A_2, %mul3A_113 : i32
      "tpu.region"() ({
        %run_scoped3A = tpu.sem_alloc : memref<!tpu.dma_semaphore, #tpu.memory_space<semaphore_mem>>
        %dma_start3A_162 = tpu.memref_slice %arg4[%add3A_114] : memref<320000xi32, #tpu.memory_space<hbm>> -> memref<80xi32, #tpu.memory_space<hbm>>
        %dma_start3A_163 = tpu.memref_slice %arg4[%add3A_114] : memref<320000xi32, #tpu.memory_space<hbm>> -> memref<80xi32, #tpu.memory_space<hbm>>
        tpu.enqueue_dma source(%dma_start3A_163 : memref<80xi32, #tpu.memory_space<hbm>>) target(%arg10 : memref<80xi32, #tpu.memory_space<vmem>>) target_semaphore(%run_scoped3A : memref<!tpu.dma_semaphore, #tpu.memory_space<semaphore_mem>>)
        %dma_wait3A_164 = tpu.memref_slice %arg4[%add3A_114] : memref<320000xi32, #tpu.memory_space<hbm>> -> memref<80xi32, #tpu.memory_space<hbm>>
        %dma_wait3A_165 = tpu.memref_slice %arg4[%add3A_114] : memref<320000xi32, #tpu.memory_space<hbm>> -> memref<80xi32, #tpu.memory_space<hbm>>
        tpu.wait_dma2 semaphore(%run_scoped3A : memref<!tpu.dma_semaphore, #tpu.memory_space<semaphore_mem>>) src(%dma_wait3A_165 : memref<80xi32, #tpu.memory_space<hbm>>) dst(%arg10 : memref<80xi32, #tpu.memory_space<vmem>>)
        tpu.yield
      }) : () -> ()
      %dma_start3A_115 = arith.constant 0 : i32
      %dma_start3A_116 = arith.constant 0 : i32
      %dma_start3A_117 = tpu.memref_slice %arg2[%dma_start3A_115, %dma_start3A_116] : memref<10000x128xf32, #tpu.memory_space<hbm>> -> memref<10000x128xf32, #tpu.memory_space<hbm>>
      tpu.enqueue_indirect_dma source(%dma_start3A_117 : memref<10000x128xf32, #tpu.memory_space<hbm>>) target(%arg14 : memref<80x128xf32, #tpu.memory_space<vmem>>) offsets(%arg9 : memref<80xi32, #tpu.memory_space<vmem>>) semaphore(%arg18 : memref<!tpu.dma_semaphore, #tpu.memory_space<semaphore_mem>>)
      %add3A_118 = arith.constant 3 : i32
      %add3A_119 = arith.addi %mul3A_95, %add3A_118 : i32
      %dma_wait3A_120 = arith.constant 0 : i32
      %dma_wait3A_121 = arith.constant 0 : i32
      %dma_wait3A_122 = tpu.memref_slice %arg2[%dma_wait3A_120, %dma_wait3A_121] : memref<10000x128xf32, #tpu.memory_space<hbm>> -> memref<10000x128xf32, #tpu.memory_space<hbm>>
      tpu.wait_indirect_dma semaphore(%arg17 : memref<!tpu.dma_semaphore, #tpu.memory_space<semaphore_mem>>) src(%dma_wait3A_122 : memref<10000x128xf32, #tpu.memory_space<hbm>>) dst(%arg13 : memref<80x128xf32, #tpu.memory_space<vmem>>)
      %dma_start3A_123 = arith.constant 0 : i32
      %dma_start3A_124 = arith.constant 0 : i32
      %dma_start3A_125 = tpu.memref_slice %arg16[%dma_start3A_123, %dma_start3A_124] : memref<10240x128xf32, #tpu.memory_space<vmem_shared>> -> memref<10240x128xf32, #tpu.memory_space<vmem_shared>>
      tpu.enqueue_indirect_dma source(%arg13 : memref<80x128xf32, #tpu.memory_space<vmem>>) target(%dma_start3A_125 : memref<10240x128xf32, #tpu.memory_space<vmem_shared>>) offsets(%arg8 : memref<80xi32, #tpu.memory_space<vmem>>) semaphore(%arg20 : memref<!tpu.dma_semaphore, #tpu.memory_space<semaphore_mem>>) {add = true}
      %dma_wait3A_126 = arith.constant 0 : i32
      %dma_wait3A_127 = arith.constant 0 : i32
      %dma_wait3A_128 = tpu.memref_slice %arg16[%dma_wait3A_126, %dma_wait3A_127] : memref<10240x128xf32, #tpu.memory_space<vmem_shared>> -> memref<10240x128xf32, #tpu.memory_space<vmem_shared>>
      tpu.wait_indirect_dma semaphore(%arg22 : memref<!tpu.dma_semaphore, #tpu.memory_space<semaphore_mem>>) src(%arg15 : memref<80x128xf32, #tpu.memory_space<vmem>>) dst(%dma_wait3A_128 : memref<10240x128xf32, #tpu.memory_space<vmem_shared>>)
      %add3A_129 = arith.constant 2 : i32
      %add3A_130 = arith.addi %add3A_119, %add3A_129 : i32
      %mul3A_131 = arith.constant 80 : i32
      %mul3A_132 = arith.muli %add3A_130, %mul3A_131 : i32
      %add3A_133 = arith.addi %mul3A_2, %mul3A_132 : i32
      "tpu.region"() ({
        %run_scoped3A = tpu.sem_alloc : memref<!tpu.dma_semaphore, #tpu.memory_space<semaphore_mem>>
        %dma_start3A_162 = tpu.memref_slice %arg3[%add3A_133] : memref<320000xi32, #tpu.memory_space<hbm>> -> memref<80xi32, #tpu.memory_space<hbm>>
        %dma_start3A_163 = tpu.memref_slice %arg3[%add3A_133] : memref<320000xi32, #tpu.memory_space<hbm>> -> memref<80xi32, #tpu.memory_space<hbm>>
        tpu.enqueue_dma source(%dma_start3A_163 : memref<80xi32, #tpu.memory_space<hbm>>) target(%arg11 : memref<80xi32, #tpu.memory_space<vmem>>) target_semaphore(%run_scoped3A : memref<!tpu.dma_semaphore, #tpu.memory_space<semaphore_mem>>)
        %dma_wait3A_164 = tpu.memref_slice %arg3[%add3A_133] : memref<320000xi32, #tpu.memory_space<hbm>> -> memref<80xi32, #tpu.memory_space<hbm>>
        %dma_wait3A_165 = tpu.memref_slice %arg3[%add3A_133] : memref<320000xi32, #tpu.memory_space<hbm>> -> memref<80xi32, #tpu.memory_space<hbm>>
        tpu.wait_dma2 semaphore(%run_scoped3A : memref<!tpu.dma_semaphore, #tpu.memory_space<semaphore_mem>>) src(%dma_wait3A_165 : memref<80xi32, #tpu.memory_space<hbm>>) dst(%arg11 : memref<80xi32, #tpu.memory_space<vmem>>)
        tpu.yield
      }) : () -> ()
      %mul3A_134 = arith.constant 80 : i32
      %mul3A_135 = arith.muli %add3A_130, %mul3A_134 : i32
      %add3A_136 = arith.addi %mul3A_2, %mul3A_135 : i32
      "tpu.region"() ({
        %run_scoped3A = tpu.sem_alloc : memref<!tpu.dma_semaphore, #tpu.memory_space<semaphore_mem>>
        %dma_start3A_162 = tpu.memref_slice %arg4[%add3A_136] : memref<320000xi32, #tpu.memory_space<hbm>> -> memref<80xi32, #tpu.memory_space<hbm>>
        %dma_start3A_163 = tpu.memref_slice %arg4[%add3A_136] : memref<320000xi32, #tpu.memory_space<hbm>> -> memref<80xi32, #tpu.memory_space<hbm>>
        tpu.enqueue_dma source(%dma_start3A_163 : memref<80xi32, #tpu.memory_space<hbm>>) target(%arg12 : memref<80xi32, #tpu.memory_space<vmem>>) target_semaphore(%run_scoped3A : memref<!tpu.dma_semaphore, #tpu.memory_space<semaphore_mem>>)
        %dma_wait3A_164 = tpu.memref_slice %arg4[%add3A_136] : memref<320000xi32, #tpu.memory_space<hbm>> -> memref<80xi32, #tpu.memory_space<hbm>>
        %dma_wait3A_165 = tpu.memref_slice %arg4[%add3A_136] : memref<320000xi32, #tpu.memory_space<hbm>> -> memref<80xi32, #tpu.memory_space<hbm>>
        tpu.wait_dma2 semaphore(%run_scoped3A : memref<!tpu.dma_semaphore, #tpu.memory_space<semaphore_mem>>) src(%dma_wait3A_165 : memref<80xi32, #tpu.memory_space<hbm>>) dst(%arg12 : memref<80xi32, #tpu.memory_space<vmem>>)
        tpu.yield
      }) : () -> ()
      %dma_start3A_137 = arith.constant 0 : i32
      %dma_start3A_138 = arith.constant 0 : i32
      %dma_start3A_139 = tpu.memref_slice %arg2[%dma_start3A_137, %dma_start3A_138] : memref<10000x128xf32, #tpu.memory_space<hbm>> -> memref<10000x128xf32, #tpu.memory_space<hbm>>
      tpu.enqueue_indirect_dma source(%dma_start3A_139 : memref<10000x128xf32, #tpu.memory_space<hbm>>) target(%arg15 : memref<80x128xf32, #tpu.memory_space<vmem>>) offsets(%arg11 : memref<80xi32, #tpu.memory_space<vmem>>) semaphore(%arg19 : memref<!tpu.dma_semaphore, #tpu.memory_space<semaphore_mem>>)
      %add3A_140 = arith.constant 4 : i32
      %add3A_141 = arith.addi %mul3A_95, %add3A_140 : i32
      %dma_wait3A_142 = arith.constant 0 : i32
      %dma_wait3A_143 = arith.constant 0 : i32
      %dma_wait3A_144 = tpu.memref_slice %arg2[%dma_wait3A_142, %dma_wait3A_143] : memref<10000x128xf32, #tpu.memory_space<hbm>> -> memref<10000x128xf32, #tpu.memory_space<hbm>>
      tpu.wait_indirect_dma semaphore(%arg18 : memref<!tpu.dma_semaphore, #tpu.memory_space<semaphore_mem>>) src(%dma_wait3A_144 : memref<10000x128xf32, #tpu.memory_space<hbm>>) dst(%arg14 : memref<80x128xf32, #tpu.memory_space<vmem>>)
      %dma_start3A_145 = arith.constant 0 : i32
      %dma_start3A_146 = arith.constant 0 : i32
      %dma_start3A_147 = tpu.memref_slice %arg16[%dma_start3A_145, %dma_start3A_146] : memref<10240x128xf32, #tpu.memory_space<vmem_shared>> -> memref<10240x128xf32, #tpu.memory_space<vmem_shared>>
      tpu.enqueue_indirect_dma source(%arg14 : memref<80x128xf32, #tpu.memory_space<vmem>>) target(%dma_start3A_147 : memref<10240x128xf32, #tpu.memory_space<vmem_shared>>) offsets(%arg10 : memref<80xi32, #tpu.memory_space<vmem>>) semaphore(%arg21 : memref<!tpu.dma_semaphore, #tpu.memory_space<semaphore_mem>>) {add = true}
      %dma_wait3A_148 = arith.constant 0 : i32
      %dma_wait3A_149 = arith.constant 0 : i32
      %dma_wait3A_150 = tpu.memref_slice %arg16[%dma_wait3A_148, %dma_wait3A_149] : memref<10240x128xf32, #tpu.memory_space<vmem_shared>> -> memref<10240x128xf32, #tpu.memory_space<vmem_shared>>
      tpu.wait_indirect_dma semaphore(%arg20 : memref<!tpu.dma_semaphore, #tpu.memory_space<semaphore_mem>>) src(%arg13 : memref<80x128xf32, #tpu.memory_space<vmem>>) dst(%dma_wait3A_150 : memref<10240x128xf32, #tpu.memory_space<vmem_shared>>)
      %add3A_151 = arith.constant 2 : i32
      %add3A_152 = arith.addi %add3A_141, %add3A_151 : i32
      %mul3A_153 = arith.constant 80 : i32
      %mul3A_154 = arith.muli %add3A_152, %mul3A_153 : i32
      %add3A_155 = arith.addi %mul3A_2, %mul3A_154 : i32
      "tpu.region"() ({
        %run_scoped3A = tpu.sem_alloc : memref<!tpu.dma_semaphore, #tpu.memory_space<semaphore_mem>>
        %dma_start3A_162 = tpu.memref_slice %arg3[%add3A_155] : memref<320000xi32, #tpu.memory_space<hbm>> -> memref<80xi32, #tpu.memory_space<hbm>>
        %dma_start3A_163 = tpu.memref_slice %arg3[%add3A_155] : memref<320000xi32, #tpu.memory_space<hbm>> -> memref<80xi32, #tpu.memory_space<hbm>>
        tpu.enqueue_dma source(%dma_start3A_163 : memref<80xi32, #tpu.memory_space<hbm>>) target(%arg7 : memref<80xi32, #tpu.memory_space<vmem>>) target_semaphore(%run_scoped3A : memref<!tpu.dma_semaphore, #tpu.memory_space<semaphore_mem>>)
        %dma_wait3A_164 = tpu.memref_slice %arg3[%add3A_155] : memref<320000xi32, #tpu.memory_space<hbm>> -> memref<80xi32, #tpu.memory_space<hbm>>
        %dma_wait3A_165 = tpu.memref_slice %arg3[%add3A_155] : memref<320000xi32, #tpu.memory_space<hbm>> -> memref<80xi32, #tpu.memory_space<hbm>>
        tpu.wait_dma2 semaphore(%run_scoped3A : memref<!tpu.dma_semaphore, #tpu.memory_space<semaphore_mem>>) src(%dma_wait3A_165 : memref<80xi32, #tpu.memory_space<hbm>>) dst(%arg7 : memref<80xi32, #tpu.memory_space<vmem>>)
        tpu.yield
      }) : () -> ()
      %mul3A_156 = arith.constant 80 : i32
      %mul3A_157 = arith.muli %add3A_152, %mul3A_156 : i32
      %add3A_158 = arith.addi %mul3A_2, %mul3A_157 : i32
      "tpu.region"() ({
        %run_scoped3A = tpu.sem_alloc : memref<!tpu.dma_semaphore, #tpu.memory_space<semaphore_mem>>
        %dma_start3A_162 = tpu.memref_slice %arg4[%add3A_158] : memref<320000xi32, #tpu.memory_space<hbm>> -> memref<80xi32, #tpu.memory_space<hbm>>
        %dma_start3A_163 = tpu.memref_slice %arg4[%add3A_158] : memref<320000xi32, #tpu.memory_space<hbm>> -> memref<80xi32, #tpu.memory_space<hbm>>
        tpu.enqueue_dma source(%dma_start3A_163 : memref<80xi32, #tpu.memory_space<hbm>>) target(%arg8 : memref<80xi32, #tpu.memory_space<vmem>>) target_semaphore(%run_scoped3A : memref<!tpu.dma_semaphore, #tpu.memory_space<semaphore_mem>>)
        %dma_wait3A_164 = tpu.memref_slice %arg4[%add3A_158] : memref<320000xi32, #tpu.memory_space<hbm>> -> memref<80xi32, #tpu.memory_space<hbm>>
        %dma_wait3A_165 = tpu.memref_slice %arg4[%add3A_158] : memref<320000xi32, #tpu.memory_space<hbm>> -> memref<80xi32, #tpu.memory_space<hbm>>
        tpu.wait_dma2 semaphore(%run_scoped3A : memref<!tpu.dma_semaphore, #tpu.memory_space<semaphore_mem>>) src(%dma_wait3A_165 : memref<80xi32, #tpu.memory_space<hbm>>) dst(%arg8 : memref<80xi32, #tpu.memory_space<vmem>>)
        tpu.yield
      }) : () -> ()
      %dma_start3A_159 = arith.constant 0 : i32
      %dma_start3A_160 = arith.constant 0 : i32
      %dma_start3A_161 = tpu.memref_slice %arg2[%dma_start3A_159, %dma_start3A_160] : memref<10000x128xf32, #tpu.memory_space<hbm>> -> memref<10000x128xf32, #tpu.memory_space<hbm>>
      tpu.enqueue_indirect_dma source(%dma_start3A_161 : memref<10000x128xf32, #tpu.memory_space<hbm>>) target(%arg13 : memref<80x128xf32, #tpu.memory_space<vmem>>) offsets(%arg7 : memref<80xi32, #tpu.memory_space<vmem>>) semaphore(%arg17 : memref<!tpu.dma_semaphore, #tpu.memory_space<semaphore_mem>>)
    }
    %scan3A_50 = arith.constant 40 : i32
    %dma_wait3A_51 = arith.constant 0 : i32
    %dma_wait3A_52 = arith.constant 0 : i32
    %dma_wait3A_53 = tpu.memref_slice %arg2[%dma_wait3A_51, %dma_wait3A_52] : memref<10000x128xf32, #tpu.memory_space<hbm>> -> memref<10000x128xf32, #tpu.memory_space<hbm>>
    tpu.wait_indirect_dma semaphore(%arg19 : memref<!tpu.dma_semaphore, #tpu.memory_space<semaphore_mem>>) src(%dma_wait3A_53 : memref<10000x128xf32, #tpu.memory_space<hbm>>) dst(%arg15 : memref<80x128xf32, #tpu.memory_space<vmem>>)
    %dma_start3A_54 = arith.constant 0 : i32
    %dma_start3A_55 = arith.constant 0 : i32
    %dma_start3A_56 = tpu.memref_slice %arg16[%dma_start3A_54, %dma_start3A_55] : memref<10240x128xf32, #tpu.memory_space<vmem_shared>> -> memref<10240x128xf32, #tpu.memory_space<vmem_shared>>
    tpu.enqueue_indirect_dma source(%arg15 : memref<80x128xf32, #tpu.memory_space<vmem>>) target(%dma_start3A_56 : memref<10240x128xf32, #tpu.memory_space<vmem_shared>>) offsets(%arg12 : memref<80xi32, #tpu.memory_space<vmem>>) semaphore(%arg22 : memref<!tpu.dma_semaphore, #tpu.memory_space<semaphore_mem>>) {add = true}
    %dma_wait3A_57 = arith.constant 0 : i32
    %dma_wait3A_58 = arith.constant 0 : i32
    %dma_wait3A_59 = tpu.memref_slice %arg16[%dma_wait3A_57, %dma_wait3A_58] : memref<10240x128xf32, #tpu.memory_space<vmem_shared>> -> memref<10240x128xf32, #tpu.memory_space<vmem_shared>>
    tpu.wait_indirect_dma semaphore(%arg21 : memref<!tpu.dma_semaphore, #tpu.memory_space<semaphore_mem>>) src(%arg14 : memref<80x128xf32, #tpu.memory_space<vmem>>) dst(%dma_wait3A_59 : memref<10240x128xf32, #tpu.memory_space<vmem_shared>>)
    %add3A_60 = arith.constant 9920 : i32
    %add3A_61 = arith.addi %mul3A_2, %add3A_60 : i32
    "tpu.region"() ({
      %run_scoped3A = tpu.sem_alloc : memref<!tpu.dma_semaphore, #tpu.memory_space<semaphore_mem>>
      %dma_start3A_93 = tpu.memref_slice %arg3[%add3A_61] : memref<320000xi32, #tpu.memory_space<hbm>> -> memref<80xi32, #tpu.memory_space<hbm>>
      %dma_start3A_94 = tpu.memref_slice %arg3[%add3A_61] : memref<320000xi32, #tpu.memory_space<hbm>> -> memref<80xi32, #tpu.memory_space<hbm>>
      tpu.enqueue_dma source(%dma_start3A_94 : memref<80xi32, #tpu.memory_space<hbm>>) target(%arg9 : memref<80xi32, #tpu.memory_space<vmem>>) target_semaphore(%run_scoped3A : memref<!tpu.dma_semaphore, #tpu.memory_space<semaphore_mem>>)
      %dma_wait3A_95 = tpu.memref_slice %arg3[%add3A_61] : memref<320000xi32, #tpu.memory_space<hbm>> -> memref<80xi32, #tpu.memory_space<hbm>>
      %dma_wait3A_96 = tpu.memref_slice %arg3[%add3A_61] : memref<320000xi32, #tpu.memory_space<hbm>> -> memref<80xi32, #tpu.memory_space<hbm>>
      tpu.wait_dma2 semaphore(%run_scoped3A : memref<!tpu.dma_semaphore, #tpu.memory_space<semaphore_mem>>) src(%dma_wait3A_96 : memref<80xi32, #tpu.memory_space<hbm>>) dst(%arg9 : memref<80xi32, #tpu.memory_space<vmem>>)
      tpu.yield
    }) : () -> ()
    %add3A_62 = arith.constant 9920 : i32
    %add3A_63 = arith.addi %mul3A_2, %add3A_62 : i32
    "tpu.region"() ({
      %run_scoped3A = tpu.sem_alloc : memref<!tpu.dma_semaphore, #tpu.memory_space<semaphore_mem>>
      %dma_start3A_93 = tpu.memref_slice %arg4[%add3A_63] : memref<320000xi32, #tpu.memory_space<hbm>> -> memref<80xi32, #tpu.memory_space<hbm>>
      %dma_start3A_94 = tpu.memref_slice %arg4[%add3A_63] : memref<320000xi32, #tpu.memory_space<hbm>> -> memref<80xi32, #tpu.memory_space<hbm>>
      tpu.enqueue_dma source(%dma_start3A_94 : memref<80xi32, #tpu.memory_space<hbm>>) target(%arg10 : memref<80xi32, #tpu.memory_space<vmem>>) target_semaphore(%run_scoped3A : memref<!tpu.dma_semaphore, #tpu.memory_space<semaphore_mem>>)
      %dma_wait3A_95 = tpu.memref_slice %arg4[%add3A_63] : memref<320000xi32, #tpu.memory_space<hbm>> -> memref<80xi32, #tpu.memory_space<hbm>>
      %dma_wait3A_96 = tpu.memref_slice %arg4[%add3A_63] : memref<320000xi32, #tpu.memory_space<hbm>> -> memref<80xi32, #tpu.memory_space<hbm>>
      tpu.wait_dma2 semaphore(%run_scoped3A : memref<!tpu.dma_semaphore, #tpu.memory_space<semaphore_mem>>) src(%dma_wait3A_96 : memref<80xi32, #tpu.memory_space<hbm>>) dst(%arg10 : memref<80xi32, #tpu.memory_space<vmem>>)
      tpu.yield
    }) : () -> ()
    %dma_start3A_64 = arith.constant 0 : i32
    %dma_start3A_65 = arith.constant 0 : i32
    %dma_start3A_66 = tpu.memref_slice %arg2[%dma_start3A_64, %dma_start3A_65] : memref<10000x128xf32, #tpu.memory_space<hbm>> -> memref<10000x128xf32, #tpu.memory_space<hbm>>
    tpu.enqueue_indirect_dma source(%dma_start3A_66 : memref<10000x128xf32, #tpu.memory_space<hbm>>) target(%arg14 : memref<80x128xf32, #tpu.memory_space<vmem>>) offsets(%arg9 : memref<80xi32, #tpu.memory_space<vmem>>) semaphore(%arg18 : memref<!tpu.dma_semaphore, #tpu.memory_space<semaphore_mem>>)
    %dma_wait3A_67 = arith.constant 0 : i32
    %dma_wait3A_68 = arith.constant 0 : i32
    %dma_wait3A_69 = tpu.memref_slice %arg2[%dma_wait3A_67, %dma_wait3A_68] : memref<10000x128xf32, #tpu.memory_space<hbm>> -> memref<10000x128xf32, #tpu.memory_space<hbm>>
    tpu.wait_indirect_dma semaphore(%arg17 : memref<!tpu.dma_semaphore, #tpu.memory_space<semaphore_mem>>) src(%dma_wait3A_69 : memref<10000x128xf32, #tpu.memory_space<hbm>>) dst(%arg13 : memref<80x128xf32, #tpu.memory_space<vmem>>)
    %dma_start3A_70 = arith.constant 0 : i32
    %dma_start3A_71 = arith.constant 0 : i32
    %dma_start3A_72 = tpu.memref_slice %arg16[%dma_start3A_70, %dma_start3A_71] : memref<10240x128xf32, #tpu.memory_space<vmem_shared>> -> memref<10240x128xf32, #tpu.memory_space<vmem_shared>>
    tpu.enqueue_indirect_dma source(%arg13 : memref<80x128xf32, #tpu.memory_space<vmem>>) target(%dma_start3A_72 : memref<10240x128xf32, #tpu.memory_space<vmem_shared>>) offsets(%arg8 : memref<80xi32, #tpu.memory_space<vmem>>) semaphore(%arg20 : memref<!tpu.dma_semaphore, #tpu.memory_space<semaphore_mem>>) {add = true}
    %dma_wait3A_73 = arith.constant 0 : i32
    %dma_wait3A_74 = arith.constant 0 : i32
    %dma_wait3A_75 = tpu.memref_slice %arg16[%dma_wait3A_73, %dma_wait3A_74] : memref<10240x128xf32, #tpu.memory_space<vmem_shared>> -> memref<10240x128xf32, #tpu.memory_space<vmem_shared>>
    tpu.wait_indirect_dma semaphore(%arg22 : memref<!tpu.dma_semaphore, #tpu.memory_space<semaphore_mem>>) src(%arg15 : memref<80x128xf32, #tpu.memory_space<vmem>>) dst(%dma_wait3A_75 : memref<10240x128xf32, #tpu.memory_space<vmem_shared>>)
    %dma_wait3A_76 = arith.constant 0 : i32
    %dma_wait3A_77 = arith.constant 0 : i32
    %dma_wait3A_78 = tpu.memref_slice %arg2[%dma_wait3A_76, %dma_wait3A_77] : memref<10000x128xf32, #tpu.memory_space<hbm>> -> memref<10000x128xf32, #tpu.memory_space<hbm>>
    tpu.wait_indirect_dma semaphore(%arg18 : memref<!tpu.dma_semaphore, #tpu.memory_space<semaphore_mem>>) src(%dma_wait3A_78 : memref<10000x128xf32, #tpu.memory_space<hbm>>) dst(%arg14 : memref<80x128xf32, #tpu.memory_space<vmem>>)
    %dma_start3A_79 = arith.constant 0 : i32
    %dma_start3A_80 = arith.constant 0 : i32
    %dma_start3A_81 = tpu.memref_slice %arg16[%dma_start3A_79, %dma_start3A_80] : memref<10240x128xf32, #tpu.memory_space<vmem_shared>> -> memref<10240x128xf32, #tpu.memory_space<vmem_shared>>
    tpu.enqueue_indirect_dma source(%arg14 : memref<80x128xf32, #tpu.memory_space<vmem>>) target(%dma_start3A_81 : memref<10240x128xf32, #tpu.memory_space<vmem_shared>>) offsets(%arg10 : memref<80xi32, #tpu.memory_space<vmem>>) semaphore(%arg21 : memref<!tpu.dma_semaphore, #tpu.memory_space<semaphore_mem>>) {add = true}
    %dma_wait3A_82 = arith.constant 0 : i32
    %dma_wait3A_83 = arith.constant 0 : i32
    %dma_wait3A_84 = tpu.memref_slice %arg16[%dma_wait3A_82, %dma_wait3A_83] : memref<10240x128xf32, #tpu.memory_space<vmem_shared>> -> memref<10240x128xf32, #tpu.memory_space<vmem_shared>>
    tpu.wait_indirect_dma semaphore(%arg20 : memref<!tpu.dma_semaphore, #tpu.memory_space<semaphore_mem>>) src(%arg13 : memref<80x128xf32, #tpu.memory_space<vmem>>) dst(%dma_wait3A_84 : memref<10240x128xf32, #tpu.memory_space<vmem_shared>>)
    %dma_wait3A_85 = arith.constant 0 : i32
    %dma_wait3A_86 = arith.constant 0 : i32
    %dma_wait3A_87 = tpu.memref_slice %arg16[%dma_wait3A_85, %dma_wait3A_86] : memref<10240x128xf32, #tpu.memory_space<vmem_shared>> -> memref<10240x128xf32, #tpu.memory_space<vmem_shared>>
    tpu.wait_indirect_dma semaphore(%arg21 : memref<!tpu.dma_semaphore, #tpu.memory_space<semaphore_mem>>) src(%arg14 : memref<80x128xf32, #tpu.memory_space<vmem>>) dst(%dma_wait3A_87 : memref<10240x128xf32, #tpu.memory_space<vmem_shared>>)
    %barrier3A_88 = arith.constant 0 : index
    tpu.barrier barrier_id(%barrier3A_88)
    %mul3A_89 = arith.constant 640 : i32
    %mul3A_90 = arith.muli %arg1, %mul3A_89 : i32
    %mul3A_91 = arith.constant 640 : i32
    %mul3A_92 = arith.muli %arg1, %mul3A_91 : i32
    "tpu.region"() ({
      %run_scoped3A = tpu.sem_alloc : memref<!tpu.dma_semaphore, #tpu.memory_space<semaphore_mem>>
      %dma_start3A_93 = arith.constant 0 : i32
      %dma_start3A_94 = tpu.memref_slice %arg6[%arg0, %mul3A_92, %dma_start3A_93] : memref<2x10240x128xf32, #tpu.memory_space<hbm>> -> memref<1x640x128xf32, #tpu.memory_space<hbm>>
      %dma_start3A_95 = tpu.memref_squeeze %dma_start3A_94 : memref<1x640x128xf32, #tpu.memory_space<hbm>> -> memref<640x128xf32, #tpu.memory_space<hbm>>
      %dma_start3A_96 = arith.constant 0 : i32
      %dma_start3A_97 = tpu.memref_slice %arg16[%mul3A_90, %dma_start3A_96] : memref<10240x128xf32, #tpu.memory_space<vmem_shared>> -> memref<640x128xf32, #tpu.memory_space<vmem_shared>>
      tpu.enqueue_dma source(%dma_start3A_97 : memref<640x128xf32, #tpu.memory_space<vmem_shared>>) target(%dma_start3A_95 : memref<640x128xf32, #tpu.memory_space<hbm>>) target_semaphore(%run_scoped3A : memref<!tpu.dma_semaphore, #tpu.memory_space<semaphore_mem>>)
      %dma_wait3A_98 = arith.constant 0 : i32
      %dma_wait3A_99 = tpu.memref_slice %arg6[%arg0, %mul3A_92, %dma_wait3A_98] : memref<2x10240x128xf32, #tpu.memory_space<hbm>> -> memref<1x640x128xf32, #tpu.memory_space<hbm>>
      %dma_wait3A_100 = tpu.memref_squeeze %dma_wait3A_99 : memref<1x640x128xf32, #tpu.memory_space<hbm>> -> memref<640x128xf32, #tpu.memory_space<hbm>>
      %dma_wait3A_101 = arith.constant 0 : i32
      %dma_wait3A_102 = tpu.memref_slice %arg16[%mul3A_90, %dma_wait3A_101] : memref<10240x128xf32, #tpu.memory_space<vmem_shared>> -> memref<640x128xf32, #tpu.memory_space<vmem_shared>>
      tpu.wait_dma2 semaphore(%run_scoped3A : memref<!tpu.dma_semaphore, #tpu.memory_space<semaphore_mem>>) src(%dma_wait3A_102 : memref<640x128xf32, #tpu.memory_space<vmem_shared>>) dst(%dma_wait3A_100 : memref<640x128xf32, #tpu.memory_space<hbm>>)
      tpu.yield
    }) : () -> ()
    return
  }
}

#map = affine_map<(d0, d1) -> (0, 0)>
#map1 = affine_map<(d0, d1) -> (0)>
#map2 = affine_map<(d0, d1) -> (0, 0, 0)>
module attributes {stable_mosaic.version = 14 : i64} {
  func.func @_sc_spmm_body(%arg0: i32, %arg1: i32, %arg2: memref<10000x128xf32, #tpu.memory_space<hbm>>, %arg3: memref<320000xi32, #tpu.memory_space<hbm>>, %arg4: memref<320000xi32, #tpu.memory_space<hbm>>, %arg5: memref<640x128xf32, #tpu.memory_space<hbm>>, %arg6: memref<2x10240x128xf32, #tpu.memory_space<hbm>>, %arg7: memref<80xi32, #tpu.memory_space<vmem>>, %arg8: memref<80xi32, #tpu.memory_space<vmem>>, %arg9: memref<80xi32, #tpu.memory_space<vmem>>, %arg10: memref<80xi32, #tpu.memory_space<vmem>>, %arg11: memref<80xi32, #tpu.memory_space<vmem>>, %arg12: memref<80xi32, #tpu.memory_space<vmem>>, %arg13: memref<80x128xf32, #tpu.memory_space<vmem>>, %arg14: memref<80x128xf32, #tpu.memory_space<vmem>>, %arg15: memref<80x128xf32, #tpu.memory_space<vmem>>, %arg16: memref<10240x128xf32, #tpu.memory_space<vmem_shared>>, %arg17: memref<!tpu.dma_semaphore, #tpu.memory_space<semaphore_mem>>, %arg18: memref<!tpu.dma_semaphore, #tpu.memory_space<semaphore_mem>>, %arg19: memref<!tpu.dma_semaphore, #tpu.memory_space<semaphore_mem>>, %arg20: memref<!tpu.dma_semaphore, #tpu.memory_space<semaphore_mem>>, %arg21: memref<!tpu.dma_semaphore, #tpu.memory_space<semaphore_mem>>, %arg22: memref<!tpu.dma_semaphore, #tpu.memory_space<semaphore_mem>>) attributes {dimension_semantics = [#tpu.dimension_semantics<core_parallel>, #tpu.dimension_semantics<subcore_parallel>], iteration_bounds = array<i64: 2, 16>, scalar_prefetch = 0 : i64, scratch_operands = 16 : i64, tpu.core_type = #tpu.core_type<sc_vector_subcore>, window_params = [{transform_indices = #map}, {transform_indices = #map1}, {transform_indices = #map1}, {transform_indices = #map}, {transform_indices = #map2}]} {
    %mul3A = arith.constant 2 : i32
    %mul3A_0 = arith.muli %arg1, %mul3A : i32
    %add3A = arith.addi %mul3A_0, %arg0 : i32
    %mul3A_1 = arith.constant 10000 : i32
    %mul3A_2 = arith.muli %add3A, %mul3A_1 : i32
    %mul3A_3 = arith.constant 640 : i32
    %mul3A_4 = arith.muli %arg1, %mul3A_3 : i32
    "tpu.region"() ({
      %run_scoped3A = tpu.sem_alloc : memref<!tpu.dma_semaphore, #tpu.memory_space<semaphore_mem>>
      %dma_start3A_93 = arith.constant 0 : i32
      %dma_start3A_94 = tpu.memref_slice %arg16[%mul3A_4, %dma_start3A_93] : memref<10240x128xf32, #tpu.memory_space<vmem_shared>> -> memref<640x128xf32, #tpu.memory_space<vmem_shared>>
      tpu.enqueue_dma source(%arg5 : memref<640x128xf32, #tpu.memory_space<hbm>>) target(%dma_start3A_94 : memref<640x128xf32, #tpu.memory_space<vmem_shared>>) target_semaphore(%run_scoped3A : memref<!tpu.dma_semaphore, #tpu.memory_space<semaphore_mem>>)
      %dma_wait3A_95 = arith.constant 0 : i32
      %dma_wait3A_96 = tpu.memref_slice %arg16[%mul3A_4, %dma_wait3A_95] : memref<10240x128xf32, #tpu.memory_space<vmem_shared>> -> memref<640x128xf32, #tpu.memory_space<vmem_shared>>
      tpu.wait_dma2 semaphore(%run_scoped3A : memref<!tpu.dma_semaphore, #tpu.memory_space<semaphore_mem>>) src(%arg5 : memref<640x128xf32, #tpu.memory_space<hbm>>) dst(%dma_wait3A_96 : memref<640x128xf32, #tpu.memory_space<vmem_shared>>)
      tpu.yield
    }) : () -> ()
    %barrier3A = arith.constant 0 : index
    tpu.barrier barrier_id(%barrier3A)
    %add3A_5 = arith.constant 0 : i32
    %add3A_6 = arith.addi %mul3A_2, %add3A_5 : i32
    "tpu.region"() ({
      %run_scoped3A = tpu.sem_alloc : memref<!tpu.dma_semaphore, #tpu.memory_space<semaphore_mem>>
      %dma_start3A_93 = tpu.memref_slice %arg3[%add3A_6] : memref<320000xi32, #tpu.memory_space<hbm>> -> memref<80xi32, #tpu.memory_space<hbm>>
      %dma_start3A_94 = tpu.memref_slice %arg3[%add3A_6] : memref<320000xi32, #tpu.memory_space<hbm>> -> memref<80xi32, #tpu.memory_space<hbm>>
      tpu.enqueue_dma source(%dma_start3A_94 : memref<80xi32, #tpu.memory_space<hbm>>) target(%arg7 : memref<80xi32, #tpu.memory_space<vmem>>) target_semaphore(%run_scoped3A : memref<!tpu.dma_semaphore, #tpu.memory_space<semaphore_mem>>)
      %dma_wait3A_95 = tpu.memref_slice %arg3[%add3A_6] : memref<320000xi32, #tpu.memory_space<hbm>> -> memref<80xi32, #tpu.memory_space<hbm>>
      %dma_wait3A_96 = tpu.memref_slice %arg3[%add3A_6] : memref<320000xi32, #tpu.memory_space<hbm>> -> memref<80xi32, #tpu.memory_space<hbm>>
      tpu.wait_dma2 semaphore(%run_scoped3A : memref<!tpu.dma_semaphore, #tpu.memory_space<semaphore_mem>>) src(%dma_wait3A_96 : memref<80xi32, #tpu.memory_space<hbm>>) dst(%arg7 : memref<80xi32, #tpu.memory_space<vmem>>)
      tpu.yield
    }) : () -> ()
    %add3A_7 = arith.constant 0 : i32
    %add3A_8 = arith.addi %mul3A_2, %add3A_7 : i32
    "tpu.region"() ({
      %run_scoped3A = tpu.sem_alloc : memref<!tpu.dma_semaphore, #tpu.memory_space<semaphore_mem>>
      %dma_start3A_93 = tpu.memref_slice %arg4[%add3A_8] : memref<320000xi32, #tpu.memory_space<hbm>> -> memref<80xi32, #tpu.memory_space<hbm>>
      %dma_start3A_94 = tpu.memref_slice %arg4[%add3A_8] : memref<320000xi32, #tpu.memory_space<hbm>> -> memref<80xi32, #tpu.memory_space<hbm>>
      tpu.enqueue_dma source(%dma_start3A_94 : memref<80xi32, #tpu.memory_space<hbm>>) target(%arg8 : memref<80xi32, #tpu.memory_space<vmem>>) target_semaphore(%run_scoped3A : memref<!tpu.dma_semaphore, #tpu.memory_space<semaphore_mem>>)
      %dma_wait3A_95 = tpu.memref_slice %arg4[%add3A_8] : memref<320000xi32, #tpu.memory_space<hbm>> -> memref<80xi32, #tpu.memory_space<hbm>>
      %dma_wait3A_96 = tpu.memref_slice %arg4[%add3A_8] : memref<320000xi32, #tpu.memory_space<hbm>> -> memref<80xi32, #tpu.memory_space<hbm>>
      tpu.wait_dma2 semaphore(%run_scoped3A : memref<!tpu.dma_semaphore, #tpu.memory_space<semaphore_mem>>) src(%dma_wait3A_96 : memref<80xi32, #tpu.memory_space<hbm>>) dst(%arg8 : memref<80xi32, #tpu.memory_space<vmem>>)
      tpu.yield
    }) : () -> ()
    %dma_start3A = arith.constant 0 : i32
    %dma_start3A_9 = arith.constant 0 : i32
    %dma_start3A_10 = tpu.memref_slice %arg2[%dma_start3A, %dma_start3A_9] : memref<10000x128xf32, #tpu.memory_space<hbm>> -> memref<10000x128xf32, #tpu.memory_space<hbm>>
    tpu.enqueue_indirect_dma source(%dma_start3A_10 : memref<10000x128xf32, #tpu.memory_space<hbm>>) target(%arg13 : memref<80x128xf32, #tpu.memory_space<vmem>>) offsets(%arg7 : memref<80xi32, #tpu.memory_space<vmem>>) semaphore(%arg17 : memref<!tpu.dma_semaphore, #tpu.memory_space<semaphore_mem>>)
    %add3A_11 = arith.constant 80 : i32
    %add3A_12 = arith.addi %mul3A_2, %add3A_11 : i32
    "tpu.region"() ({
      %run_scoped3A = tpu.sem_alloc : memref<!tpu.dma_semaphore, #tpu.memory_space<semaphore_mem>>
      %dma_start3A_93 = tpu.memref_slice %arg3[%add3A_12] : memref<320000xi32, #tpu.memory_space<hbm>> -> memref<80xi32, #tpu.memory_space<hbm>>
      %dma_start3A_94 = tpu.memref_slice %arg3[%add3A_12] : memref<320000xi32, #tpu.memory_space<hbm>> -> memref<80xi32, #tpu.memory_space<hbm>>
      tpu.enqueue_dma source(%dma_start3A_94 : memref<80xi32, #tpu.memory_space<hbm>>) target(%arg9 : memref<80xi32, #tpu.memory_space<vmem>>) target_semaphore(%run_scoped3A : memref<!tpu.dma_semaphore, #tpu.memory_space<semaphore_mem>>)
      %dma_wait3A_95 = tpu.memref_slice %arg3[%add3A_12] : memref<320000xi32, #tpu.memory_space<hbm>> -> memref<80xi32, #tpu.memory_space<hbm>>
      %dma_wait3A_96 = tpu.memref_slice %arg3[%add3A_12] : memref<320000xi32, #tpu.memory_space<hbm>> -> memref<80xi32, #tpu.memory_space<hbm>>
      tpu.wait_dma2 semaphore(%run_scoped3A : memref<!tpu.dma_semaphore, #tpu.memory_space<semaphore_mem>>) src(%dma_wait3A_96 : memref<80xi32, #tpu.memory_space<hbm>>) dst(%arg9 : memref<80xi32, #tpu.memory_space<vmem>>)
      tpu.yield
    }) : () -> ()
    %add3A_13 = arith.constant 80 : i32
    %add3A_14 = arith.addi %mul3A_2, %add3A_13 : i32
    "tpu.region"() ({
      %run_scoped3A = tpu.sem_alloc : memref<!tpu.dma_semaphore, #tpu.memory_space<semaphore_mem>>
      %dma_start3A_93 = tpu.memref_slice %arg4[%add3A_14] : memref<320000xi32, #tpu.memory_space<hbm>> -> memref<80xi32, #tpu.memory_space<hbm>>
      %dma_start3A_94 = tpu.memref_slice %arg4[%add3A_14] : memref<320000xi32, #tpu.memory_space<hbm>> -> memref<80xi32, #tpu.memory_space<hbm>>
      tpu.enqueue_dma source(%dma_start3A_94 : memref<80xi32, #tpu.memory_space<hbm>>) target(%arg10 : memref<80xi32, #tpu.memory_space<vmem>>) target_semaphore(%run_scoped3A : memref<!tpu.dma_semaphore, #tpu.memory_space<semaphore_mem>>)
      %dma_wait3A_95 = tpu.memref_slice %arg4[%add3A_14] : memref<320000xi32, #tpu.memory_space<hbm>> -> memref<80xi32, #tpu.memory_space<hbm>>
      %dma_wait3A_96 = tpu.memref_slice %arg4[%add3A_14] : memref<320000xi32, #tpu.memory_space<hbm>> -> memref<80xi32, #tpu.memory_space<hbm>>
      tpu.wait_dma2 semaphore(%run_scoped3A : memref<!tpu.dma_semaphore, #tpu.memory_space<semaphore_mem>>) src(%dma_wait3A_96 : memref<80xi32, #tpu.memory_space<hbm>>) dst(%arg10 : memref<80xi32, #tpu.memory_space<vmem>>)
      tpu.yield
    }) : () -> ()
    %dma_start3A_15 = arith.constant 0 : i32
    %dma_start3A_16 = arith.constant 0 : i32
    %dma_start3A_17 = tpu.memref_slice %arg2[%dma_start3A_15, %dma_start3A_16] : memref<10000x128xf32, #tpu.memory_space<hbm>> -> memref<10000x128xf32, #tpu.memory_space<hbm>>
    tpu.enqueue_indirect_dma source(%dma_start3A_17 : memref<10000x128xf32, #tpu.memory_space<hbm>>) target(%arg14 : memref<80x128xf32, #tpu.memory_space<vmem>>) offsets(%arg9 : memref<80xi32, #tpu.memory_space<vmem>>) semaphore(%arg18 : memref<!tpu.dma_semaphore, #tpu.memory_space<semaphore_mem>>)
    %dma_wait3A = arith.constant 0 : i32
    %dma_wait3A_18 = arith.constant 0 : i32
    %dma_wait3A_19 = tpu.memref_slice %arg2[%dma_wait3A, %dma_wait3A_18] : memref<10000x128xf32, #tpu.memory_space<hbm>> -> memref<10000x128xf32, #tpu.memory_space<hbm>>
    tpu.wait_indirect_dma semaphore(%arg17 : memref<!tpu.dma_semaphore, #tpu.memory_space<semaphore_mem>>) src(%dma_wait3A_19 : memref<10000x128xf32, #tpu.memory_space<hbm>>) dst(%arg13 : memref<80x128xf32, #tpu.memory_space<vmem>>)
    %dma_start3A_20 = arith.constant 0 : i32
    %dma_start3A_21 = arith.constant 0 : i32
    %dma_start3A_22 = tpu.memref_slice %arg16[%dma_start3A_20, %dma_start3A_21] : memref<10240x128xf32, #tpu.memory_space<vmem_shared>> -> memref<10240x128xf32, #tpu.memory_space<vmem_shared>>
    tpu.enqueue_indirect_dma source(%arg13 : memref<80x128xf32, #tpu.memory_space<vmem>>) target(%dma_start3A_22 : memref<10240x128xf32, #tpu.memory_space<vmem_shared>>) offsets(%arg8 : memref<80xi32, #tpu.memory_space<vmem>>) semaphore(%arg20 : memref<!tpu.dma_semaphore, #tpu.memory_space<semaphore_mem>>) {add = true}
    %add3A_23 = arith.constant 160 : i32
    %add3A_24 = arith.addi %mul3A_2, %add3A_23 : i32
    "tpu.region"() ({
      %run_scoped3A = tpu.sem_alloc : memref<!tpu.dma_semaphore, #tpu.memory_space<semaphore_mem>>
      %dma_start3A_93 = tpu.memref_slice %arg3[%add3A_24] : memref<320000xi32, #tpu.memory_space<hbm>> -> memref<80xi32, #tpu.memory_space<hbm>>
      %dma_start3A_94 = tpu.memref_slice %arg3[%add3A_24] : memref<320000xi32, #tpu.memory_space<hbm>> -> memref<80xi32, #tpu.memory_space<hbm>>
      tpu.enqueue_dma source(%dma_start3A_94 : memref<80xi32, #tpu.memory_space<hbm>>) target(%arg11 : memref<80xi32, #tpu.memory_space<vmem>>) target_semaphore(%run_scoped3A : memref<!tpu.dma_semaphore, #tpu.memory_space<semaphore_mem>>)
      %dma_wait3A_95 = tpu.memref_slice %arg3[%add3A_24] : memref<320000xi32, #tpu.memory_space<hbm>> -> memref<80xi32, #tpu.memory_space<hbm>>
      %dma_wait3A_96 = tpu.memref_slice %arg3[%add3A_24] : memref<320000xi32, #tpu.memory_space<hbm>> -> memref<80xi32, #tpu.memory_space<hbm>>
      tpu.wait_dma2 semaphore(%run_scoped3A : memref<!tpu.dma_semaphore, #tpu.memory_space<semaphore_mem>>) src(%dma_wait3A_96 : memref<80xi32, #tpu.memory_space<hbm>>) dst(%arg11 : memref<80xi32, #tpu.memory_space<vmem>>)
      tpu.yield
    }) : () -> ()
    %add3A_25 = arith.constant 160 : i32
    %add3A_26 = arith.addi %mul3A_2, %add3A_25 : i32
    "tpu.region"() ({
      %run_scoped3A = tpu.sem_alloc : memref<!tpu.dma_semaphore, #tpu.memory_space<semaphore_mem>>
      %dma_start3A_93 = tpu.memref_slice %arg4[%add3A_26] : memref<320000xi32, #tpu.memory_space<hbm>> -> memref<80xi32, #tpu.memory_space<hbm>>
      %dma_start3A_94 = tpu.memref_slice %arg4[%add3A_26] : memref<320000xi32, #tpu.memory_space<hbm>> -> memref<80xi32, #tpu.memory_space<hbm>>
      tpu.enqueue_dma source(%dma_start3A_94 : memref<80xi32, #tpu.memory_space<hbm>>) target(%arg12 : memref<80xi32, #tpu.memory_space<vmem>>) target_semaphore(%run_scoped3A : memref<!tpu.dma_semaphore, #tpu.memory_space<semaphore_mem>>)
      %dma_wait3A_95 = tpu.memref_slice %arg4[%add3A_26] : memref<320000xi32, #tpu.memory_space<hbm>> -> memref<80xi32, #tpu.memory_space<hbm>>
      %dma_wait3A_96 = tpu.memref_slice %arg4[%add3A_26] : memref<320000xi32, #tpu.memory_space<hbm>> -> memref<80xi32, #tpu.memory_space<hbm>>
      tpu.wait_dma2 semaphore(%run_scoped3A : memref<!tpu.dma_semaphore, #tpu.memory_space<semaphore_mem>>) src(%dma_wait3A_96 : memref<80xi32, #tpu.memory_space<hbm>>) dst(%arg12 : memref<80xi32, #tpu.memory_space<vmem>>)
      tpu.yield
    }) : () -> ()
    %dma_start3A_27 = arith.constant 0 : i32
    %dma_start3A_28 = arith.constant 0 : i32
    %dma_start3A_29 = tpu.memref_slice %arg2[%dma_start3A_27, %dma_start3A_28] : memref<10000x128xf32, #tpu.memory_space<hbm>> -> memref<10000x128xf32, #tpu.memory_space<hbm>>
    tpu.enqueue_indirect_dma source(%dma_start3A_29 : memref<10000x128xf32, #tpu.memory_space<hbm>>) target(%arg15 : memref<80x128xf32, #tpu.memory_space<vmem>>) offsets(%arg11 : memref<80xi32, #tpu.memory_space<vmem>>) semaphore(%arg19 : memref<!tpu.dma_semaphore, #tpu.memory_space<semaphore_mem>>)
    %dma_wait3A_30 = arith.constant 0 : i32
    %dma_wait3A_31 = arith.constant 0 : i32
    %dma_wait3A_32 = tpu.memref_slice %arg2[%dma_wait3A_30, %dma_wait3A_31] : memref<10000x128xf32, #tpu.memory_space<hbm>> -> memref<10000x128xf32, #tpu.memory_space<hbm>>
    tpu.wait_indirect_dma semaphore(%arg18 : memref<!tpu.dma_semaphore, #tpu.memory_space<semaphore_mem>>) src(%dma_wait3A_32 : memref<10000x128xf32, #tpu.memory_space<hbm>>) dst(%arg14 : memref<80x128xf32, #tpu.memory_space<vmem>>)
    %dma_start3A_33 = arith.constant 0 : i32
    %dma_start3A_34 = arith.constant 0 : i32
    %dma_start3A_35 = tpu.memref_slice %arg16[%dma_start3A_33, %dma_start3A_34] : memref<10240x128xf32, #tpu.memory_space<vmem_shared>> -> memref<10240x128xf32, #tpu.memory_space<vmem_shared>>
    tpu.enqueue_indirect_dma source(%arg14 : memref<80x128xf32, #tpu.memory_space<vmem>>) target(%dma_start3A_35 : memref<10240x128xf32, #tpu.memory_space<vmem_shared>>) offsets(%arg10 : memref<80xi32, #tpu.memory_space<vmem>>) semaphore(%arg21 : memref<!tpu.dma_semaphore, #tpu.memory_space<semaphore_mem>>) {add = true}
    %dma_wait3A_36 = arith.constant 0 : i32
    %dma_wait3A_37 = arith.constant 0 : i32
    %dma_wait3A_38 = tpu.memref_slice %arg16[%dma_wait3A_36, %dma_wait3A_37] : memref<10240x128xf32, #tpu.memory_space<vmem_shared>> -> memref<10240x128xf32, #tpu.memory_space<vmem_shared>>
    tpu.wait_indirect_dma semaphore(%arg20 : memref<!tpu.dma_semaphore, #tpu.memory_space<semaphore_mem>>) src(%arg13 : memref<80x128xf32, #tpu.memory_space<vmem>>) dst(%dma_wait3A_38 : memref<10240x128xf32, #tpu.memory_space<vmem_shared>>)
    %add3A_39 = arith.constant 240 : i32
    %add3A_40 = arith.addi %mul3A_2, %add3A_39 : i32
    "tpu.region"() ({
      %run_scoped3A = tpu.sem_alloc : memref<!tpu.dma_semaphore, #tpu.memory_space<semaphore_mem>>
      %dma_start3A_93 = tpu.memref_slice %arg3[%add3A_40] : memref<320000xi32, #tpu.memory_space<hbm>> -> memref<80xi32, #tpu.memory_space<hbm>>
      %dma_start3A_94 = tpu.memref_slice %arg3[%add3A_40] : memref<320000xi32, #tpu.memory_space<hbm>> -> memref<80xi32, #tpu.memory_space<hbm>>
      tpu.enqueue_dma source(%dma_start3A_94 : memref<80xi32, #tpu.memory_space<hbm>>) target(%arg7 : memref<80xi32, #tpu.memory_space<vmem>>) target_semaphore(%run_scoped3A : memref<!tpu.dma_semaphore, #tpu.memory_space<semaphore_mem>>)
      %dma_wait3A_95 = tpu.memref_slice %arg3[%add3A_40] : memref<320000xi32, #tpu.memory_space<hbm>> -> memref<80xi32, #tpu.memory_space<hbm>>
      %dma_wait3A_96 = tpu.memref_slice %arg3[%add3A_40] : memref<320000xi32, #tpu.memory_space<hbm>> -> memref<80xi32, #tpu.memory_space<hbm>>
      tpu.wait_dma2 semaphore(%run_scoped3A : memref<!tpu.dma_semaphore, #tpu.memory_space<semaphore_mem>>) src(%dma_wait3A_96 : memref<80xi32, #tpu.memory_space<hbm>>) dst(%arg7 : memref<80xi32, #tpu.memory_space<vmem>>)
      tpu.yield
    }) : () -> ()
    %add3A_41 = arith.constant 240 : i32
    %add3A_42 = arith.addi %mul3A_2, %add3A_41 : i32
    "tpu.region"() ({
      %run_scoped3A = tpu.sem_alloc : memref<!tpu.dma_semaphore, #tpu.memory_space<semaphore_mem>>
      %dma_start3A_93 = tpu.memref_slice %arg4[%add3A_42] : memref<320000xi32, #tpu.memory_space<hbm>> -> memref<80xi32, #tpu.memory_space<hbm>>
      %dma_start3A_94 = tpu.memref_slice %arg4[%add3A_42] : memref<320000xi32, #tpu.memory_space<hbm>> -> memref<80xi32, #tpu.memory_space<hbm>>
      tpu.enqueue_dma source(%dma_start3A_94 : memref<80xi32, #tpu.memory_space<hbm>>) target(%arg8 : memref<80xi32, #tpu.memory_space<vmem>>) target_semaphore(%run_scoped3A : memref<!tpu.dma_semaphore, #tpu.memory_space<semaphore_mem>>)
      %dma_wait3A_95 = tpu.memref_slice %arg4[%add3A_42] : memref<320000xi32, #tpu.memory_space<hbm>> -> memref<80xi32, #tpu.memory_space<hbm>>
      %dma_wait3A_96 = tpu.memref_slice %arg4[%add3A_42] : memref<320000xi32, #tpu.memory_space<hbm>> -> memref<80xi32, #tpu.memory_space<hbm>>
      tpu.wait_dma2 semaphore(%run_scoped3A : memref<!tpu.dma_semaphore, #tpu.memory_space<semaphore_mem>>) src(%dma_wait3A_96 : memref<80xi32, #tpu.memory_space<hbm>>) dst(%arg8 : memref<80xi32, #tpu.memory_space<vmem>>)
      tpu.yield
    }) : () -> ()
    %dma_start3A_43 = arith.constant 0 : i32
    %dma_start3A_44 = arith.constant 0 : i32
    %dma_start3A_45 = tpu.memref_slice %arg2[%dma_start3A_43, %dma_start3A_44] : memref<10000x128xf32, #tpu.memory_space<hbm>> -> memref<10000x128xf32, #tpu.memory_space<hbm>>
    tpu.enqueue_indirect_dma source(%dma_start3A_45 : memref<10000x128xf32, #tpu.memory_space<hbm>>) target(%arg13 : memref<80x128xf32, #tpu.memory_space<vmem>>) offsets(%arg7 : memref<80xi32, #tpu.memory_space<vmem>>) semaphore(%arg17 : memref<!tpu.dma_semaphore, #tpu.memory_space<semaphore_mem>>)
    %scan3A = arith.constant 0 : i32
    %scan3A_46 = arith.constant 0 : i32
    %scan3A_47 = arith.constant 40 : i32
    %scan3A_48 = arith.addi %scan3A_46, %scan3A_47 : i32
    %scan3A_49 = arith.constant 1 : i32
    scf.for %scan3A_93 = %scan3A_46 to %scan3A_48 step %scan3A_49  : i32 {
      %mul3A_94 = arith.constant 3 : i32
      %mul3A_95 = arith.muli %scan3A_93, %mul3A_94 : i32
      %add3A_96 = arith.constant 2 : i32
      %add3A_97 = arith.addi %mul3A_95, %add3A_96 : i32
      %dma_wait3A_98 = arith.constant 0 : i32
      %dma_wait3A_99 = arith.constant 0 : i32
      %dma_wait3A_100 = tpu.memref_slice %arg2[%dma_wait3A_98, %dma_wait3A_99] : memref<10000x128xf32, #tpu.memory_space<hbm>> -> memref<10000x128xf32, #tpu.memory_space<hbm>>
      tpu.wait_indirect_dma semaphore(%arg19 : memref<!tpu.dma_semaphore, #tpu.memory_space<semaphore_mem>>) src(%dma_wait3A_100 : memref<10000x128xf32, #tpu.memory_space<hbm>>) dst(%arg15 : memref<80x128xf32, #tpu.memory_space<vmem>>)
      %dma_start3A_101 = arith.constant 0 : i32
      %dma_start3A_102 = arith.constant 0 : i32
      %dma_start3A_103 = tpu.memref_slice %arg16[%dma_start3A_101, %dma_start3A_102] : memref<10240x128xf32, #tpu.memory_space<vmem_shared>> -> memref<10240x128xf32, #tpu.memory_space<vmem_shared>>
      tpu.enqueue_indirect_dma source(%arg15 : memref<80x128xf32, #tpu.memory_space<vmem>>) target(%dma_start3A_103 : memref<10240x128xf32, #tpu.memory_space<vmem_shared>>) offsets(%arg12 : memref<80xi32, #tpu.memory_space<vmem>>) semaphore(%arg22 : memref<!tpu.dma_semaphore, #tpu.memory_space<semaphore_mem>>) {add = true}
      %dma_wait3A_104 = arith.constant 0 : i32
      %dma_wait3A_105 = arith.constant 0 : i32
      %dma_wait3A_106 = tpu.memref_slice %arg16[%dma_wait3A_104, %dma_wait3A_105] : memref<10240x128xf32, #tpu.memory_space<vmem_shared>> -> memref<10240x128xf32, #tpu.memory_space<vmem_shared>>
      tpu.wait_indirect_dma semaphore(%arg21 : memref<!tpu.dma_semaphore, #tpu.memory_space<semaphore_mem>>) src(%arg14 : memref<80x128xf32, #tpu.memory_space<vmem>>) dst(%dma_wait3A_106 : memref<10240x128xf32, #tpu.memory_space<vmem_shared>>)
      %add3A_107 = arith.constant 2 : i32
      %add3A_108 = arith.addi %add3A_97, %add3A_107 : i32
      %mul3A_109 = arith.constant 80 : i32
      %mul3A_110 = arith.muli %add3A_108, %mul3A_109 : i32
      %add3A_111 = arith.addi %mul3A_2, %mul3A_110 : i32
      "tpu.region"() ({
        %run_scoped3A = tpu.sem_alloc : memref<!tpu.dma_semaphore, #tpu.memory_space<semaphore_mem>>
        %dma_start3A_162 = tpu.memref_slice %arg3[%add3A_111] : memref<320000xi32, #tpu.memory_space<hbm>> -> memref<80xi32, #tpu.memory_space<hbm>>
        %dma_start3A_163 = tpu.memref_slice %arg3[%add3A_111] : memref<320000xi32, #tpu.memory_space<hbm>> -> memref<80xi32, #tpu.memory_space<hbm>>
        tpu.enqueue_dma source(%dma_start3A_163 : memref<80xi32, #tpu.memory_space<hbm>>) target(%arg9 : memref<80xi32, #tpu.memory_space<vmem>>) target_semaphore(%run_scoped3A : memref<!tpu.dma_semaphore, #tpu.memory_space<semaphore_mem>>)
        %dma_wait3A_164 = tpu.memref_slice %arg3[%add3A_111] : memref<320000xi32, #tpu.memory_space<hbm>> -> memref<80xi32, #tpu.memory_space<hbm>>
        %dma_wait3A_165 = tpu.memref_slice %arg3[%add3A_111] : memref<320000xi32, #tpu.memory_space<hbm>> -> memref<80xi32, #tpu.memory_space<hbm>>
        tpu.wait_dma2 semaphore(%run_scoped3A : memref<!tpu.dma_semaphore, #tpu.memory_space<semaphore_mem>>) src(%dma_wait3A_165 : memref<80xi32, #tpu.memory_space<hbm>>) dst(%arg9 : memref<80xi32, #tpu.memory_space<vmem>>)
        tpu.yield
      }) : () -> ()
      %mul3A_112 = arith.constant 80 : i32
      %mul3A_113 = arith.muli %add3A_108, %mul3A_112 : i32
      %add3A_114 = arith.addi %mul3A_2, %mul3A_113 : i32
      "tpu.region"() ({
        %run_scoped3A = tpu.sem_alloc : memref<!tpu.dma_semaphore, #tpu.memory_space<semaphore_mem>>
        %dma_start3A_162 = tpu.memref_slice %arg4[%add3A_114] : memref<320000xi32, #tpu.memory_space<hbm>> -> memref<80xi32, #tpu.memory_space<hbm>>
        %dma_start3A_163 = tpu.memref_slice %arg4[%add3A_114] : memref<320000xi32, #tpu.memory_space<hbm>> -> memref<80xi32, #tpu.memory_space<hbm>>
        tpu.enqueue_dma source(%dma_start3A_163 : memref<80xi32, #tpu.memory_space<hbm>>) target(%arg10 : memref<80xi32, #tpu.memory_space<vmem>>) target_semaphore(%run_scoped3A : memref<!tpu.dma_semaphore, #tpu.memory_space<semaphore_mem>>)
        %dma_wait3A_164 = tpu.memref_slice %arg4[%add3A_114] : memref<320000xi32, #tpu.memory_space<hbm>> -> memref<80xi32, #tpu.memory_space<hbm>>
        %dma_wait3A_165 = tpu.memref_slice %arg4[%add3A_114] : memref<320000xi32, #tpu.memory_space<hbm>> -> memref<80xi32, #tpu.memory_space<hbm>>
        tpu.wait_dma2 semaphore(%run_scoped3A : memref<!tpu.dma_semaphore, #tpu.memory_space<semaphore_mem>>) src(%dma_wait3A_165 : memref<80xi32, #tpu.memory_space<hbm>>) dst(%arg10 : memref<80xi32, #tpu.memory_space<vmem>>)
        tpu.yield
      }) : () -> ()
      %dma_start3A_115 = arith.constant 0 : i32
      %dma_start3A_116 = arith.constant 0 : i32
      %dma_start3A_117 = tpu.memref_slice %arg2[%dma_start3A_115, %dma_start3A_116] : memref<10000x128xf32, #tpu.memory_space<hbm>> -> memref<10000x128xf32, #tpu.memory_space<hbm>>
      tpu.enqueue_indirect_dma source(%dma_start3A_117 : memref<10000x128xf32, #tpu.memory_space<hbm>>) target(%arg14 : memref<80x128xf32, #tpu.memory_space<vmem>>) offsets(%arg9 : memref<80xi32, #tpu.memory_space<vmem>>) semaphore(%arg18 : memref<!tpu.dma_semaphore, #tpu.memory_space<semaphore_mem>>)
      %add3A_118 = arith.constant 3 : i32
      %add3A_119 = arith.addi %mul3A_95, %add3A_118 : i32
      %dma_wait3A_120 = arith.constant 0 : i32
      %dma_wait3A_121 = arith.constant 0 : i32
      %dma_wait3A_122 = tpu.memref_slice %arg2[%dma_wait3A_120, %dma_wait3A_121] : memref<10000x128xf32, #tpu.memory_space<hbm>> -> memref<10000x128xf32, #tpu.memory_space<hbm>>
      tpu.wait_indirect_dma semaphore(%arg17 : memref<!tpu.dma_semaphore, #tpu.memory_space<semaphore_mem>>) src(%dma_wait3A_122 : memref<10000x128xf32, #tpu.memory_space<hbm>>) dst(%arg13 : memref<80x128xf32, #tpu.memory_space<vmem>>)
      %dma_start3A_123 = arith.constant 0 : i32
      %dma_start3A_124 = arith.constant 0 : i32
      %dma_start3A_125 = tpu.memref_slice %arg16[%dma_start3A_123, %dma_start3A_124] : memref<10240x128xf32, #tpu.memory_space<vmem_shared>> -> memref<10240x128xf32, #tpu.memory_space<vmem_shared>>
      tpu.enqueue_indirect_dma source(%arg13 : memref<80x128xf32, #tpu.memory_space<vmem>>) target(%dma_start3A_125 : memref<10240x128xf32, #tpu.memory_space<vmem_shared>>) offsets(%arg8 : memref<80xi32, #tpu.memory_space<vmem>>) semaphore(%arg20 : memref<!tpu.dma_semaphore, #tpu.memory_space<semaphore_mem>>) {add = true}
      %dma_wait3A_126 = arith.constant 0 : i32
      %dma_wait3A_127 = arith.constant 0 : i32
      %dma_wait3A_128 = tpu.memref_slice %arg16[%dma_wait3A_126, %dma_wait3A_127] : memref<10240x128xf32, #tpu.memory_space<vmem_shared>> -> memref<10240x128xf32, #tpu.memory_space<vmem_shared>>
      tpu.wait_indirect_dma semaphore(%arg22 : memref<!tpu.dma_semaphore, #tpu.memory_space<semaphore_mem>>) src(%arg15 : memref<80x128xf32, #tpu.memory_space<vmem>>) dst(%dma_wait3A_128 : memref<10240x128xf32, #tpu.memory_space<vmem_shared>>)
      %add3A_129 = arith.constant 2 : i32
      %add3A_130 = arith.addi %add3A_119, %add3A_129 : i32
      %mul3A_131 = arith.constant 80 : i32
      %mul3A_132 = arith.muli %add3A_130, %mul3A_131 : i32
      %add3A_133 = arith.addi %mul3A_2, %mul3A_132 : i32
      "tpu.region"() ({
        %run_scoped3A = tpu.sem_alloc : memref<!tpu.dma_semaphore, #tpu.memory_space<semaphore_mem>>
        %dma_start3A_162 = tpu.memref_slice %arg3[%add3A_133] : memref<320000xi32, #tpu.memory_space<hbm>> -> memref<80xi32, #tpu.memory_space<hbm>>
        %dma_start3A_163 = tpu.memref_slice %arg3[%add3A_133] : memref<320000xi32, #tpu.memory_space<hbm>> -> memref<80xi32, #tpu.memory_space<hbm>>
        tpu.enqueue_dma source(%dma_start3A_163 : memref<80xi32, #tpu.memory_space<hbm>>) target(%arg11 : memref<80xi32, #tpu.memory_space<vmem>>) target_semaphore(%run_scoped3A : memref<!tpu.dma_semaphore, #tpu.memory_space<semaphore_mem>>)
        %dma_wait3A_164 = tpu.memref_slice %arg3[%add3A_133] : memref<320000xi32, #tpu.memory_space<hbm>> -> memref<80xi32, #tpu.memory_space<hbm>>
        %dma_wait3A_165 = tpu.memref_slice %arg3[%add3A_133] : memref<320000xi32, #tpu.memory_space<hbm>> -> memref<80xi32, #tpu.memory_space<hbm>>
        tpu.wait_dma2 semaphore(%run_scoped3A : memref<!tpu.dma_semaphore, #tpu.memory_space<semaphore_mem>>) src(%dma_wait3A_165 : memref<80xi32, #tpu.memory_space<hbm>>) dst(%arg11 : memref<80xi32, #tpu.memory_space<vmem>>)
        tpu.yield
      }) : () -> ()
      %mul3A_134 = arith.constant 80 : i32
      %mul3A_135 = arith.muli %add3A_130, %mul3A_134 : i32
      %add3A_136 = arith.addi %mul3A_2, %mul3A_135 : i32
      "tpu.region"() ({
        %run_scoped3A = tpu.sem_alloc : memref<!tpu.dma_semaphore, #tpu.memory_space<semaphore_mem>>
        %dma_start3A_162 = tpu.memref_slice %arg4[%add3A_136] : memref<320000xi32, #tpu.memory_space<hbm>> -> memref<80xi32, #tpu.memory_space<hbm>>
        %dma_start3A_163 = tpu.memref_slice %arg4[%add3A_136] : memref<320000xi32, #tpu.memory_space<hbm>> -> memref<80xi32, #tpu.memory_space<hbm>>
        tpu.enqueue_dma source(%dma_start3A_163 : memref<80xi32, #tpu.memory_space<hbm>>) target(%arg12 : memref<80xi32, #tpu.memory_space<vmem>>) target_semaphore(%run_scoped3A : memref<!tpu.dma_semaphore, #tpu.memory_space<semaphore_mem>>)
        %dma_wait3A_164 = tpu.memref_slice %arg4[%add3A_136] : memref<320000xi32, #tpu.memory_space<hbm>> -> memref<80xi32, #tpu.memory_space<hbm>>
        %dma_wait3A_165 = tpu.memref_slice %arg4[%add3A_136] : memref<320000xi32, #tpu.memory_space<hbm>> -> memref<80xi32, #tpu.memory_space<hbm>>
        tpu.wait_dma2 semaphore(%run_scoped3A : memref<!tpu.dma_semaphore, #tpu.memory_space<semaphore_mem>>) src(%dma_wait3A_165 : memref<80xi32, #tpu.memory_space<hbm>>) dst(%arg12 : memref<80xi32, #tpu.memory_space<vmem>>)
        tpu.yield
      }) : () -> ()
      %dma_start3A_137 = arith.constant 0 : i32
      %dma_start3A_138 = arith.constant 0 : i32
      %dma_start3A_139 = tpu.memref_slice %arg2[%dma_start3A_137, %dma_start3A_138] : memref<10000x128xf32, #tpu.memory_space<hbm>> -> memref<10000x128xf32, #tpu.memory_space<hbm>>
      tpu.enqueue_indirect_dma source(%dma_start3A_139 : memref<10000x128xf32, #tpu.memory_space<hbm>>) target(%arg15 : memref<80x128xf32, #tpu.memory_space<vmem>>) offsets(%arg11 : memref<80xi32, #tpu.memory_space<vmem>>) semaphore(%arg19 : memref<!tpu.dma_semaphore, #tpu.memory_space<semaphore_mem>>)
      %add3A_140 = arith.constant 4 : i32
      %add3A_141 = arith.addi %mul3A_95, %add3A_140 : i32
      %dma_wait3A_142 = arith.constant 0 : i32
      %dma_wait3A_143 = arith.constant 0 : i32
      %dma_wait3A_144 = tpu.memref_slice %arg2[%dma_wait3A_142, %dma_wait3A_143] : memref<10000x128xf32, #tpu.memory_space<hbm>> -> memref<10000x128xf32, #tpu.memory_space<hbm>>
      tpu.wait_indirect_dma semaphore(%arg18 : memref<!tpu.dma_semaphore, #tpu.memory_space<semaphore_mem>>) src(%dma_wait3A_144 : memref<10000x128xf32, #tpu.memory_space<hbm>>) dst(%arg14 : memref<80x128xf32, #tpu.memory_space<vmem>>)
      %dma_start3A_145 = arith.constant 0 : i32
      %dma_start3A_146 = arith.constant 0 : i32
      %dma_start3A_147 = tpu.memref_slice %arg16[%dma_start3A_145, %dma_start3A_146] : memref<10240x128xf32, #tpu.memory_space<vmem_shared>> -> memref<10240x128xf32, #tpu.memory_space<vmem_shared>>
      tpu.enqueue_indirect_dma source(%arg14 : memref<80x128xf32, #tpu.memory_space<vmem>>) target(%dma_start3A_147 : memref<10240x128xf32, #tpu.memory_space<vmem_shared>>) offsets(%arg10 : memref<80xi32, #tpu.memory_space<vmem>>) semaphore(%arg21 : memref<!tpu.dma_semaphore, #tpu.memory_space<semaphore_mem>>) {add = true}
      %dma_wait3A_148 = arith.constant 0 : i32
      %dma_wait3A_149 = arith.constant 0 : i32
      %dma_wait3A_150 = tpu.memref_slice %arg16[%dma_wait3A_148, %dma_wait3A_149] : memref<10240x128xf32, #tpu.memory_space<vmem_shared>> -> memref<10240x128xf32, #tpu.memory_space<vmem_shared>>
      tpu.wait_indirect_dma semaphore(%arg20 : memref<!tpu.dma_semaphore, #tpu.memory_space<semaphore_mem>>) src(%arg13 : memref<80x128xf32, #tpu.memory_space<vmem>>) dst(%dma_wait3A_150 : memref<10240x128xf32, #tpu.memory_space<vmem_shared>>)
      %add3A_151 = arith.constant 2 : i32
      %add3A_152 = arith.addi %add3A_141, %add3A_151 : i32
      %mul3A_153 = arith.constant 80 : i32
      %mul3A_154 = arith.muli %add3A_152, %mul3A_153 : i32
      %add3A_155 = arith.addi %mul3A_2, %mul3A_154 : i32
      "tpu.region"() ({
        %run_scoped3A = tpu.sem_alloc : memref<!tpu.dma_semaphore, #tpu.memory_space<semaphore_mem>>
        %dma_start3A_162 = tpu.memref_slice %arg3[%add3A_155] : memref<320000xi32, #tpu.memory_space<hbm>> -> memref<80xi32, #tpu.memory_space<hbm>>
        %dma_start3A_163 = tpu.memref_slice %arg3[%add3A_155] : memref<320000xi32, #tpu.memory_space<hbm>> -> memref<80xi32, #tpu.memory_space<hbm>>
        tpu.enqueue_dma source(%dma_start3A_163 : memref<80xi32, #tpu.memory_space<hbm>>) target(%arg7 : memref<80xi32, #tpu.memory_space<vmem>>) target_semaphore(%run_scoped3A : memref<!tpu.dma_semaphore, #tpu.memory_space<semaphore_mem>>)
        %dma_wait3A_164 = tpu.memref_slice %arg3[%add3A_155] : memref<320000xi32, #tpu.memory_space<hbm>> -> memref<80xi32, #tpu.memory_space<hbm>>
        %dma_wait3A_165 = tpu.memref_slice %arg3[%add3A_155] : memref<320000xi32, #tpu.memory_space<hbm>> -> memref<80xi32, #tpu.memory_space<hbm>>
        tpu.wait_dma2 semaphore(%run_scoped3A : memref<!tpu.dma_semaphore, #tpu.memory_space<semaphore_mem>>) src(%dma_wait3A_165 : memref<80xi32, #tpu.memory_space<hbm>>) dst(%arg7 : memref<80xi32, #tpu.memory_space<vmem>>)
        tpu.yield
      }) : () -> ()
      %mul3A_156 = arith.constant 80 : i32
      %mul3A_157 = arith.muli %add3A_152, %mul3A_156 : i32
      %add3A_158 = arith.addi %mul3A_2, %mul3A_157 : i32
      "tpu.region"() ({
        %run_scoped3A = tpu.sem_alloc : memref<!tpu.dma_semaphore, #tpu.memory_space<semaphore_mem>>
        %dma_start3A_162 = tpu.memref_slice %arg4[%add3A_158] : memref<320000xi32, #tpu.memory_space<hbm>> -> memref<80xi32, #tpu.memory_space<hbm>>
        %dma_start3A_163 = tpu.memref_slice %arg4[%add3A_158] : memref<320000xi32, #tpu.memory_space<hbm>> -> memref<80xi32, #tpu.memory_space<hbm>>
        tpu.enqueue_dma source(%dma_start3A_163 : memref<80xi32, #tpu.memory_space<hbm>>) target(%arg8 : memref<80xi32, #tpu.memory_space<vmem>>) target_semaphore(%run_scoped3A : memref<!tpu.dma_semaphore, #tpu.memory_space<semaphore_mem>>)
        %dma_wait3A_164 = tpu.memref_slice %arg4[%add3A_158] : memref<320000xi32, #tpu.memory_space<hbm>> -> memref<80xi32, #tpu.memory_space<hbm>>
        %dma_wait3A_165 = tpu.memref_slice %arg4[%add3A_158] : memref<320000xi32, #tpu.memory_space<hbm>> -> memref<80xi32, #tpu.memory_space<hbm>>
        tpu.wait_dma2 semaphore(%run_scoped3A : memref<!tpu.dma_semaphore, #tpu.memory_space<semaphore_mem>>) src(%dma_wait3A_165 : memref<80xi32, #tpu.memory_space<hbm>>) dst(%arg8 : memref<80xi32, #tpu.memory_space<vmem>>)
        tpu.yield
      }) : () -> ()
      %dma_start3A_159 = arith.constant 0 : i32
      %dma_start3A_160 = arith.constant 0 : i32
      %dma_start3A_161 = tpu.memref_slice %arg2[%dma_start3A_159, %dma_start3A_160] : memref<10000x128xf32, #tpu.memory_space<hbm>> -> memref<10000x128xf32, #tpu.memory_space<hbm>>
      tpu.enqueue_indirect_dma source(%dma_start3A_161 : memref<10000x128xf32, #tpu.memory_space<hbm>>) target(%arg13 : memref<80x128xf32, #tpu.memory_space<vmem>>) offsets(%arg7 : memref<80xi32, #tpu.memory_space<vmem>>) semaphore(%arg17 : memref<!tpu.dma_semaphore, #tpu.memory_space<semaphore_mem>>)
    }
    %scan3A_50 = arith.constant 40 : i32
    %dma_wait3A_51 = arith.constant 0 : i32
    %dma_wait3A_52 = arith.constant 0 : i32
    %dma_wait3A_53 = tpu.memref_slice %arg2[%dma_wait3A_51, %dma_wait3A_52] : memref<10000x128xf32, #tpu.memory_space<hbm>> -> memref<10000x128xf32, #tpu.memory_space<hbm>>
    tpu.wait_indirect_dma semaphore(%arg19 : memref<!tpu.dma_semaphore, #tpu.memory_space<semaphore_mem>>) src(%dma_wait3A_53 : memref<10000x128xf32, #tpu.memory_space<hbm>>) dst(%arg15 : memref<80x128xf32, #tpu.memory_space<vmem>>)
    %dma_start3A_54 = arith.constant 0 : i32
    %dma_start3A_55 = arith.constant 0 : i32
    %dma_start3A_56 = tpu.memref_slice %arg16[%dma_start3A_54, %dma_start3A_55] : memref<10240x128xf32, #tpu.memory_space<vmem_shared>> -> memref<10240x128xf32, #tpu.memory_space<vmem_shared>>
    tpu.enqueue_indirect_dma source(%arg15 : memref<80x128xf32, #tpu.memory_space<vmem>>) target(%dma_start3A_56 : memref<10240x128xf32, #tpu.memory_space<vmem_shared>>) offsets(%arg12 : memref<80xi32, #tpu.memory_space<vmem>>) semaphore(%arg22 : memref<!tpu.dma_semaphore, #tpu.memory_space<semaphore_mem>>) {add = true}
    %dma_wait3A_57 = arith.constant 0 : i32
    %dma_wait3A_58 = arith.constant 0 : i32
    %dma_wait3A_59 = tpu.memref_slice %arg16[%dma_wait3A_57, %dma_wait3A_58] : memref<10240x128xf32, #tpu.memory_space<vmem_shared>> -> memref<10240x128xf32, #tpu.memory_space<vmem_shared>>
    tpu.wait_indirect_dma semaphore(%arg21 : memref<!tpu.dma_semaphore, #tpu.memory_space<semaphore_mem>>) src(%arg14 : memref<80x128xf32, #tpu.memory_space<vmem>>) dst(%dma_wait3A_59 : memref<10240x128xf32, #tpu.memory_space<vmem_shared>>)
    %add3A_60 = arith.constant 9920 : i32
    %add3A_61 = arith.addi %mul3A_2, %add3A_60 : i32
    "tpu.region"() ({
      %run_scoped3A = tpu.sem_alloc : memref<!tpu.dma_semaphore, #tpu.memory_space<semaphore_mem>>
      %dma_start3A_93 = tpu.memref_slice %arg3[%add3A_61] : memref<320000xi32, #tpu.memory_space<hbm>> -> memref<80xi32, #tpu.memory_space<hbm>>
      %dma_start3A_94 = tpu.memref_slice %arg3[%add3A_61] : memref<320000xi32, #tpu.memory_space<hbm>> -> memref<80xi32, #tpu.memory_space<hbm>>
      tpu.enqueue_dma source(%dma_start3A_94 : memref<80xi32, #tpu.memory_space<hbm>>) target(%arg9 : memref<80xi32, #tpu.memory_space<vmem>>) target_semaphore(%run_scoped3A : memref<!tpu.dma_semaphore, #tpu.memory_space<semaphore_mem>>)
      %dma_wait3A_95 = tpu.memref_slice %arg3[%add3A_61] : memref<320000xi32, #tpu.memory_space<hbm>> -> memref<80xi32, #tpu.memory_space<hbm>>
      %dma_wait3A_96 = tpu.memref_slice %arg3[%add3A_61] : memref<320000xi32, #tpu.memory_space<hbm>> -> memref<80xi32, #tpu.memory_space<hbm>>
      tpu.wait_dma2 semaphore(%run_scoped3A : memref<!tpu.dma_semaphore, #tpu.memory_space<semaphore_mem>>) src(%dma_wait3A_96 : memref<80xi32, #tpu.memory_space<hbm>>) dst(%arg9 : memref<80xi32, #tpu.memory_space<vmem>>)
      tpu.yield
    }) : () -> ()
    %add3A_62 = arith.constant 9920 : i32
    %add3A_63 = arith.addi %mul3A_2, %add3A_62 : i32
    "tpu.region"() ({
      %run_scoped3A = tpu.sem_alloc : memref<!tpu.dma_semaphore, #tpu.memory_space<semaphore_mem>>
      %dma_start3A_93 = tpu.memref_slice %arg4[%add3A_63] : memref<320000xi32, #tpu.memory_space<hbm>> -> memref<80xi32, #tpu.memory_space<hbm>>
      %dma_start3A_94 = tpu.memref_slice %arg4[%add3A_63] : memref<320000xi32, #tpu.memory_space<hbm>> -> memref<80xi32, #tpu.memory_space<hbm>>
      tpu.enqueue_dma source(%dma_start3A_94 : memref<80xi32, #tpu.memory_space<hbm>>) target(%arg10 : memref<80xi32, #tpu.memory_space<vmem>>) target_semaphore(%run_scoped3A : memref<!tpu.dma_semaphore, #tpu.memory_space<semaphore_mem>>)
      %dma_wait3A_95 = tpu.memref_slice %arg4[%add3A_63] : memref<320000xi32, #tpu.memory_space<hbm>> -> memref<80xi32, #tpu.memory_space<hbm>>
      %dma_wait3A_96 = tpu.memref_slice %arg4[%add3A_63] : memref<320000xi32, #tpu.memory_space<hbm>> -> memref<80xi32, #tpu.memory_space<hbm>>
      tpu.wait_dma2 semaphore(%run_scoped3A : memref<!tpu.dma_semaphore, #tpu.memory_space<semaphore_mem>>) src(%dma_wait3A_96 : memref<80xi32, #tpu.memory_space<hbm>>) dst(%arg10 : memref<80xi32, #tpu.memory_space<vmem>>)
      tpu.yield
    }) : () -> ()
    %dma_start3A_64 = arith.constant 0 : i32
    %dma_start3A_65 = arith.constant 0 : i32
    %dma_start3A_66 = tpu.memref_slice %arg2[%dma_start3A_64, %dma_start3A_65] : memref<10000x128xf32, #tpu.memory_space<hbm>> -> memref<10000x128xf32, #tpu.memory_space<hbm>>
    tpu.enqueue_indirect_dma source(%dma_start3A_66 : memref<10000x128xf32, #tpu.memory_space<hbm>>) target(%arg14 : memref<80x128xf32, #tpu.memory_space<vmem>>) offsets(%arg9 : memref<80xi32, #tpu.memory_space<vmem>>) semaphore(%arg18 : memref<!tpu.dma_semaphore, #tpu.memory_space<semaphore_mem>>)
    %dma_wait3A_67 = arith.constant 0 : i32
    %dma_wait3A_68 = arith.constant 0 : i32
    %dma_wait3A_69 = tpu.memref_slice %arg2[%dma_wait3A_67, %dma_wait3A_68] : memref<10000x128xf32, #tpu.memory_space<hbm>> -> memref<10000x128xf32, #tpu.memory_space<hbm>>
    tpu.wait_indirect_dma semaphore(%arg17 : memref<!tpu.dma_semaphore, #tpu.memory_space<semaphore_mem>>) src(%dma_wait3A_69 : memref<10000x128xf32, #tpu.memory_space<hbm>>) dst(%arg13 : memref<80x128xf32, #tpu.memory_space<vmem>>)
    %dma_start3A_70 = arith.constant 0 : i32
    %dma_start3A_71 = arith.constant 0 : i32
    %dma_start3A_72 = tpu.memref_slice %arg16[%dma_start3A_70, %dma_start3A_71] : memref<10240x128xf32, #tpu.memory_space<vmem_shared>> -> memref<10240x128xf32, #tpu.memory_space<vmem_shared>>
    tpu.enqueue_indirect_dma source(%arg13 : memref<80x128xf32, #tpu.memory_space<vmem>>) target(%dma_start3A_72 : memref<10240x128xf32, #tpu.memory_space<vmem_shared>>) offsets(%arg8 : memref<80xi32, #tpu.memory_space<vmem>>) semaphore(%arg20 : memref<!tpu.dma_semaphore, #tpu.memory_space<semaphore_mem>>) {add = true}
    %dma_wait3A_73 = arith.constant 0 : i32
    %dma_wait3A_74 = arith.constant 0 : i32
    %dma_wait3A_75 = tpu.memref_slice %arg16[%dma_wait3A_73, %dma_wait3A_74] : memref<10240x128xf32, #tpu.memory_space<vmem_shared>> -> memref<10240x128xf32, #tpu.memory_space<vmem_shared>>
    tpu.wait_indirect_dma semaphore(%arg22 : memref<!tpu.dma_semaphore, #tpu.memory_space<semaphore_mem>>) src(%arg15 : memref<80x128xf32, #tpu.memory_space<vmem>>) dst(%dma_wait3A_75 : memref<10240x128xf32, #tpu.memory_space<vmem_shared>>)
    %dma_wait3A_76 = arith.constant 0 : i32
    %dma_wait3A_77 = arith.constant 0 : i32
    %dma_wait3A_78 = tpu.memref_slice %arg2[%dma_wait3A_76, %dma_wait3A_77] : memref<10000x128xf32, #tpu.memory_space<hbm>> -> memref<10000x128xf32, #tpu.memory_space<hbm>>
    tpu.wait_indirect_dma semaphore(%arg18 : memref<!tpu.dma_semaphore, #tpu.memory_space<semaphore_mem>>) src(%dma_wait3A_78 : memref<10000x128xf32, #tpu.memory_space<hbm>>) dst(%arg14 : memref<80x128xf32, #tpu.memory_space<vmem>>)
    %dma_start3A_79 = arith.constant 0 : i32
    %dma_start3A_80 = arith.constant 0 : i32
    %dma_start3A_81 = tpu.memref_slice %arg16[%dma_start3A_79, %dma_start3A_80] : memref<10240x128xf32, #tpu.memory_space<vmem_shared>> -> memref<10240x128xf32, #tpu.memory_space<vmem_shared>>
    tpu.enqueue_indirect_dma source(%arg14 : memref<80x128xf32, #tpu.memory_space<vmem>>) target(%dma_start3A_81 : memref<10240x128xf32, #tpu.memory_space<vmem_shared>>) offsets(%arg10 : memref<80xi32, #tpu.memory_space<vmem>>) semaphore(%arg21 : memref<!tpu.dma_semaphore, #tpu.memory_space<semaphore_mem>>) {add = true}
    %dma_wait3A_82 = arith.constant 0 : i32
    %dma_wait3A_83 = arith.constant 0 : i32
    %dma_wait3A_84 = tpu.memref_slice %arg16[%dma_wait3A_82, %dma_wait3A_83] : memref<10240x128xf32, #tpu.memory_space<vmem_shared>> -> memref<10240x128xf32, #tpu.memory_space<vmem_shared>>
    tpu.wait_indirect_dma semaphore(%arg20 : memref<!tpu.dma_semaphore, #tpu.memory_space<semaphore_mem>>) src(%arg13 : memref<80x128xf32, #tpu.memory_space<vmem>>) dst(%dma_wait3A_84 : memref<10240x128xf32, #tpu.memory_space<vmem_shared>>)
    %dma_wait3A_85 = arith.constant 0 : i32
    %dma_wait3A_86 = arith.constant 0 : i32
    %dma_wait3A_87 = tpu.memref_slice %arg16[%dma_wait3A_85, %dma_wait3A_86] : memref<10240x128xf32, #tpu.memory_space<vmem_shared>> -> memref<10240x128xf32, #tpu.memory_space<vmem_shared>>
    tpu.wait_indirect_dma semaphore(%arg21 : memref<!tpu.dma_semaphore, #tpu.memory_space<semaphore_mem>>) src(%arg14 : memref<80x128xf32, #tpu.memory_space<vmem>>) dst(%dma_wait3A_87 : memref<10240x128xf32, #tpu.memory_space<vmem_shared>>)
    %barrier3A_88 = arith.constant 0 : index
    tpu.barrier barrier_id(%barrier3A_88)
    %mul3A_89 = arith.constant 640 : i32
    %mul3A_90 = arith.muli %arg1, %mul3A_89 : i32
    %mul3A_91 = arith.constant 640 : i32
    %mul3A_92 = arith.muli %arg1, %mul3A_91 : i32
    "tpu.region"() ({
      %run_scoped3A = tpu.sem_alloc : memref<!tpu.dma_semaphore, #tpu.memory_space<semaphore_mem>>
      %dma_start3A_93 = arith.constant 0 : i32
      %dma_start3A_94 = tpu.memref_slice %arg6[%arg0, %mul3A_92, %dma_start3A_93] : memref<2x10240x128xf32, #tpu.memory_space<hbm>> -> memref<1x640x128xf32, #tpu.memory_space<hbm>>
      %dma_start3A_95 = tpu.memref_squeeze %dma_start3A_94 : memref<1x640x128xf32, #tpu.memory_space<hbm>> -> memref<640x128xf32, #tpu.memory_space<hbm>>
      %dma_start3A_96 = arith.constant 0 : i32
      %dma_start3A_97 = tpu.memref_slice %arg16[%mul3A_90, %dma_start3A_96] : memref<10240x128xf32, #tpu.memory_space<vmem_shared>> -> memref<640x128xf32, #tpu.memory_space<vmem_shared>>
      tpu.enqueue_dma source(%dma_start3A_97 : memref<640x128xf32, #tpu.memory_space<vmem_shared>>) target(%dma_start3A_95 : memref<640x128xf32, #tpu.memory_space<hbm>>) target_semaphore(%run_scoped3A : memref<!tpu.dma_semaphore, #tpu.memory_space<semaphore_mem>>)
      %dma_wait3A_98 = arith.constant 0 : i32
      %dma_wait3A_99 = tpu.memref_slice %arg6[%arg0, %mul3A_92, %dma_wait3A_98] : memref<2x10240x128xf32, #tpu.memory_space<hbm>> -> memref<1x640x128xf32, #tpu.memory_space<hbm>>
      %dma_wait3A_100 = tpu.memref_squeeze %dma_wait3A_99 : memref<1x640x128xf32, #tpu.memory_space<hbm>> -> memref<640x128xf32, #tpu.memory_space<hbm>>
      %dma_wait3A_101 = arith.constant 0 : i32
      %dma_wait3A_102 = tpu.memref_slice %arg16[%mul3A_90, %dma_wait3A_101] : memref<10240x128xf32, #tpu.memory_space<vmem_shared>> -> memref<640x128xf32, #tpu.memory_space<vmem_shared>>
      tpu.wait_dma2 semaphore(%run_scoped3A : memref<!tpu.dma_semaphore, #tpu.memory_space<semaphore_mem>>) src(%dma_wait3A_102 : memref<640x128xf32, #tpu.memory_space<vmem_shared>>) dst(%dma_wait3A_100 : memref<640x128xf32, #tpu.memory_space<hbm>>)
      tpu.yield
    }) : () -> ()
    return
  }
}

#map = affine_map<(d0, d1) -> (0, 0)>
#map1 = affine_map<(d0, d1) -> (0)>
#map2 = affine_map<(d0, d1) -> (0, 0, 0)>
module attributes {stable_mosaic.version = 14 : i64} {
  func.func @_sc_spmm_body(%arg0: i32, %arg1: i32, %arg2: memref<10000x128xf32, #tpu.memory_space<hbm>>, %arg3: memref<320000xi32, #tpu.memory_space<hbm>>, %arg4: memref<320000xi32, #tpu.memory_space<hbm>>, %arg5: memref<640x128xf32, #tpu.memory_space<hbm>>, %arg6: memref<2x10240x128xf32, #tpu.memory_space<hbm>>, %arg7: memref<80xi32, #tpu.memory_space<vmem>>, %arg8: memref<80xi32, #tpu.memory_space<vmem>>, %arg9: memref<80xi32, #tpu.memory_space<vmem>>, %arg10: memref<80xi32, #tpu.memory_space<vmem>>, %arg11: memref<80xi32, #tpu.memory_space<vmem>>, %arg12: memref<80xi32, #tpu.memory_space<vmem>>, %arg13: memref<80x128xf32, #tpu.memory_space<vmem>>, %arg14: memref<80x128xf32, #tpu.memory_space<vmem>>, %arg15: memref<80x128xf32, #tpu.memory_space<vmem>>, %arg16: memref<10240x128xf32, #tpu.memory_space<vmem_shared>>, %arg17: memref<!tpu.dma_semaphore, #tpu.memory_space<semaphore_mem>>, %arg18: memref<!tpu.dma_semaphore, #tpu.memory_space<semaphore_mem>>, %arg19: memref<!tpu.dma_semaphore, #tpu.memory_space<semaphore_mem>>, %arg20: memref<!tpu.dma_semaphore, #tpu.memory_space<semaphore_mem>>, %arg21: memref<!tpu.dma_semaphore, #tpu.memory_space<semaphore_mem>>, %arg22: memref<!tpu.dma_semaphore, #tpu.memory_space<semaphore_mem>>) attributes {dimension_semantics = [#tpu.dimension_semantics<core_parallel>, #tpu.dimension_semantics<subcore_parallel>], iteration_bounds = array<i64: 2, 16>, scalar_prefetch = 0 : i64, scratch_operands = 16 : i64, tpu.core_type = #tpu.core_type<sc_vector_subcore>, window_params = [{transform_indices = #map}, {transform_indices = #map1}, {transform_indices = #map1}, {transform_indices = #map}, {transform_indices = #map2}]} {
    %mul3A = arith.constant 2 : i32
    %mul3A_0 = arith.muli %arg1, %mul3A : i32
    %add3A = arith.addi %mul3A_0, %arg0 : i32
    %mul3A_1 = arith.constant 10000 : i32
    %mul3A_2 = arith.muli %add3A, %mul3A_1 : i32
    %mul3A_3 = arith.constant 640 : i32
    %mul3A_4 = arith.muli %arg1, %mul3A_3 : i32
    "tpu.region"() ({
      %run_scoped3A = tpu.sem_alloc : memref<!tpu.dma_semaphore, #tpu.memory_space<semaphore_mem>>
      %dma_start3A_93 = arith.constant 0 : i32
      %dma_start3A_94 = tpu.memref_slice %arg16[%mul3A_4, %dma_start3A_93] : memref<10240x128xf32, #tpu.memory_space<vmem_shared>> -> memref<640x128xf32, #tpu.memory_space<vmem_shared>>
      tpu.enqueue_dma source(%arg5 : memref<640x128xf32, #tpu.memory_space<hbm>>) target(%dma_start3A_94 : memref<640x128xf32, #tpu.memory_space<vmem_shared>>) target_semaphore(%run_scoped3A : memref<!tpu.dma_semaphore, #tpu.memory_space<semaphore_mem>>)
      %dma_wait3A_95 = arith.constant 0 : i32
      %dma_wait3A_96 = tpu.memref_slice %arg16[%mul3A_4, %dma_wait3A_95] : memref<10240x128xf32, #tpu.memory_space<vmem_shared>> -> memref<640x128xf32, #tpu.memory_space<vmem_shared>>
      tpu.wait_dma2 semaphore(%run_scoped3A : memref<!tpu.dma_semaphore, #tpu.memory_space<semaphore_mem>>) src(%arg5 : memref<640x128xf32, #tpu.memory_space<hbm>>) dst(%dma_wait3A_96 : memref<640x128xf32, #tpu.memory_space<vmem_shared>>)
      tpu.yield
    }) : () -> ()
    %barrier3A = arith.constant 0 : index
    tpu.barrier barrier_id(%barrier3A)
    %add3A_5 = arith.constant 0 : i32
    %add3A_6 = arith.addi %mul3A_2, %add3A_5 : i32
    "tpu.region"() ({
      %run_scoped3A = tpu.sem_alloc : memref<!tpu.dma_semaphore, #tpu.memory_space<semaphore_mem>>
      %dma_start3A_93 = tpu.memref_slice %arg3[%add3A_6] : memref<320000xi32, #tpu.memory_space<hbm>> -> memref<80xi32, #tpu.memory_space<hbm>>
      %dma_start3A_94 = tpu.memref_slice %arg3[%add3A_6] : memref<320000xi32, #tpu.memory_space<hbm>> -> memref<80xi32, #tpu.memory_space<hbm>>
      tpu.enqueue_dma source(%dma_start3A_94 : memref<80xi32, #tpu.memory_space<hbm>>) target(%arg7 : memref<80xi32, #tpu.memory_space<vmem>>) target_semaphore(%run_scoped3A : memref<!tpu.dma_semaphore, #tpu.memory_space<semaphore_mem>>)
      %dma_wait3A_95 = tpu.memref_slice %arg3[%add3A_6] : memref<320000xi32, #tpu.memory_space<hbm>> -> memref<80xi32, #tpu.memory_space<hbm>>
      %dma_wait3A_96 = tpu.memref_slice %arg3[%add3A_6] : memref<320000xi32, #tpu.memory_space<hbm>> -> memref<80xi32, #tpu.memory_space<hbm>>
      tpu.wait_dma2 semaphore(%run_scoped3A : memref<!tpu.dma_semaphore, #tpu.memory_space<semaphore_mem>>) src(%dma_wait3A_96 : memref<80xi32, #tpu.memory_space<hbm>>) dst(%arg7 : memref<80xi32, #tpu.memory_space<vmem>>)
      tpu.yield
    }) : () -> ()
    %add3A_7 = arith.constant 0 : i32
    %add3A_8 = arith.addi %mul3A_2, %add3A_7 : i32
    "tpu.region"() ({
      %run_scoped3A = tpu.sem_alloc : memref<!tpu.dma_semaphore, #tpu.memory_space<semaphore_mem>>
      %dma_start3A_93 = tpu.memref_slice %arg4[%add3A_8] : memref<320000xi32, #tpu.memory_space<hbm>> -> memref<80xi32, #tpu.memory_space<hbm>>
      %dma_start3A_94 = tpu.memref_slice %arg4[%add3A_8] : memref<320000xi32, #tpu.memory_space<hbm>> -> memref<80xi32, #tpu.memory_space<hbm>>
      tpu.enqueue_dma source(%dma_start3A_94 : memref<80xi32, #tpu.memory_space<hbm>>) target(%arg8 : memref<80xi32, #tpu.memory_space<vmem>>) target_semaphore(%run_scoped3A : memref<!tpu.dma_semaphore, #tpu.memory_space<semaphore_mem>>)
      %dma_wait3A_95 = tpu.memref_slice %arg4[%add3A_8] : memref<320000xi32, #tpu.memory_space<hbm>> -> memref<80xi32, #tpu.memory_space<hbm>>
      %dma_wait3A_96 = tpu.memref_slice %arg4[%add3A_8] : memref<320000xi32, #tpu.memory_space<hbm>> -> memref<80xi32, #tpu.memory_space<hbm>>
      tpu.wait_dma2 semaphore(%run_scoped3A : memref<!tpu.dma_semaphore, #tpu.memory_space<semaphore_mem>>) src(%dma_wait3A_96 : memref<80xi32, #tpu.memory_space<hbm>>) dst(%arg8 : memref<80xi32, #tpu.memory_space<vmem>>)
      tpu.yield
    }) : () -> ()
    %dma_start3A = arith.constant 0 : i32
    %dma_start3A_9 = arith.constant 0 : i32
    %dma_start3A_10 = tpu.memref_slice %arg2[%dma_start3A, %dma_start3A_9] : memref<10000x128xf32, #tpu.memory_space<hbm>> -> memref<10000x128xf32, #tpu.memory_space<hbm>>
    tpu.enqueue_indirect_dma source(%dma_start3A_10 : memref<10000x128xf32, #tpu.memory_space<hbm>>) target(%arg13 : memref<80x128xf32, #tpu.memory_space<vmem>>) offsets(%arg7 : memref<80xi32, #tpu.memory_space<vmem>>) semaphore(%arg17 : memref<!tpu.dma_semaphore, #tpu.memory_space<semaphore_mem>>)
    %add3A_11 = arith.constant 80 : i32
    %add3A_12 = arith.addi %mul3A_2, %add3A_11 : i32
    "tpu.region"() ({
      %run_scoped3A = tpu.sem_alloc : memref<!tpu.dma_semaphore, #tpu.memory_space<semaphore_mem>>
      %dma_start3A_93 = tpu.memref_slice %arg3[%add3A_12] : memref<320000xi32, #tpu.memory_space<hbm>> -> memref<80xi32, #tpu.memory_space<hbm>>
      %dma_start3A_94 = tpu.memref_slice %arg3[%add3A_12] : memref<320000xi32, #tpu.memory_space<hbm>> -> memref<80xi32, #tpu.memory_space<hbm>>
      tpu.enqueue_dma source(%dma_start3A_94 : memref<80xi32, #tpu.memory_space<hbm>>) target(%arg9 : memref<80xi32, #tpu.memory_space<vmem>>) target_semaphore(%run_scoped3A : memref<!tpu.dma_semaphore, #tpu.memory_space<semaphore_mem>>)
      %dma_wait3A_95 = tpu.memref_slice %arg3[%add3A_12] : memref<320000xi32, #tpu.memory_space<hbm>> -> memref<80xi32, #tpu.memory_space<hbm>>
      %dma_wait3A_96 = tpu.memref_slice %arg3[%add3A_12] : memref<320000xi32, #tpu.memory_space<hbm>> -> memref<80xi32, #tpu.memory_space<hbm>>
      tpu.wait_dma2 semaphore(%run_scoped3A : memref<!tpu.dma_semaphore, #tpu.memory_space<semaphore_mem>>) src(%dma_wait3A_96 : memref<80xi32, #tpu.memory_space<hbm>>) dst(%arg9 : memref<80xi32, #tpu.memory_space<vmem>>)
      tpu.yield
    }) : () -> ()
    %add3A_13 = arith.constant 80 : i32
    %add3A_14 = arith.addi %mul3A_2, %add3A_13 : i32
    "tpu.region"() ({
      %run_scoped3A = tpu.sem_alloc : memref<!tpu.dma_semaphore, #tpu.memory_space<semaphore_mem>>
      %dma_start3A_93 = tpu.memref_slice %arg4[%add3A_14] : memref<320000xi32, #tpu.memory_space<hbm>> -> memref<80xi32, #tpu.memory_space<hbm>>
      %dma_start3A_94 = tpu.memref_slice %arg4[%add3A_14] : memref<320000xi32, #tpu.memory_space<hbm>> -> memref<80xi32, #tpu.memory_space<hbm>>
      tpu.enqueue_dma source(%dma_start3A_94 : memref<80xi32, #tpu.memory_space<hbm>>) target(%arg10 : memref<80xi32, #tpu.memory_space<vmem>>) target_semaphore(%run_scoped3A : memref<!tpu.dma_semaphore, #tpu.memory_space<semaphore_mem>>)
      %dma_wait3A_95 = tpu.memref_slice %arg4[%add3A_14] : memref<320000xi32, #tpu.memory_space<hbm>> -> memref<80xi32, #tpu.memory_space<hbm>>
      %dma_wait3A_96 = tpu.memref_slice %arg4[%add3A_14] : memref<320000xi32, #tpu.memory_space<hbm>> -> memref<80xi32, #tpu.memory_space<hbm>>
      tpu.wait_dma2 semaphore(%run_scoped3A : memref<!tpu.dma_semaphore, #tpu.memory_space<semaphore_mem>>) src(%dma_wait3A_96 : memref<80xi32, #tpu.memory_space<hbm>>) dst(%arg10 : memref<80xi32, #tpu.memory_space<vmem>>)
      tpu.yield
    }) : () -> ()
    %dma_start3A_15 = arith.constant 0 : i32
    %dma_start3A_16 = arith.constant 0 : i32
    %dma_start3A_17 = tpu.memref_slice %arg2[%dma_start3A_15, %dma_start3A_16] : memref<10000x128xf32, #tpu.memory_space<hbm>> -> memref<10000x128xf32, #tpu.memory_space<hbm>>
    tpu.enqueue_indirect_dma source(%dma_start3A_17 : memref<10000x128xf32, #tpu.memory_space<hbm>>) target(%arg14 : memref<80x128xf32, #tpu.memory_space<vmem>>) offsets(%arg9 : memref<80xi32, #tpu.memory_space<vmem>>) semaphore(%arg18 : memref<!tpu.dma_semaphore, #tpu.memory_space<semaphore_mem>>)
    %dma_wait3A = arith.constant 0 : i32
    %dma_wait3A_18 = arith.constant 0 : i32
    %dma_wait3A_19 = tpu.memref_slice %arg2[%dma_wait3A, %dma_wait3A_18] : memref<10000x128xf32, #tpu.memory_space<hbm>> -> memref<10000x128xf32, #tpu.memory_space<hbm>>
    tpu.wait_indirect_dma semaphore(%arg17 : memref<!tpu.dma_semaphore, #tpu.memory_space<semaphore_mem>>) src(%dma_wait3A_19 : memref<10000x128xf32, #tpu.memory_space<hbm>>) dst(%arg13 : memref<80x128xf32, #tpu.memory_space<vmem>>)
    %dma_start3A_20 = arith.constant 0 : i32
    %dma_start3A_21 = arith.constant 0 : i32
    %dma_start3A_22 = tpu.memref_slice %arg16[%dma_start3A_20, %dma_start3A_21] : memref<10240x128xf32, #tpu.memory_space<vmem_shared>> -> memref<10240x128xf32, #tpu.memory_space<vmem_shared>>
    tpu.enqueue_indirect_dma source(%arg13 : memref<80x128xf32, #tpu.memory_space<vmem>>) target(%dma_start3A_22 : memref<10240x128xf32, #tpu.memory_space<vmem_shared>>) offsets(%arg8 : memref<80xi32, #tpu.memory_space<vmem>>) semaphore(%arg20 : memref<!tpu.dma_semaphore, #tpu.memory_space<semaphore_mem>>) {add = true}
    %add3A_23 = arith.constant 160 : i32
    %add3A_24 = arith.addi %mul3A_2, %add3A_23 : i32
    "tpu.region"() ({
      %run_scoped3A = tpu.sem_alloc : memref<!tpu.dma_semaphore, #tpu.memory_space<semaphore_mem>>
      %dma_start3A_93 = tpu.memref_slice %arg3[%add3A_24] : memref<320000xi32, #tpu.memory_space<hbm>> -> memref<80xi32, #tpu.memory_space<hbm>>
      %dma_start3A_94 = tpu.memref_slice %arg3[%add3A_24] : memref<320000xi32, #tpu.memory_space<hbm>> -> memref<80xi32, #tpu.memory_space<hbm>>
      tpu.enqueue_dma source(%dma_start3A_94 : memref<80xi32, #tpu.memory_space<hbm>>) target(%arg11 : memref<80xi32, #tpu.memory_space<vmem>>) target_semaphore(%run_scoped3A : memref<!tpu.dma_semaphore, #tpu.memory_space<semaphore_mem>>)
      %dma_wait3A_95 = tpu.memref_slice %arg3[%add3A_24] : memref<320000xi32, #tpu.memory_space<hbm>> -> memref<80xi32, #tpu.memory_space<hbm>>
      %dma_wait3A_96 = tpu.memref_slice %arg3[%add3A_24] : memref<320000xi32, #tpu.memory_space<hbm>> -> memref<80xi32, #tpu.memory_space<hbm>>
      tpu.wait_dma2 semaphore(%run_scoped3A : memref<!tpu.dma_semaphore, #tpu.memory_space<semaphore_mem>>) src(%dma_wait3A_96 : memref<80xi32, #tpu.memory_space<hbm>>) dst(%arg11 : memref<80xi32, #tpu.memory_space<vmem>>)
      tpu.yield
    }) : () -> ()
    %add3A_25 = arith.constant 160 : i32
    %add3A_26 = arith.addi %mul3A_2, %add3A_25 : i32
    "tpu.region"() ({
      %run_scoped3A = tpu.sem_alloc : memref<!tpu.dma_semaphore, #tpu.memory_space<semaphore_mem>>
      %dma_start3A_93 = tpu.memref_slice %arg4[%add3A_26] : memref<320000xi32, #tpu.memory_space<hbm>> -> memref<80xi32, #tpu.memory_space<hbm>>
      %dma_start3A_94 = tpu.memref_slice %arg4[%add3A_26] : memref<320000xi32, #tpu.memory_space<hbm>> -> memref<80xi32, #tpu.memory_space<hbm>>
      tpu.enqueue_dma source(%dma_start3A_94 : memref<80xi32, #tpu.memory_space<hbm>>) target(%arg12 : memref<80xi32, #tpu.memory_space<vmem>>) target_semaphore(%run_scoped3A : memref<!tpu.dma_semaphore, #tpu.memory_space<semaphore_mem>>)
      %dma_wait3A_95 = tpu.memref_slice %arg4[%add3A_26] : memref<320000xi32, #tpu.memory_space<hbm>> -> memref<80xi32, #tpu.memory_space<hbm>>
      %dma_wait3A_96 = tpu.memref_slice %arg4[%add3A_26] : memref<320000xi32, #tpu.memory_space<hbm>> -> memref<80xi32, #tpu.memory_space<hbm>>
      tpu.wait_dma2 semaphore(%run_scoped3A : memref<!tpu.dma_semaphore, #tpu.memory_space<semaphore_mem>>) src(%dma_wait3A_96 : memref<80xi32, #tpu.memory_space<hbm>>) dst(%arg12 : memref<80xi32, #tpu.memory_space<vmem>>)
      tpu.yield
    }) : () -> ()
    %dma_start3A_27 = arith.constant 0 : i32
    %dma_start3A_28 = arith.constant 0 : i32
    %dma_start3A_29 = tpu.memref_slice %arg2[%dma_start3A_27, %dma_start3A_28] : memref<10000x128xf32, #tpu.memory_space<hbm>> -> memref<10000x128xf32, #tpu.memory_space<hbm>>
    tpu.enqueue_indirect_dma source(%dma_start3A_29 : memref<10000x128xf32, #tpu.memory_space<hbm>>) target(%arg15 : memref<80x128xf32, #tpu.memory_space<vmem>>) offsets(%arg11 : memref<80xi32, #tpu.memory_space<vmem>>) semaphore(%arg19 : memref<!tpu.dma_semaphore, #tpu.memory_space<semaphore_mem>>)
    %dma_wait3A_30 = arith.constant 0 : i32
    %dma_wait3A_31 = arith.constant 0 : i32
    %dma_wait3A_32 = tpu.memref_slice %arg2[%dma_wait3A_30, %dma_wait3A_31] : memref<10000x128xf32, #tpu.memory_space<hbm>> -> memref<10000x128xf32, #tpu.memory_space<hbm>>
    tpu.wait_indirect_dma semaphore(%arg18 : memref<!tpu.dma_semaphore, #tpu.memory_space<semaphore_mem>>) src(%dma_wait3A_32 : memref<10000x128xf32, #tpu.memory_space<hbm>>) dst(%arg14 : memref<80x128xf32, #tpu.memory_space<vmem>>)
    %dma_start3A_33 = arith.constant 0 : i32
    %dma_start3A_34 = arith.constant 0 : i32
    %dma_start3A_35 = tpu.memref_slice %arg16[%dma_start3A_33, %dma_start3A_34] : memref<10240x128xf32, #tpu.memory_space<vmem_shared>> -> memref<10240x128xf32, #tpu.memory_space<vmem_shared>>
    tpu.enqueue_indirect_dma source(%arg14 : memref<80x128xf32, #tpu.memory_space<vmem>>) target(%dma_start3A_35 : memref<10240x128xf32, #tpu.memory_space<vmem_shared>>) offsets(%arg10 : memref<80xi32, #tpu.memory_space<vmem>>) semaphore(%arg21 : memref<!tpu.dma_semaphore, #tpu.memory_space<semaphore_mem>>) {add = true}
    %dma_wait3A_36 = arith.constant 0 : i32
    %dma_wait3A_37 = arith.constant 0 : i32
    %dma_wait3A_38 = tpu.memref_slice %arg16[%dma_wait3A_36, %dma_wait3A_37] : memref<10240x128xf32, #tpu.memory_space<vmem_shared>> -> memref<10240x128xf32, #tpu.memory_space<vmem_shared>>
    tpu.wait_indirect_dma semaphore(%arg20 : memref<!tpu.dma_semaphore, #tpu.memory_space<semaphore_mem>>) src(%arg13 : memref<80x128xf32, #tpu.memory_space<vmem>>) dst(%dma_wait3A_38 : memref<10240x128xf32, #tpu.memory_space<vmem_shared>>)
    %add3A_39 = arith.constant 240 : i32
    %add3A_40 = arith.addi %mul3A_2, %add3A_39 : i32
    "tpu.region"() ({
      %run_scoped3A = tpu.sem_alloc : memref<!tpu.dma_semaphore, #tpu.memory_space<semaphore_mem>>
      %dma_start3A_93 = tpu.memref_slice %arg3[%add3A_40] : memref<320000xi32, #tpu.memory_space<hbm>> -> memref<80xi32, #tpu.memory_space<hbm>>
      %dma_start3A_94 = tpu.memref_slice %arg3[%add3A_40] : memref<320000xi32, #tpu.memory_space<hbm>> -> memref<80xi32, #tpu.memory_space<hbm>>
      tpu.enqueue_dma source(%dma_start3A_94 : memref<80xi32, #tpu.memory_space<hbm>>) target(%arg7 : memref<80xi32, #tpu.memory_space<vmem>>) target_semaphore(%run_scoped3A : memref<!tpu.dma_semaphore, #tpu.memory_space<semaphore_mem>>)
      %dma_wait3A_95 = tpu.memref_slice %arg3[%add3A_40] : memref<320000xi32, #tpu.memory_space<hbm>> -> memref<80xi32, #tpu.memory_space<hbm>>
      %dma_wait3A_96 = tpu.memref_slice %arg3[%add3A_40] : memref<320000xi32, #tpu.memory_space<hbm>> -> memref<80xi32, #tpu.memory_space<hbm>>
      tpu.wait_dma2 semaphore(%run_scoped3A : memref<!tpu.dma_semaphore, #tpu.memory_space<semaphore_mem>>) src(%dma_wait3A_96 : memref<80xi32, #tpu.memory_space<hbm>>) dst(%arg7 : memref<80xi32, #tpu.memory_space<vmem>>)
      tpu.yield
    }) : () -> ()
    %add3A_41 = arith.constant 240 : i32
    %add3A_42 = arith.addi %mul3A_2, %add3A_41 : i32
    "tpu.region"() ({
      %run_scoped3A = tpu.sem_alloc : memref<!tpu.dma_semaphore, #tpu.memory_space<semaphore_mem>>
      %dma_start3A_93 = tpu.memref_slice %arg4[%add3A_42] : memref<320000xi32, #tpu.memory_space<hbm>> -> memref<80xi32, #tpu.memory_space<hbm>>
      %dma_start3A_94 = tpu.memref_slice %arg4[%add3A_42] : memref<320000xi32, #tpu.memory_space<hbm>> -> memref<80xi32, #tpu.memory_space<hbm>>
      tpu.enqueue_dma source(%dma_start3A_94 : memref<80xi32, #tpu.memory_space<hbm>>) target(%arg8 : memref<80xi32, #tpu.memory_space<vmem>>) target_semaphore(%run_scoped3A : memref<!tpu.dma_semaphore, #tpu.memory_space<semaphore_mem>>)
      %dma_wait3A_95 = tpu.memref_slice %arg4[%add3A_42] : memref<320000xi32, #tpu.memory_space<hbm>> -> memref<80xi32, #tpu.memory_space<hbm>>
      %dma_wait3A_96 = tpu.memref_slice %arg4[%add3A_42] : memref<320000xi32, #tpu.memory_space<hbm>> -> memref<80xi32, #tpu.memory_space<hbm>>
      tpu.wait_dma2 semaphore(%run_scoped3A : memref<!tpu.dma_semaphore, #tpu.memory_space<semaphore_mem>>) src(%dma_wait3A_96 : memref<80xi32, #tpu.memory_space<hbm>>) dst(%arg8 : memref<80xi32, #tpu.memory_space<vmem>>)
      tpu.yield
    }) : () -> ()
    %dma_start3A_43 = arith.constant 0 : i32
    %dma_start3A_44 = arith.constant 0 : i32
    %dma_start3A_45 = tpu.memref_slice %arg2[%dma_start3A_43, %dma_start3A_44] : memref<10000x128xf32, #tpu.memory_space<hbm>> -> memref<10000x128xf32, #tpu.memory_space<hbm>>
    tpu.enqueue_indirect_dma source(%dma_start3A_45 : memref<10000x128xf32, #tpu.memory_space<hbm>>) target(%arg13 : memref<80x128xf32, #tpu.memory_space<vmem>>) offsets(%arg7 : memref<80xi32, #tpu.memory_space<vmem>>) semaphore(%arg17 : memref<!tpu.dma_semaphore, #tpu.memory_space<semaphore_mem>>)
    %scan3A = arith.constant 0 : i32
    %scan3A_46 = arith.constant 0 : i32
    %scan3A_47 = arith.constant 40 : i32
    %scan3A_48 = arith.addi %scan3A_46, %scan3A_47 : i32
    %scan3A_49 = arith.constant 1 : i32
    scf.for %scan3A_93 = %scan3A_46 to %scan3A_48 step %scan3A_49  : i32 {
      %mul3A_94 = arith.constant 3 : i32
      %mul3A_95 = arith.muli %scan3A_93, %mul3A_94 : i32
      %add3A_96 = arith.constant 2 : i32
      %add3A_97 = arith.addi %mul3A_95, %add3A_96 : i32
      %dma_wait3A_98 = arith.constant 0 : i32
      %dma_wait3A_99 = arith.constant 0 : i32
      %dma_wait3A_100 = tpu.memref_slice %arg2[%dma_wait3A_98, %dma_wait3A_99] : memref<10000x128xf32, #tpu.memory_space<hbm>> -> memref<10000x128xf32, #tpu.memory_space<hbm>>
      tpu.wait_indirect_dma semaphore(%arg19 : memref<!tpu.dma_semaphore, #tpu.memory_space<semaphore_mem>>) src(%dma_wait3A_100 : memref<10000x128xf32, #tpu.memory_space<hbm>>) dst(%arg15 : memref<80x128xf32, #tpu.memory_space<vmem>>)
      %dma_start3A_101 = arith.constant 0 : i32
      %dma_start3A_102 = arith.constant 0 : i32
      %dma_start3A_103 = tpu.memref_slice %arg16[%dma_start3A_101, %dma_start3A_102] : memref<10240x128xf32, #tpu.memory_space<vmem_shared>> -> memref<10240x128xf32, #tpu.memory_space<vmem_shared>>
      tpu.enqueue_indirect_dma source(%arg15 : memref<80x128xf32, #tpu.memory_space<vmem>>) target(%dma_start3A_103 : memref<10240x128xf32, #tpu.memory_space<vmem_shared>>) offsets(%arg12 : memref<80xi32, #tpu.memory_space<vmem>>) semaphore(%arg22 : memref<!tpu.dma_semaphore, #tpu.memory_space<semaphore_mem>>) {add = true}
      %dma_wait3A_104 = arith.constant 0 : i32
      %dma_wait3A_105 = arith.constant 0 : i32
      %dma_wait3A_106 = tpu.memref_slice %arg16[%dma_wait3A_104, %dma_wait3A_105] : memref<10240x128xf32, #tpu.memory_space<vmem_shared>> -> memref<10240x128xf32, #tpu.memory_space<vmem_shared>>
      tpu.wait_indirect_dma semaphore(%arg21 : memref<!tpu.dma_semaphore, #tpu.memory_space<semaphore_mem>>) src(%arg14 : memref<80x128xf32, #tpu.memory_space<vmem>>) dst(%dma_wait3A_106 : memref<10240x128xf32, #tpu.memory_space<vmem_shared>>)
      %add3A_107 = arith.constant 2 : i32
      %add3A_108 = arith.addi %add3A_97, %add3A_107 : i32
      %mul3A_109 = arith.constant 80 : i32
      %mul3A_110 = arith.muli %add3A_108, %mul3A_109 : i32
      %add3A_111 = arith.addi %mul3A_2, %mul3A_110 : i32
      "tpu.region"() ({
        %run_scoped3A = tpu.sem_alloc : memref<!tpu.dma_semaphore, #tpu.memory_space<semaphore_mem>>
        %dma_start3A_162 = tpu.memref_slice %arg3[%add3A_111] : memref<320000xi32, #tpu.memory_space<hbm>> -> memref<80xi32, #tpu.memory_space<hbm>>
        %dma_start3A_163 = tpu.memref_slice %arg3[%add3A_111] : memref<320000xi32, #tpu.memory_space<hbm>> -> memref<80xi32, #tpu.memory_space<hbm>>
        tpu.enqueue_dma source(%dma_start3A_163 : memref<80xi32, #tpu.memory_space<hbm>>) target(%arg9 : memref<80xi32, #tpu.memory_space<vmem>>) target_semaphore(%run_scoped3A : memref<!tpu.dma_semaphore, #tpu.memory_space<semaphore_mem>>)
        %dma_wait3A_164 = tpu.memref_slice %arg3[%add3A_111] : memref<320000xi32, #tpu.memory_space<hbm>> -> memref<80xi32, #tpu.memory_space<hbm>>
        %dma_wait3A_165 = tpu.memref_slice %arg3[%add3A_111] : memref<320000xi32, #tpu.memory_space<hbm>> -> memref<80xi32, #tpu.memory_space<hbm>>
        tpu.wait_dma2 semaphore(%run_scoped3A : memref<!tpu.dma_semaphore, #tpu.memory_space<semaphore_mem>>) src(%dma_wait3A_165 : memref<80xi32, #tpu.memory_space<hbm>>) dst(%arg9 : memref<80xi32, #tpu.memory_space<vmem>>)
        tpu.yield
      }) : () -> ()
      %mul3A_112 = arith.constant 80 : i32
      %mul3A_113 = arith.muli %add3A_108, %mul3A_112 : i32
      %add3A_114 = arith.addi %mul3A_2, %mul3A_113 : i32
      "tpu.region"() ({
        %run_scoped3A = tpu.sem_alloc : memref<!tpu.dma_semaphore, #tpu.memory_space<semaphore_mem>>
        %dma_start3A_162 = tpu.memref_slice %arg4[%add3A_114] : memref<320000xi32, #tpu.memory_space<hbm>> -> memref<80xi32, #tpu.memory_space<hbm>>
        %dma_start3A_163 = tpu.memref_slice %arg4[%add3A_114] : memref<320000xi32, #tpu.memory_space<hbm>> -> memref<80xi32, #tpu.memory_space<hbm>>
        tpu.enqueue_dma source(%dma_start3A_163 : memref<80xi32, #tpu.memory_space<hbm>>) target(%arg10 : memref<80xi32, #tpu.memory_space<vmem>>) target_semaphore(%run_scoped3A : memref<!tpu.dma_semaphore, #tpu.memory_space<semaphore_mem>>)
        %dma_wait3A_164 = tpu.memref_slice %arg4[%add3A_114] : memref<320000xi32, #tpu.memory_space<hbm>> -> memref<80xi32, #tpu.memory_space<hbm>>
        %dma_wait3A_165 = tpu.memref_slice %arg4[%add3A_114] : memref<320000xi32, #tpu.memory_space<hbm>> -> memref<80xi32, #tpu.memory_space<hbm>>
        tpu.wait_dma2 semaphore(%run_scoped3A : memref<!tpu.dma_semaphore, #tpu.memory_space<semaphore_mem>>) src(%dma_wait3A_165 : memref<80xi32, #tpu.memory_space<hbm>>) dst(%arg10 : memref<80xi32, #tpu.memory_space<vmem>>)
        tpu.yield
      }) : () -> ()
      %dma_start3A_115 = arith.constant 0 : i32
      %dma_start3A_116 = arith.constant 0 : i32
      %dma_start3A_117 = tpu.memref_slice %arg2[%dma_start3A_115, %dma_start3A_116] : memref<10000x128xf32, #tpu.memory_space<hbm>> -> memref<10000x128xf32, #tpu.memory_space<hbm>>
      tpu.enqueue_indirect_dma source(%dma_start3A_117 : memref<10000x128xf32, #tpu.memory_space<hbm>>) target(%arg14 : memref<80x128xf32, #tpu.memory_space<vmem>>) offsets(%arg9 : memref<80xi32, #tpu.memory_space<vmem>>) semaphore(%arg18 : memref<!tpu.dma_semaphore, #tpu.memory_space<semaphore_mem>>)
      %add3A_118 = arith.constant 3 : i32
      %add3A_119 = arith.addi %mul3A_95, %add3A_118 : i32
      %dma_wait3A_120 = arith.constant 0 : i32
      %dma_wait3A_121 = arith.constant 0 : i32
      %dma_wait3A_122 = tpu.memref_slice %arg2[%dma_wait3A_120, %dma_wait3A_121] : memref<10000x128xf32, #tpu.memory_space<hbm>> -> memref<10000x128xf32, #tpu.memory_space<hbm>>
      tpu.wait_indirect_dma semaphore(%arg17 : memref<!tpu.dma_semaphore, #tpu.memory_space<semaphore_mem>>) src(%dma_wait3A_122 : memref<10000x128xf32, #tpu.memory_space<hbm>>) dst(%arg13 : memref<80x128xf32, #tpu.memory_space<vmem>>)
      %dma_start3A_123 = arith.constant 0 : i32
      %dma_start3A_124 = arith.constant 0 : i32
      %dma_start3A_125 = tpu.memref_slice %arg16[%dma_start3A_123, %dma_start3A_124] : memref<10240x128xf32, #tpu.memory_space<vmem_shared>> -> memref<10240x128xf32, #tpu.memory_space<vmem_shared>>
      tpu.enqueue_indirect_dma source(%arg13 : memref<80x128xf32, #tpu.memory_space<vmem>>) target(%dma_start3A_125 : memref<10240x128xf32, #tpu.memory_space<vmem_shared>>) offsets(%arg8 : memref<80xi32, #tpu.memory_space<vmem>>) semaphore(%arg20 : memref<!tpu.dma_semaphore, #tpu.memory_space<semaphore_mem>>) {add = true}
      %dma_wait3A_126 = arith.constant 0 : i32
      %dma_wait3A_127 = arith.constant 0 : i32
      %dma_wait3A_128 = tpu.memref_slice %arg16[%dma_wait3A_126, %dma_wait3A_127] : memref<10240x128xf32, #tpu.memory_space<vmem_shared>> -> memref<10240x128xf32, #tpu.memory_space<vmem_shared>>
      tpu.wait_indirect_dma semaphore(%arg22 : memref<!tpu.dma_semaphore, #tpu.memory_space<semaphore_mem>>) src(%arg15 : memref<80x128xf32, #tpu.memory_space<vmem>>) dst(%dma_wait3A_128 : memref<10240x128xf32, #tpu.memory_space<vmem_shared>>)
      %add3A_129 = arith.constant 2 : i32
      %add3A_130 = arith.addi %add3A_119, %add3A_129 : i32
      %mul3A_131 = arith.constant 80 : i32
      %mul3A_132 = arith.muli %add3A_130, %mul3A_131 : i32
      %add3A_133 = arith.addi %mul3A_2, %mul3A_132 : i32
      "tpu.region"() ({
        %run_scoped3A = tpu.sem_alloc : memref<!tpu.dma_semaphore, #tpu.memory_space<semaphore_mem>>
        %dma_start3A_162 = tpu.memref_slice %arg3[%add3A_133] : memref<320000xi32, #tpu.memory_space<hbm>> -> memref<80xi32, #tpu.memory_space<hbm>>
        %dma_start3A_163 = tpu.memref_slice %arg3[%add3A_133] : memref<320000xi32, #tpu.memory_space<hbm>> -> memref<80xi32, #tpu.memory_space<hbm>>
        tpu.enqueue_dma source(%dma_start3A_163 : memref<80xi32, #tpu.memory_space<hbm>>) target(%arg11 : memref<80xi32, #tpu.memory_space<vmem>>) target_semaphore(%run_scoped3A : memref<!tpu.dma_semaphore, #tpu.memory_space<semaphore_mem>>)
        %dma_wait3A_164 = tpu.memref_slice %arg3[%add3A_133] : memref<320000xi32, #tpu.memory_space<hbm>> -> memref<80xi32, #tpu.memory_space<hbm>>
        %dma_wait3A_165 = tpu.memref_slice %arg3[%add3A_133] : memref<320000xi32, #tpu.memory_space<hbm>> -> memref<80xi32, #tpu.memory_space<hbm>>
        tpu.wait_dma2 semaphore(%run_scoped3A : memref<!tpu.dma_semaphore, #tpu.memory_space<semaphore_mem>>) src(%dma_wait3A_165 : memref<80xi32, #tpu.memory_space<hbm>>) dst(%arg11 : memref<80xi32, #tpu.memory_space<vmem>>)
        tpu.yield
      }) : () -> ()
      %mul3A_134 = arith.constant 80 : i32
      %mul3A_135 = arith.muli %add3A_130, %mul3A_134 : i32
      %add3A_136 = arith.addi %mul3A_2, %mul3A_135 : i32
      "tpu.region"() ({
        %run_scoped3A = tpu.sem_alloc : memref<!tpu.dma_semaphore, #tpu.memory_space<semaphore_mem>>
        %dma_start3A_162 = tpu.memref_slice %arg4[%add3A_136] : memref<320000xi32, #tpu.memory_space<hbm>> -> memref<80xi32, #tpu.memory_space<hbm>>
        %dma_start3A_163 = tpu.memref_slice %arg4[%add3A_136] : memref<320000xi32, #tpu.memory_space<hbm>> -> memref<80xi32, #tpu.memory_space<hbm>>
        tpu.enqueue_dma source(%dma_start3A_163 : memref<80xi32, #tpu.memory_space<hbm>>) target(%arg12 : memref<80xi32, #tpu.memory_space<vmem>>) target_semaphore(%run_scoped3A : memref<!tpu.dma_semaphore, #tpu.memory_space<semaphore_mem>>)
        %dma_wait3A_164 = tpu.memref_slice %arg4[%add3A_136] : memref<320000xi32, #tpu.memory_space<hbm>> -> memref<80xi32, #tpu.memory_space<hbm>>
        %dma_wait3A_165 = tpu.memref_slice %arg4[%add3A_136] : memref<320000xi32, #tpu.memory_space<hbm>> -> memref<80xi32, #tpu.memory_space<hbm>>
        tpu.wait_dma2 semaphore(%run_scoped3A : memref<!tpu.dma_semaphore, #tpu.memory_space<semaphore_mem>>) src(%dma_wait3A_165 : memref<80xi32, #tpu.memory_space<hbm>>) dst(%arg12 : memref<80xi32, #tpu.memory_space<vmem>>)
        tpu.yield
      }) : () -> ()
      %dma_start3A_137 = arith.constant 0 : i32
      %dma_start3A_138 = arith.constant 0 : i32
      %dma_start3A_139 = tpu.memref_slice %arg2[%dma_start3A_137, %dma_start3A_138] : memref<10000x128xf32, #tpu.memory_space<hbm>> -> memref<10000x128xf32, #tpu.memory_space<hbm>>
      tpu.enqueue_indirect_dma source(%dma_start3A_139 : memref<10000x128xf32, #tpu.memory_space<hbm>>) target(%arg15 : memref<80x128xf32, #tpu.memory_space<vmem>>) offsets(%arg11 : memref<80xi32, #tpu.memory_space<vmem>>) semaphore(%arg19 : memref<!tpu.dma_semaphore, #tpu.memory_space<semaphore_mem>>)
      %add3A_140 = arith.constant 4 : i32
      %add3A_141 = arith.addi %mul3A_95, %add3A_140 : i32
      %dma_wait3A_142 = arith.constant 0 : i32
      %dma_wait3A_143 = arith.constant 0 : i32
      %dma_wait3A_144 = tpu.memref_slice %arg2[%dma_wait3A_142, %dma_wait3A_143] : memref<10000x128xf32, #tpu.memory_space<hbm>> -> memref<10000x128xf32, #tpu.memory_space<hbm>>
      tpu.wait_indirect_dma semaphore(%arg18 : memref<!tpu.dma_semaphore, #tpu.memory_space<semaphore_mem>>) src(%dma_wait3A_144 : memref<10000x128xf32, #tpu.memory_space<hbm>>) dst(%arg14 : memref<80x128xf32, #tpu.memory_space<vmem>>)
      %dma_start3A_145 = arith.constant 0 : i32
      %dma_start3A_146 = arith.constant 0 : i32
      %dma_start3A_147 = tpu.memref_slice %arg16[%dma_start3A_145, %dma_start3A_146] : memref<10240x128xf32, #tpu.memory_space<vmem_shared>> -> memref<10240x128xf32, #tpu.memory_space<vmem_shared>>
      tpu.enqueue_indirect_dma source(%arg14 : memref<80x128xf32, #tpu.memory_space<vmem>>) target(%dma_start3A_147 : memref<10240x128xf32, #tpu.memory_space<vmem_shared>>) offsets(%arg10 : memref<80xi32, #tpu.memory_space<vmem>>) semaphore(%arg21 : memref<!tpu.dma_semaphore, #tpu.memory_space<semaphore_mem>>) {add = true}
      %dma_wait3A_148 = arith.constant 0 : i32
      %dma_wait3A_149 = arith.constant 0 : i32
      %dma_wait3A_150 = tpu.memref_slice %arg16[%dma_wait3A_148, %dma_wait3A_149] : memref<10240x128xf32, #tpu.memory_space<vmem_shared>> -> memref<10240x128xf32, #tpu.memory_space<vmem_shared>>
      tpu.wait_indirect_dma semaphore(%arg20 : memref<!tpu.dma_semaphore, #tpu.memory_space<semaphore_mem>>) src(%arg13 : memref<80x128xf32, #tpu.memory_space<vmem>>) dst(%dma_wait3A_150 : memref<10240x128xf32, #tpu.memory_space<vmem_shared>>)
      %add3A_151 = arith.constant 2 : i32
      %add3A_152 = arith.addi %add3A_141, %add3A_151 : i32
      %mul3A_153 = arith.constant 80 : i32
      %mul3A_154 = arith.muli %add3A_152, %mul3A_153 : i32
      %add3A_155 = arith.addi %mul3A_2, %mul3A_154 : i32
      "tpu.region"() ({
        %run_scoped3A = tpu.sem_alloc : memref<!tpu.dma_semaphore, #tpu.memory_space<semaphore_mem>>
        %dma_start3A_162 = tpu.memref_slice %arg3[%add3A_155] : memref<320000xi32, #tpu.memory_space<hbm>> -> memref<80xi32, #tpu.memory_space<hbm>>
        %dma_start3A_163 = tpu.memref_slice %arg3[%add3A_155] : memref<320000xi32, #tpu.memory_space<hbm>> -> memref<80xi32, #tpu.memory_space<hbm>>
        tpu.enqueue_dma source(%dma_start3A_163 : memref<80xi32, #tpu.memory_space<hbm>>) target(%arg7 : memref<80xi32, #tpu.memory_space<vmem>>) target_semaphore(%run_scoped3A : memref<!tpu.dma_semaphore, #tpu.memory_space<semaphore_mem>>)
        %dma_wait3A_164 = tpu.memref_slice %arg3[%add3A_155] : memref<320000xi32, #tpu.memory_space<hbm>> -> memref<80xi32, #tpu.memory_space<hbm>>
        %dma_wait3A_165 = tpu.memref_slice %arg3[%add3A_155] : memref<320000xi32, #tpu.memory_space<hbm>> -> memref<80xi32, #tpu.memory_space<hbm>>
        tpu.wait_dma2 semaphore(%run_scoped3A : memref<!tpu.dma_semaphore, #tpu.memory_space<semaphore_mem>>) src(%dma_wait3A_165 : memref<80xi32, #tpu.memory_space<hbm>>) dst(%arg7 : memref<80xi32, #tpu.memory_space<vmem>>)
        tpu.yield
      }) : () -> ()
      %mul3A_156 = arith.constant 80 : i32
      %mul3A_157 = arith.muli %add3A_152, %mul3A_156 : i32
      %add3A_158 = arith.addi %mul3A_2, %mul3A_157 : i32
      "tpu.region"() ({
        %run_scoped3A = tpu.sem_alloc : memref<!tpu.dma_semaphore, #tpu.memory_space<semaphore_mem>>
        %dma_start3A_162 = tpu.memref_slice %arg4[%add3A_158] : memref<320000xi32, #tpu.memory_space<hbm>> -> memref<80xi32, #tpu.memory_space<hbm>>
        %dma_start3A_163 = tpu.memref_slice %arg4[%add3A_158] : memref<320000xi32, #tpu.memory_space<hbm>> -> memref<80xi32, #tpu.memory_space<hbm>>
        tpu.enqueue_dma source(%dma_start3A_163 : memref<80xi32, #tpu.memory_space<hbm>>) target(%arg8 : memref<80xi32, #tpu.memory_space<vmem>>) target_semaphore(%run_scoped3A : memref<!tpu.dma_semaphore, #tpu.memory_space<semaphore_mem>>)
        %dma_wait3A_164 = tpu.memref_slice %arg4[%add3A_158] : memref<320000xi32, #tpu.memory_space<hbm>> -> memref<80xi32, #tpu.memory_space<hbm>>
        %dma_wait3A_165 = tpu.memref_slice %arg4[%add3A_158] : memref<320000xi32, #tpu.memory_space<hbm>> -> memref<80xi32, #tpu.memory_space<hbm>>
        tpu.wait_dma2 semaphore(%run_scoped3A : memref<!tpu.dma_semaphore, #tpu.memory_space<semaphore_mem>>) src(%dma_wait3A_165 : memref<80xi32, #tpu.memory_space<hbm>>) dst(%arg8 : memref<80xi32, #tpu.memory_space<vmem>>)
        tpu.yield
      }) : () -> ()
      %dma_start3A_159 = arith.constant 0 : i32
      %dma_start3A_160 = arith.constant 0 : i32
      %dma_start3A_161 = tpu.memref_slice %arg2[%dma_start3A_159, %dma_start3A_160] : memref<10000x128xf32, #tpu.memory_space<hbm>> -> memref<10000x128xf32, #tpu.memory_space<hbm>>
      tpu.enqueue_indirect_dma source(%dma_start3A_161 : memref<10000x128xf32, #tpu.memory_space<hbm>>) target(%arg13 : memref<80x128xf32, #tpu.memory_space<vmem>>) offsets(%arg7 : memref<80xi32, #tpu.memory_space<vmem>>) semaphore(%arg17 : memref<!tpu.dma_semaphore, #tpu.memory_space<semaphore_mem>>)
    }
    %scan3A_50 = arith.constant 40 : i32
    %dma_wait3A_51 = arith.constant 0 : i32
    %dma_wait3A_52 = arith.constant 0 : i32
    %dma_wait3A_53 = tpu.memref_slice %arg2[%dma_wait3A_51, %dma_wait3A_52] : memref<10000x128xf32, #tpu.memory_space<hbm>> -> memref<10000x128xf32, #tpu.memory_space<hbm>>
    tpu.wait_indirect_dma semaphore(%arg19 : memref<!tpu.dma_semaphore, #tpu.memory_space<semaphore_mem>>) src(%dma_wait3A_53 : memref<10000x128xf32, #tpu.memory_space<hbm>>) dst(%arg15 : memref<80x128xf32, #tpu.memory_space<vmem>>)
    %dma_start3A_54 = arith.constant 0 : i32
    %dma_start3A_55 = arith.constant 0 : i32
    %dma_start3A_56 = tpu.memref_slice %arg16[%dma_start3A_54, %dma_start3A_55] : memref<10240x128xf32, #tpu.memory_space<vmem_shared>> -> memref<10240x128xf32, #tpu.memory_space<vmem_shared>>
    tpu.enqueue_indirect_dma source(%arg15 : memref<80x128xf32, #tpu.memory_space<vmem>>) target(%dma_start3A_56 : memref<10240x128xf32, #tpu.memory_space<vmem_shared>>) offsets(%arg12 : memref<80xi32, #tpu.memory_space<vmem>>) semaphore(%arg22 : memref<!tpu.dma_semaphore, #tpu.memory_space<semaphore_mem>>) {add = true}
    %dma_wait3A_57 = arith.constant 0 : i32
    %dma_wait3A_58 = arith.constant 0 : i32
    %dma_wait3A_59 = tpu.memref_slice %arg16[%dma_wait3A_57, %dma_wait3A_58] : memref<10240x128xf32, #tpu.memory_space<vmem_shared>> -> memref<10240x128xf32, #tpu.memory_space<vmem_shared>>
    tpu.wait_indirect_dma semaphore(%arg21 : memref<!tpu.dma_semaphore, #tpu.memory_space<semaphore_mem>>) src(%arg14 : memref<80x128xf32, #tpu.memory_space<vmem>>) dst(%dma_wait3A_59 : memref<10240x128xf32, #tpu.memory_space<vmem_shared>>)
    %add3A_60 = arith.constant 9920 : i32
    %add3A_61 = arith.addi %mul3A_2, %add3A_60 : i32
    "tpu.region"() ({
      %run_scoped3A = tpu.sem_alloc : memref<!tpu.dma_semaphore, #tpu.memory_space<semaphore_mem>>
      %dma_start3A_93 = tpu.memref_slice %arg3[%add3A_61] : memref<320000xi32, #tpu.memory_space<hbm>> -> memref<80xi32, #tpu.memory_space<hbm>>
      %dma_start3A_94 = tpu.memref_slice %arg3[%add3A_61] : memref<320000xi32, #tpu.memory_space<hbm>> -> memref<80xi32, #tpu.memory_space<hbm>>
      tpu.enqueue_dma source(%dma_start3A_94 : memref<80xi32, #tpu.memory_space<hbm>>) target(%arg9 : memref<80xi32, #tpu.memory_space<vmem>>) target_semaphore(%run_scoped3A : memref<!tpu.dma_semaphore, #tpu.memory_space<semaphore_mem>>)
      %dma_wait3A_95 = tpu.memref_slice %arg3[%add3A_61] : memref<320000xi32, #tpu.memory_space<hbm>> -> memref<80xi32, #tpu.memory_space<hbm>>
      %dma_wait3A_96 = tpu.memref_slice %arg3[%add3A_61] : memref<320000xi32, #tpu.memory_space<hbm>> -> memref<80xi32, #tpu.memory_space<hbm>>
      tpu.wait_dma2 semaphore(%run_scoped3A : memref<!tpu.dma_semaphore, #tpu.memory_space<semaphore_mem>>) src(%dma_wait3A_96 : memref<80xi32, #tpu.memory_space<hbm>>) dst(%arg9 : memref<80xi32, #tpu.memory_space<vmem>>)
      tpu.yield
    }) : () -> ()
    %add3A_62 = arith.constant 9920 : i32
    %add3A_63 = arith.addi %mul3A_2, %add3A_62 : i32
    "tpu.region"() ({
      %run_scoped3A = tpu.sem_alloc : memref<!tpu.dma_semaphore, #tpu.memory_space<semaphore_mem>>
      %dma_start3A_93 = tpu.memref_slice %arg4[%add3A_63] : memref<320000xi32, #tpu.memory_space<hbm>> -> memref<80xi32, #tpu.memory_space<hbm>>
      %dma_start3A_94 = tpu.memref_slice %arg4[%add3A_63] : memref<320000xi32, #tpu.memory_space<hbm>> -> memref<80xi32, #tpu.memory_space<hbm>>
      tpu.enqueue_dma source(%dma_start3A_94 : memref<80xi32, #tpu.memory_space<hbm>>) target(%arg10 : memref<80xi32, #tpu.memory_space<vmem>>) target_semaphore(%run_scoped3A : memref<!tpu.dma_semaphore, #tpu.memory_space<semaphore_mem>>)
      %dma_wait3A_95 = tpu.memref_slice %arg4[%add3A_63] : memref<320000xi32, #tpu.memory_space<hbm>> -> memref<80xi32, #tpu.memory_space<hbm>>
      %dma_wait3A_96 = tpu.memref_slice %arg4[%add3A_63] : memref<320000xi32, #tpu.memory_space<hbm>> -> memref<80xi32, #tpu.memory_space<hbm>>
      tpu.wait_dma2 semaphore(%run_scoped3A : memref<!tpu.dma_semaphore, #tpu.memory_space<semaphore_mem>>) src(%dma_wait3A_96 : memref<80xi32, #tpu.memory_space<hbm>>) dst(%arg10 : memref<80xi32, #tpu.memory_space<vmem>>)
      tpu.yield
    }) : () -> ()
    %dma_start3A_64 = arith.constant 0 : i32
    %dma_start3A_65 = arith.constant 0 : i32
    %dma_start3A_66 = tpu.memref_slice %arg2[%dma_start3A_64, %dma_start3A_65] : memref<10000x128xf32, #tpu.memory_space<hbm>> -> memref<10000x128xf32, #tpu.memory_space<hbm>>
    tpu.enqueue_indirect_dma source(%dma_start3A_66 : memref<10000x128xf32, #tpu.memory_space<hbm>>) target(%arg14 : memref<80x128xf32, #tpu.memory_space<vmem>>) offsets(%arg9 : memref<80xi32, #tpu.memory_space<vmem>>) semaphore(%arg18 : memref<!tpu.dma_semaphore, #tpu.memory_space<semaphore_mem>>)
    %dma_wait3A_67 = arith.constant 0 : i32
    %dma_wait3A_68 = arith.constant 0 : i32
    %dma_wait3A_69 = tpu.memref_slice %arg2[%dma_wait3A_67, %dma_wait3A_68] : memref<10000x128xf32, #tpu.memory_space<hbm>> -> memref<10000x128xf32, #tpu.memory_space<hbm>>
    tpu.wait_indirect_dma semaphore(%arg17 : memref<!tpu.dma_semaphore, #tpu.memory_space<semaphore_mem>>) src(%dma_wait3A_69 : memref<10000x128xf32, #tpu.memory_space<hbm>>) dst(%arg13 : memref<80x128xf32, #tpu.memory_space<vmem>>)
    %dma_start3A_70 = arith.constant 0 : i32
    %dma_start3A_71 = arith.constant 0 : i32
    %dma_start3A_72 = tpu.memref_slice %arg16[%dma_start3A_70, %dma_start3A_71] : memref<10240x128xf32, #tpu.memory_space<vmem_shared>> -> memref<10240x128xf32, #tpu.memory_space<vmem_shared>>
    tpu.enqueue_indirect_dma source(%arg13 : memref<80x128xf32, #tpu.memory_space<vmem>>) target(%dma_start3A_72 : memref<10240x128xf32, #tpu.memory_space<vmem_shared>>) offsets(%arg8 : memref<80xi32, #tpu.memory_space<vmem>>) semaphore(%arg20 : memref<!tpu.dma_semaphore, #tpu.memory_space<semaphore_mem>>) {add = true}
    %dma_wait3A_73 = arith.constant 0 : i32
    %dma_wait3A_74 = arith.constant 0 : i32
    %dma_wait3A_75 = tpu.memref_slice %arg16[%dma_wait3A_73, %dma_wait3A_74] : memref<10240x128xf32, #tpu.memory_space<vmem_shared>> -> memref<10240x128xf32, #tpu.memory_space<vmem_shared>>
    tpu.wait_indirect_dma semaphore(%arg22 : memref<!tpu.dma_semaphore, #tpu.memory_space<semaphore_mem>>) src(%arg15 : memref<80x128xf32, #tpu.memory_space<vmem>>) dst(%dma_wait3A_75 : memref<10240x128xf32, #tpu.memory_space<vmem_shared>>)
    %dma_wait3A_76 = arith.constant 0 : i32
    %dma_wait3A_77 = arith.constant 0 : i32
    %dma_wait3A_78 = tpu.memref_slice %arg2[%dma_wait3A_76, %dma_wait3A_77] : memref<10000x128xf32, #tpu.memory_space<hbm>> -> memref<10000x128xf32, #tpu.memory_space<hbm>>
    tpu.wait_indirect_dma semaphore(%arg18 : memref<!tpu.dma_semaphore, #tpu.memory_space<semaphore_mem>>) src(%dma_wait3A_78 : memref<10000x128xf32, #tpu.memory_space<hbm>>) dst(%arg14 : memref<80x128xf32, #tpu.memory_space<vmem>>)
    %dma_start3A_79 = arith.constant 0 : i32
    %dma_start3A_80 = arith.constant 0 : i32
    %dma_start3A_81 = tpu.memref_slice %arg16[%dma_start3A_79, %dma_start3A_80] : memref<10240x128xf32, #tpu.memory_space<vmem_shared>> -> memref<10240x128xf32, #tpu.memory_space<vmem_shared>>
    tpu.enqueue_indirect_dma source(%arg14 : memref<80x128xf32, #tpu.memory_space<vmem>>) target(%dma_start3A_81 : memref<10240x128xf32, #tpu.memory_space<vmem_shared>>) offsets(%arg10 : memref<80xi32, #tpu.memory_space<vmem>>) semaphore(%arg21 : memref<!tpu.dma_semaphore, #tpu.memory_space<semaphore_mem>>) {add = true}
    %dma_wait3A_82 = arith.constant 0 : i32
    %dma_wait3A_83 = arith.constant 0 : i32
    %dma_wait3A_84 = tpu.memref_slice %arg16[%dma_wait3A_82, %dma_wait3A_83] : memref<10240x128xf32, #tpu.memory_space<vmem_shared>> -> memref<10240x128xf32, #tpu.memory_space<vmem_shared>>
    tpu.wait_indirect_dma semaphore(%arg20 : memref<!tpu.dma_semaphore, #tpu.memory_space<semaphore_mem>>) src(%arg13 : memref<80x128xf32, #tpu.memory_space<vmem>>) dst(%dma_wait3A_84 : memref<10240x128xf32, #tpu.memory_space<vmem_shared>>)
    %dma_wait3A_85 = arith.constant 0 : i32
    %dma_wait3A_86 = arith.constant 0 : i32
    %dma_wait3A_87 = tpu.memref_slice %arg16[%dma_wait3A_85, %dma_wait3A_86] : memref<10240x128xf32, #tpu.memory_space<vmem_shared>> -> memref<10240x128xf32, #tpu.memory_space<vmem_shared>>
    tpu.wait_indirect_dma semaphore(%arg21 : memref<!tpu.dma_semaphore, #tpu.memory_space<semaphore_mem>>) src(%arg14 : memref<80x128xf32, #tpu.memory_space<vmem>>) dst(%dma_wait3A_87 : memref<10240x128xf32, #tpu.memory_space<vmem_shared>>)
    %barrier3A_88 = arith.constant 0 : index
    tpu.barrier barrier_id(%barrier3A_88)
    %mul3A_89 = arith.constant 640 : i32
    %mul3A_90 = arith.muli %arg1, %mul3A_89 : i32
    %mul3A_91 = arith.constant 640 : i32
    %mul3A_92 = arith.muli %arg1, %mul3A_91 : i32
    "tpu.region"() ({
      %run_scoped3A = tpu.sem_alloc : memref<!tpu.dma_semaphore, #tpu.memory_space<semaphore_mem>>
      %dma_start3A_93 = arith.constant 0 : i32
      %dma_start3A_94 = tpu.memref_slice %arg6[%arg0, %mul3A_92, %dma_start3A_93] : memref<2x10240x128xf32, #tpu.memory_space<hbm>> -> memref<1x640x128xf32, #tpu.memory_space<hbm>>
      %dma_start3A_95 = tpu.memref_squeeze %dma_start3A_94 : memref<1x640x128xf32, #tpu.memory_space<hbm>> -> memref<640x128xf32, #tpu.memory_space<hbm>>
      %dma_start3A_96 = arith.constant 0 : i32
      %dma_start3A_97 = tpu.memref_slice %arg16[%mul3A_90, %dma_start3A_96] : memref<10240x128xf32, #tpu.memory_space<vmem_shared>> -> memref<640x128xf32, #tpu.memory_space<vmem_shared>>
      tpu.enqueue_dma source(%dma_start3A_97 : memref<640x128xf32, #tpu.memory_space<vmem_shared>>) target(%dma_start3A_95 : memref<640x128xf32, #tpu.memory_space<hbm>>) target_semaphore(%run_scoped3A : memref<!tpu.dma_semaphore, #tpu.memory_space<semaphore_mem>>)
      %dma_wait3A_98 = arith.constant 0 : i32
      %dma_wait3A_99 = tpu.memref_slice %arg6[%arg0, %mul3A_92, %dma_wait3A_98] : memref<2x10240x128xf32, #tpu.memory_space<hbm>> -> memref<1x640x128xf32, #tpu.memory_space<hbm>>
      %dma_wait3A_100 = tpu.memref_squeeze %dma_wait3A_99 : memref<1x640x128xf32, #tpu.memory_space<hbm>> -> memref<640x128xf32, #tpu.memory_space<hbm>>
      %dma_wait3A_101 = arith.constant 0 : i32
      %dma_wait3A_102 = tpu.memref_slice %arg16[%mul3A_90, %dma_wait3A_101] : memref<10240x128xf32, #tpu.memory_space<vmem_shared>> -> memref<640x128xf32, #tpu.memory_space<vmem_shared>>
      tpu.wait_dma2 semaphore(%run_scoped3A : memref<!tpu.dma_semaphore, #tpu.memory_space<semaphore_mem>>) src(%dma_wait3A_102 : memref<640x128xf32, #tpu.memory_space<vmem_shared>>) dst(%dma_wait3A_100 : memref<640x128xf32, #tpu.memory_space<hbm>>)
      tpu.yield
    }) : () -> ()
    return
  }
}

module attributes {stable_mosaic.version = 14 : i64} {
  func.func @_tc_norms_body(%arg0: memref<32x10000xf32, #tpu.memory_space<vmem>>, %arg1: memref<32x10000xf32, #tpu.memory_space<vmem>>, %arg2: memref<2x10000xf32, #tpu.memory_space<vmem>>) attributes {dimension_semantics = [], scalar_prefetch = 0 : i64, scratch_operands = 0 : i64, tpu.core_type = #tpu.core_type<tc>} {
    %get3A = arith.constant 0 : index
    %get3A_0 = arith.constant 0 : index
    %get3A_1 = vector.load %arg0[%get3A, %get3A_0] : memref<32x10000xf32, #tpu.memory_space<vmem>>, vector<32x10000xf32>
    %reduce_sum3A = arith.constant dense<0.000000e+00> : vector<10000xf32>
    %reduce_sum3A_2 = vector.multi_reduction <add>, %get3A_1, %reduce_sum3A [0] : vector<32x10000xf32> to vector<10000xf32>
    %get3A_3 = arith.constant 0 : index
    %get3A_4 = arith.constant 0 : index
    %get3A_5 = vector.load %arg1[%get3A_3, %get3A_4] : memref<32x10000xf32, #tpu.memory_space<vmem>>, vector<32x10000xf32>
    %reduce_sum3A_6 = arith.constant dense<0.000000e+00> : vector<10000xf32>
    %reduce_sum3A_7 = vector.multi_reduction <add>, %get3A_5, %reduce_sum3A_6 [0] : vector<32x10000xf32> to vector<10000xf32>
    %max3A = arith.constant 1.000000e+00 : f32
    %max3A_8 = vector.broadcast %max3A : f32 to vector<10000xf32>
    %max3A_9 = arith.maximumf %reduce_sum3A_2, %max3A_8 : vector<10000xf32>
    %rsqrt3A = math.rsqrt %max3A_9 : vector<10000xf32>
    %swap3A = arith.constant 0 : index
    %swap3A_10 = arith.constant 0 : index
    %swap3A_11 = vector.load %arg2[%swap3A, %swap3A_10] : memref<2x10000xf32, #tpu.memory_space<vmem>>, vector<1x10000xf32>
    %swap3A_12 = vector.shape_cast %swap3A_11 : vector<1x10000xf32> to vector<10000xf32>
    %swap3A_13 = vector.shape_cast %rsqrt3A : vector<10000xf32> to vector<1x10000xf32>
    tpu.vector_store %arg2[%swap3A, %swap3A_10], %swap3A_13 {strides = array<i32>} : memref<2x10000xf32, #tpu.memory_space<vmem>>, vector<1x10000xf32>,
    %max3A_14 = arith.constant 1.000000e+00 : f32
    %max3A_15 = vector.broadcast %max3A_14 : f32 to vector<10000xf32>
    %max3A_16 = arith.maximumf %reduce_sum3A_7, %max3A_15 : vector<10000xf32>
    %rsqrt3A_17 = math.rsqrt %max3A_16 : vector<10000xf32>
    %swap3A_18 = arith.constant 1 : index
    %swap3A_19 = arith.constant 0 : index
    %swap3A_20 = vector.load %arg2[%swap3A_18, %swap3A_19] : memref<2x10000xf32, #tpu.memory_space<vmem>>, vector<1x10000xf32>
    %swap3A_21 = vector.shape_cast %swap3A_20 : vector<1x10000xf32> to vector<10000xf32>
    %swap3A_22 = vector.shape_cast %rsqrt3A_17 : vector<10000xf32> to vector<1x10000xf32>
    tpu.vector_store %arg2[%swap3A_18, %swap3A_19], %swap3A_22 {strides = array<i32>} : memref<2x10000xf32, #tpu.memory_space<vmem>>, vector<1x10000xf32>,
    return
  }
}

module attributes {stable_mosaic.version = 14 : i64} {
  func.func @_tc_scale_body(%arg0: memref<10000x128xf32, #tpu.memory_space<vmem>>, %arg1: memref<10000x1xf32, #tpu.memory_space<vmem>>, %arg2: memref<10000x128xf32, #tpu.memory_space<vmem>>) attributes {dimension_semantics = [], scalar_prefetch = 0 : i64, scratch_operands = 0 : i64, tpu.core_type = #tpu.core_type<tc>} {
    %get3A = arith.constant 0 : index
    %get3A_0 = arith.constant 0 : index
    %get3A_1 = vector.load %arg0[%get3A, %get3A_0] : memref<10000x128xf32, #tpu.memory_space<vmem>>, vector<10000x128xf32>
    %get3A_2 = arith.constant 0 : index
    %get3A_3 = arith.constant 0 : index
    %get3A_4 = vector.load %arg1[%get3A_2, %get3A_3] : memref<10000x1xf32, #tpu.memory_space<vmem>>, vector<10000x1xf32>
    %mul3A = vector.broadcast %get3A_4 : vector<10000x1xf32> to vector<10000x128xf32>
    %mul3A_5 = arith.mulf %get3A_1, %mul3A : vector<10000x128xf32>
    %swap3A = arith.constant 0 : index
    %swap3A_6 = arith.constant 0 : index
    %swap3A_7 = vector.load %arg2[%swap3A, %swap3A_6] : memref<10000x128xf32, #tpu.memory_space<vmem>>, vector<10000x128xf32>
    tpu.vector_store %arg2[%swap3A, %swap3A_6], %mul3A_5 {strides = array<i32>} : memref<10000x128xf32, #tpu.memory_space<vmem>>, vector<10000x128xf32>,
    return
  }
}

module attributes {stable_mosaic.version = 14 : i64} {
  func.func @_tc_mid_body(%arg0: memref<2x10240x128xf32, #tpu.memory_space<vmem>>, %arg1: memref<10000x1xf32, #tpu.memory_space<vmem>>, %arg2: memref<10000x1xf32, #tpu.memory_space<vmem>>, %arg3: memref<128x128xf32, #tpu.memory_space<vmem>>, %arg4: memref<128xf32, #tpu.memory_space<vmem>>, %arg5: memref<128xf32, #tpu.memory_space<vmem>>, %arg6: memref<128xf32, #tpu.memory_space<vmem>>, %arg7: memref<10000x128xf32, #tpu.memory_space<vmem>>) attributes {dimension_semantics = [], scalar_prefetch = 0 : i64, scratch_operands = 0 : i64, tpu.core_type = #tpu.core_type<tc>} {
    %get3A = arith.constant 0 : index
    %get3A_0 = arith.constant 0 : index
    %get3A_1 = arith.constant 0 : index
    %get3A_2 = vector.load %arg0[%get3A, %get3A_0, %get3A_1] : memref<2x10240x128xf32, #tpu.memory_space<vmem>>, vector<1x10000x128xf32>
    %get3A_3 = vector.shape_cast %get3A_2 : vector<1x10000x128xf32> to vector<10000x128xf32>
    %get3A_4 = arith.constant 1 : index
    %get3A_5 = arith.constant 0 : index
    %get3A_6 = arith.constant 0 : index
    %get3A_7 = vector.load %arg0[%get3A_4, %get3A_5, %get3A_6] : memref<2x10240x128xf32, #tpu.memory_space<vmem>>, vector<1x10000x128xf32>
    %get3A_8 = vector.shape_cast %get3A_7 : vector<1x10000x128xf32> to vector<10000x128xf32>
    %add3A = arith.addf %get3A_3, %get3A_8 : vector<10000x128xf32>
    %get3A_9 = arith.constant 0 : index
    %get3A_10 = arith.constant 0 : index
    %get3A_11 = vector.load %arg1[%get3A_9, %get3A_10] : memref<10000x1xf32, #tpu.memory_space<vmem>>, vector<10000x1xf32>
    %mul3A = vector.broadcast %get3A_11 : vector<10000x1xf32> to vector<10000x128xf32>
    %mul3A_12 = arith.mulf %add3A, %mul3A : vector<10000x128xf32>
    %get3A_13 = arith.constant 0 : index
    %get3A_14 = arith.constant 0 : index
    %get3A_15 = vector.load %arg3[%get3A_13, %get3A_14] : memref<128x128xf32, #tpu.memory_space<vmem>>, vector<128x128xf32>
    %dot_general3A = arith.constant dense<0.000000e+00> : vector<10000x128xf32>
    %dot_general3A_16 = tpu.matmul %mul3A_12, %get3A_15, %dot_general3A {dimension_numbers = #tpu.dot_dimension_numbers<[1], [0], [0], [1], [0, 0, 1, 1], [], []>, transpose_lhs_hint = false} : vector<10000x128xf32>, vector<128x128xf32>, vector<10000x128xf32> -> vector<10000x128xf32>
    %get3A_17 = arith.constant 0 : index
    %get3A_18 = vector.load %arg4[%get3A_17] : memref<128xf32, #tpu.memory_space<vmem>>, vector<128xf32>
    %broadcast_in_dim3A = vector.shape_cast %get3A_18 : vector<128xf32> to vector<1x128xf32>
    %add3A_19 = vector.broadcast %broadcast_in_dim3A : vector<1x128xf32> to vector<10000x128xf32>
    %add3A_20 = arith.addf %dot_general3A_16, %add3A_19 : vector<10000x128xf32>
    %reduce_sum3A = arith.constant dense<0.000000e+00> : vector<128xf32>
    %reduce_sum3A_21 = vector.multi_reduction <add>, %add3A_20, %reduce_sum3A [0] : vector<10000x128xf32> to vector<128xf32>
    %broadcast_in_dim3A_22 = vector.shape_cast %reduce_sum3A_21 : vector<128xf32> to vector<1x128xf32>
    %div3A = arith.constant 1.000000e+04 : f32
    %div3A_23 = vector.broadcast %div3A : f32 to vector<1x128xf32>
    %div3A_24 = arith.divf %broadcast_in_dim3A_22, %div3A_23 : vector<1x128xf32>
    %sub3A = vector.broadcast %div3A_24 : vector<1x128xf32> to vector<10000x128xf32>
    %sub3A_25 = arith.subf %add3A_20, %sub3A : vector<10000x128xf32>
    %integer_pow3A = arith.mulf %sub3A_25, %sub3A_25 : vector<10000x128xf32>
    %reduce_sum3A_26 = arith.constant dense<0.000000e+00> : vector<128xf32>
    %reduce_sum3A_27 = vector.multi_reduction <add>, %integer_pow3A, %reduce_sum3A_26 [0] : vector<10000x128xf32> to vector<128xf32>
    %broadcast_in_dim3A_28 = vector.shape_cast %reduce_sum3A_27 : vector<128xf32> to vector<1x128xf32>
    %div3A_29 = arith.constant 1.000000e+04 : f32
    %div3A_30 = vector.broadcast %div3A_29 : f32 to vector<1x128xf32>
    %div3A_31 = arith.divf %broadcast_in_dim3A_28, %div3A_30 : vector<1x128xf32>
    %sub3A_32 = vector.broadcast %div3A_24 : vector<1x128xf32> to vector<10000x128xf32>
    %sub3A_33 = arith.subf %add3A_20, %sub3A_32 : vector<10000x128xf32>
    %add3A_34 = arith.constant 9.99999974E-6 : f32
    %add3A_35 = vector.broadcast %add3A_34 : f32 to vector<1x128xf32>
    %add3A_36 = arith.addf %div3A_31, %add3A_35 : vector<1x128xf32>
    %rsqrt3A = math.rsqrt %add3A_36 : vector<1x128xf32>
    %mul3A_37 = vector.broadcast %rsqrt3A : vector<1x128xf32> to vector<10000x128xf32>
    %mul3A_38 = arith.mulf %sub3A_33, %mul3A_37 : vector<10000x128xf32>
    %get3A_39 = arith.constant 0 : index
    %get3A_40 = vector.load %arg5[%get3A_39] : memref<128xf32, #tpu.memory_space<vmem>>, vector<128xf32>
    %broadcast_in_dim3A_41 = vector.shape_cast %get3A_40 : vector<128xf32> to vector<1x128xf32>
    %mul3A_42 = vector.broadcast %broadcast_in_dim3A_41 : vector<1x128xf32> to vector<10000x128xf32>
    %mul3A_43 = arith.mulf %mul3A_38, %mul3A_42 : vector<10000x128xf32>
    %get3A_44 = arith.constant 0 : index
    %get3A_45 = vector.load %arg6[%get3A_44] : memref<128xf32, #tpu.memory_space<vmem>>, vector<128xf32>
    %broadcast_in_dim3A_46 = vector.shape_cast %get3A_45 : vector<128xf32> to vector<1x128xf32>
    %add3A_47 = vector.broadcast %broadcast_in_dim3A_46 : vector<1x128xf32> to vector<10000x128xf32>
    %add3A_48 = arith.addf %mul3A_43, %add3A_47 : vector<10000x128xf32>
    %max3A = arith.constant 0.000000e+00 : f32
    %max3A_49 = vector.broadcast %max3A : f32 to vector<10000x128xf32>
    %max3A_50 = arith.maximumf %add3A_48, %max3A_49 : vector<10000x128xf32>
    %get3A_51 = arith.constant 0 : index
    %get3A_52 = arith.constant 0 : index
    %get3A_53 = vector.load %arg2[%get3A_51, %get3A_52] : memref<10000x1xf32, #tpu.memory_space<vmem>>, vector<10000x1xf32>
    %mul3A_54 = vector.broadcast %get3A_53 : vector<10000x1xf32> to vector<10000x128xf32>
    %mul3A_55 = arith.mulf %max3A_50, %mul3A_54 : vector<10000x128xf32>
    %swap3A = arith.constant 0 : index
    %swap3A_56 = arith.constant 0 : index
    %swap3A_57 = vector.load %arg7[%swap3A, %swap3A_56] : memref<10000x128xf32, #tpu.memory_space<vmem>>, vector<10000x128xf32>
    tpu.vector_store %arg7[%swap3A, %swap3A_56], %mul3A_55 {strides = array<i32>} : memref<10000x128xf32, #tpu.memory_space<vmem>>, vector<10000x128xf32>,
    return
  }
}

module attributes {stable_mosaic.version = 14 : i64} {
  func.func @_tc_final_body(%arg0: memref<2x10240x128xf32, #tpu.memory_space<vmem>>, %arg1: memref<10000x1xf32, #tpu.memory_space<vmem>>, %arg2: memref<128x128xf32, #tpu.memory_space<vmem>>, %arg3: memref<128xf32, #tpu.memory_space<vmem>>, %arg4: memref<10000x128xf32, #tpu.memory_space<vmem>>) attributes {dimension_semantics = [], scalar_prefetch = 0 : i64, scratch_operands = 0 : i64, tpu.core_type = #tpu.core_type<tc>} {
    %get3A = arith.constant 0 : index
    %get3A_0 = arith.constant 0 : index
    %get3A_1 = arith.constant 0 : index
    %get3A_2 = vector.load %arg0[%get3A, %get3A_0, %get3A_1] : memref<2x10240x128xf32, #tpu.memory_space<vmem>>, vector<1x10000x128xf32>
    %get3A_3 = vector.shape_cast %get3A_2 : vector<1x10000x128xf32> to vector<10000x128xf32>
    %get3A_4 = arith.constant 1 : index
    %get3A_5 = arith.constant 0 : index
    %get3A_6 = arith.constant 0 : index
    %get3A_7 = vector.load %arg0[%get3A_4, %get3A_5, %get3A_6] : memref<2x10240x128xf32, #tpu.memory_space<vmem>>, vector<1x10000x128xf32>
    %get3A_8 = vector.shape_cast %get3A_7 : vector<1x10000x128xf32> to vector<10000x128xf32>
    %add3A = arith.addf %get3A_3, %get3A_8 : vector<10000x128xf32>
    %get3A_9 = arith.constant 0 : index
    %get3A_10 = arith.constant 0 : index
    %get3A_11 = vector.load %arg1[%get3A_9, %get3A_10] : memref<10000x1xf32, #tpu.memory_space<vmem>>, vector<10000x1xf32>
    %mul3A = vector.broadcast %get3A_11 : vector<10000x1xf32> to vector<10000x128xf32>
    %mul3A_12 = arith.mulf %add3A, %mul3A : vector<10000x128xf32>
    %get3A_13 = arith.constant 0 : index
    %get3A_14 = arith.constant 0 : index
    %get3A_15 = vector.load %arg2[%get3A_13, %get3A_14] : memref<128x128xf32, #tpu.memory_space<vmem>>, vector<128x128xf32>
    %dot_general3A = arith.constant dense<0.000000e+00> : vector<10000x128xf32>
    %dot_general3A_16 = tpu.matmul %mul3A_12, %get3A_15, %dot_general3A {dimension_numbers = #tpu.dot_dimension_numbers<[1], [0], [0], [1], [0, 0, 1, 1], [], []>, transpose_lhs_hint = false} : vector<10000x128xf32>, vector<128x128xf32>, vector<10000x128xf32> -> vector<10000x128xf32>
    %get3A_17 = arith.constant 0 : index
    %get3A_18 = vector.load %arg3[%get3A_17] : memref<128xf32, #tpu.memory_space<vmem>>, vector<128xf32>
    %broadcast_in_dim3A = vector.shape_cast %get3A_18 : vector<128xf32> to vector<1x128xf32>
    %add3A_19 = vector.broadcast %broadcast_in_dim3A : vector<1x128xf32> to vector<10000x128xf32>
    %add3A_20 = arith.addf %dot_general3A_16, %add3A_19 : vector<10000x128xf32>
    %swap3A = arith.constant 0 : index
    %swap3A_21 = arith.constant 0 : index
    %swap3A_22 = vector.load %arg4[%swap3A, %swap3A_21] : memref<10000x128xf32, #tpu.memory_space<vmem>>, vector<10000x128xf32>
    tpu.vector_store %arg4[%swap3A, %swap3A_21], %add3A_20 {strides = array<i32>} : memref<10000x128xf32, #tpu.memory_space<vmem>>, vector<10000x128xf32>,
    return
  }
}

</mosaic_0001>

<sc_bundles>
// kernel: kernel.11.cloned.1.call-start
scs
__scs_entry_jumppad:
0x0: {  	(pc) =	sbr.rel $0x88, $3  }
0x1: {  	(tag) =	ssettag $0x0;
	lr =	simm.s32 $0x1  }
0x2: {  	[smem:$0x3F95] =	sst lr;
	_ =	strace $0xD0000000  }
0x3: {  	_ = 	snop  }
0x4: {  	_ = 	snop  }
0x5: {  	_ = 	snop  }
0x6: {  	_ = 	snop  }
0x7: {  	_ = 	snop  }
__scs_overlays_trampoline_lowered:
0x8: {  	[smem:$0x3FA4] =	sst s0  }
0x9: {  	[smem:$0x3FA5] =	sst s1  }
0xa: {  	[smem:$0x3FA6] =	sst s2  }
0xb: {  	[smem:$0x3FA7] =	sst s3  }
0xc: {  	[smem:$0x3FA8] =	sst s4  }
0xd: {  	[smem:$0x3FA9] =	sst s5  }
0xe: {  	[smem:$0x3FAA] =	sst s6  }
0xf: {  	[smem:$0x3FAB] =	sst s7  }
0x10: {  	[smem:$0x3FAC] =	sst s8  }
0x11: {  	[smem:$0x3FAD] =	sst s9;
	s0 =	simm.s32 @!p0 $0x0  }
0x12: {  	s1 =	sld [smem:$0x3F93];
	s0 =	simm.s32 @p0 $0x1  }
0x13: {  	[smem:$0x3FAE] =	sst s0;
	s0 =	simm.s32 @!p1 $0x0  }
0x14: {  	s2 =	sld [smem:$0x3F92];
	s0 =	simm.s32 @p1 $0x1  }
0x15: {  	[smem:$0x3FAF] =	sst s0;
	s0 =	simm.s32 @!p2 $0x0  }
0x16: {  	s3 =	sld [smem:$0x3FDB];
	s0 =	simm.s32 @p2 $0x1  }
0x17: {  	s4 =	simm.s32 $0x1BF5;
	[smem:$0x3FB1] =	sst s0  }
0x18: {  	s0 =	sld [smem:$0x3F94];
	_ =	swait.ge [sflag:s4], $0x0  }
0x19: {  	s7 =	sld [smem:$0x3F95]  }
0x1a: {  	s8 =	sadd.s32 $0xFFFFE003, lr  }
0x1b: {  	s9 =	sadd.s32 $0xFFFFFEF7, lr;
	s5 =	simm.s32 $0xFFFFFFFF;
	p2 =	slt.u32 s8, $0xFFFFF086  }
0x1c: {  	p1 =	slt.u32 s9, $0xF7A;
	s5 =	simm.s32 @!p2 $0x0  }
0x1d: {  	s5 =	simm.s32 @p1 $0x1;
	p0 =	seq.s32 s7, s2  }
0x1e: {  	s7 =	smul.u32 @!p0 $0xF7A, s2;
	p2 =	seq.s32 @!p0 s5, $0x0  }
0x1f: {  	s9 =	smul.u32 $0xF7A, s1;
	s8 =	simm.s32 @!p0 $0x1BF5;
	p2 =	por !p2, p0  }
0x20: {  	[sflag:s8] =	ssyncset.s32 @!p0 $0xFFFFF086;
	s6 =	sadd.s32 @!p0 s3, s7;
	s7 =	simm.s32 @!p0 $0x108  }
0x21: {  	s3 =	sadd.s32 s3, s9;
	s6 =	sadd.s32 @!p0 $0x88, s6;
	s7 =	simm.s32 @p2 $0x1082  }
0x22: {  	[simem:s7], [sflag:s8] =	dma.local @!p0 [hbm:s6], $0xF7A  }
0x23: {  	s9 =	sor.u32 $0xD0000000, s2;
	s6 =	simm.s32 $0x108;
	_ =	swait.ge @!p0 [sflag:s8], $0x0  }
0x24: {  	s3 =	sadd.s32 $0x88, s3;
	s6 =	simm.s32 @!p1 $0x1082;
	[sflag:s4] =	ssyncset.s32 $0xFFFFF086  }
0x25: {  	[simem:s6], [sflag:s4] =	dma.local [hbm:s3], $0xF7A  }
0x26: {  	[smem:$0x3F95] =	sst s1;
	(tag) =	ssettag s2;
	_ =	strace s9  }
0x27: {  	s1 =	sld [smem:$0x3FA5]  }
0x28: {  	s2 =	sld [smem:$0x3FA6]  }
0x29: {  	s4 =	sld [smem:$0x3FA8]  }
0x2a: {  	p0 =	seq.s32 s5, $0x0;
	s5 =	sld [smem:$0x3FA9]  }
0x2b: {  	s6 =	sld [smem:$0x3FAA]  }
0x2c: {  	s7 =	sld [smem:$0x3FAB]  }
0x2d: {  	s3 =	simm.s32 $0x108;
	s8 =	sld [smem:$0x3FAC]  }
0x2e: {  	s3 =	simm.s32 @!p0 $0x1082;
	s9 =	sld [smem:$0x3FAD]  }
0x2f: {  	lr =	sadd.s32 s0, s3;
	s0 =	sld [smem:$0x3FA4]  }
0x30: {  	s3 =	sld [smem:$0x3FA7]  }
0x31: {  	[smem:$0x3FB0] =	sst s10  }
0x32: {  	s10 =	sld [smem:$0x3FAE];
	_ =	sdelay $0x3  }
0x33: {  	p0 =	seq.s32 s10, $0x1;
	s10 =	sld [smem:$0x3FB0];
	_ =	sdelay $0x3  }
0x34: {  	[smem:$0x3FB0] =	sst s10  }
0x35: {  	s10 =	sld [smem:$0x3FAF];
	_ =	sdelay $0x3  }
0x36: {  	p1 =	seq.s32 s10, $0x1;
	s10 =	sld [smem:$0x3FB0];
	_ =	sdelay $0x3  }
0x37: {  	[smem:$0x3FB0] =	sst s10  }
0x38: {  	s10 =	sld [smem:$0x3FB1]  }
0x39: {  	_ = 	snop;
	(pc) =	sbr.ind lr, $3  }
0x3a: {  	_ = 	snop  }
0x3b: {  	_ = 	snop  }
0x3c: {  	p2 =	seq.s32 s10, $0x1;
	s10 =	sld [smem:$0x3FB0]  }
0x3d: {  	_ =	shalt  }
0x3e: {  	_ =	shalt  }
0x3f: {  	_ =	shalt  }
0x40: {  	_ =	shalt  }
0x41: {  	_ =	shalt  }
0x42: {  	_ =	shalt  }
0x43: {  	_ =	shalt  }
0x44: {  	_ =	shalt  }
0x45: {  	_ =	shalt  }
0x46: {  	_ =	shalt  }
0x47: {  	_ =	shalt  }
0x48: {  	_ =	shalt  }
0x49: {  	_ =	shalt  }
0x4a: {  	_ =	shalt  }
0x4b: {  	_ =	shalt  }
0x4c: {  	_ =	shalt  }
0x4d: {  	_ =	shalt  }
0x4e: {  	_ =	shalt  }
0x4f: {  	_ =	shalt  }
0x50: {  	_ =	shalt  }
0x51: {  	_ =	shalt  }
0x52: {  	_ =	shalt  }
0x53: {  	_ =	shalt  }
0x54: {  	_ =	shalt  }
0x55: {  	_ =	shalt  }
0x56: {  	_ =	shalt  }
0x57: {  	_ =	shalt  }
0x58: {  	_ =	shalt  }
0x59: {  	_ =	shalt  }
0x5a: {  	_ =	shalt  }
0x5b: {  	_ =	shalt  }
0x5c: {  	_ =	shalt  }
0x5d: {  	_ =	shalt  }
0x5e: {  	_ =	shalt  }
0x5f: {  	_ =	shalt  }
0x60: {  	_ =	shalt  }
0x61: {  	_ =	shalt  }
0x62: {  	_ =	shalt  }
0x63: {  	_ =	shalt  }
0x64: {  	_ =	shalt  }
0x65: {  	_ =	shalt  }
0x66: {  	_ =	shalt  }
0x67: {  	_ =	shalt  }
0x68: {  	_ =	shalt  }
0x69: {  	_ =	shalt  }
0x6a: {  	_ =	shalt  }
0x6b: {  	_ =	shalt  }
0x6c: {  	_ =	shalt  }
0x6d: {  	_ =	shalt  }
0x6e: {  	_ =	shalt  }
0x6f: {  	_ =	shalt  }
0x70: {  	_ =	shalt  }
0x71: {  	_ =	shalt  }
0x72: {  	_ =	shalt  }
0x73: {  	_ =	shalt  }
0x74: {  	_ =	shalt  }
0x75: {  	_ =	shalt  }
0x76: {  	_ =	shalt  }
0x77: {  	_ =	shalt  }
0x78: {  	_ =	shalt  }
0x79: {  	_ =	shalt  }
0x7a: {  	_ =	shalt  }
0x7b: {  	_ =	shalt  }
0x7c: {  	_ =	shalt  }
0x7d: {  	_ =	shalt  }
0x7e: {  	_ =	shalt  }
0x7f: {  	_ =	shalt  }
0x80: {  	_ =	shalt  }
0x81: {  	_ =	shalt  }
0x82: {  	_ =	shalt  }
0x83: {  	_ =	shalt  }
0x84: {  	_ =	shalt  }
0x85: {  	_ =	shalt  }
0x86: {  	_ =	shalt  }
0x87: {  	_ =	shalt  }
.Lfunc_end0:
.L_simem_size_0:
called_computation_lowered:
.L_overlay_start_0:
0x88: {  	s2 =	sld [smem:$0x3FD9]  }
0x89: {  	s3 =	sld [smem:$0x3FFE];
	_ =	sdelay $0x1  }
0x8a: {  	s1 =	srdreg.scid  }
0x8b: {  	s0 =	sand.u32 $0x1, s1  }
0x8c: {  	s17 =	sshll.u32 s0, $0xA;
	s2 =	sadd.s32 s3, s2  }
0x8d: {  	s2 =	sadd.s32 s2, s17  }
0x8e: {  	[smem:$0x3FBC] =	sst s2  }
0x8f: {  	_ = 	snop  }
0x90: {  	s2 =	sld [smem:$0x3FD0];
	(tm) =	ssettm $0x1  }
0x91: {  	s18 =	sld [smem:$0x3FFB];
	_ =	sdelay $0x3  }
0x92: {  	_ =	strace s18  }
0x93: {  	s3 =	sld [smem:$0x3FFC];
	_ =	sdelay $0x3  }
0x94: {  	_ =	strace s3  }
0x95: {  	s3 =	sld [smem:$0x3FFD];
	_ =	sdelay $0x3  }
0x96: {  	_ =	strace s3  }
0x97: {  	_ =	strace $0x8FFFFFFF  }
0x98: {  	s19 =	sld [smem:$0x3FDB];
	_ =	sdelay $0x1  }
0x99: {  	s4 =	simm.s32 $_scs_section_size  }
0x9a: {  	s5 =	simm.s32 $_size__tile_overlayer_lowered;
	s6 =	simm.s32 $_tile_overlayer_lowered  }
0x9b: {  	s22 =	simm.s32 $0x1BFF;
	s21 =	sshll.u32 s6, $0x1;
	s3 =	sadd.s32 s4, s19  }
0x9c: {  	s7 =	simm.s32 $0x0;
	s20 =	sshll.u32 s5, $0x1;
	s5 =	sadd.s32 s21, s3  }
0x9d: {  	[timem:s7], [sflag:s22] =	dma.local [hbm:s5], s20  }
0x9e: {  	_ =	swait.ge [sflag:s22], s20  }
0x9f: {  	s4 =	ssub.s32 $0x0, s20;
	[sflag:s22] =	ssyncset.done $0x0  }
0xa0: {  	[sflag:s22] =	ssyncadd.s32 s4;
	_ =	sdelay $0x1  }
0xa1: {  	s23 =	simm.s32 $0x1B8B  }
0xa2: {  	_ =	swait.ge [sflag:s23], $0x1  }
0xa3: {  	[sflag:s23] =	ssyncset.done $0x0  }
0xa4: {  	s25 =	simm.s32 $0x1B8E;
	s24 =	sld [smem:$0x3FFE];
	[sflag:s23] =	ssyncadd.s32 $0xFFFFFFFF  }
0xa5: {  	s26 =	simm.s32 $execute0_lowered;
	[smem:$0x3FD2] =	sst s25  }
0xa6: {  	s5 =	sshll.u32 s26, $0x1;
	_ =	strace $0x80000046;
	[dreg:$0x1] =	wrdreg $0xFFFFFFFF  }
0xa7: {  	s28 =	simm.s32 $_size_execute0_lowered;
	s3 =	sadd.s32 s3, s5;
	[dreg:$0x0] =	wrdreg $0x0  }
0xa8: {  	s5 =	sshll.u32 s28, $0x1;
	[dreg:$0x2] =	wrdreg s3  }
0xa9: {  	[dreg:$0x3] =	wrdreg s5  }
0xaa: {  	[dreg:$0x4] =	wrdreg $0xC0  }
0xab: {  	_ =	task [dreg:s7], $0x5FFFF  }
0xac: {  	[dreg:$0x1] =	wrdreg $0xFFFFFFFF  }
0xad: {  	[dreg:$0x0] =	wrdreg $0x60  }
0xae: {  	[dreg:$0x2] =	wrdreg s24  }
0xaf: {  	[dreg:$0x3] =	wrdreg s2  }
0xb0: {  	[dreg:$0x4] =	wrdreg $0x9  }
0xb1: {  	_ =	task.clear_ibuf [dreg:s7], $0x5FFFF;
	_ =	strace $0x90000046  }
0xb2: {  	s29 =	simm.s32 $0x9;
	_ =	strace $0x80000048  }
0xb3: {  	_ =	swait.ge [sflag:s29], $0x1  }
0xb4: {  	[sflag:s29] =	ssyncadd.s32 $0xFFFFFFFF  }
0xb5: {  	_ =	strace $0x90000048  }
0xb6: {  	_ =	sfence  }
0xb7: {  	s30 =	sld [smem:$0x0];
	_ =	sdelay $0x2  }
0xb8: {  	s31 =	sshll.u32 s1, $0xD;
	s1 =	sshrl.u32 s1, $0x2  }
0xb9: {  	s3 =	sand.u32 $0x4000, s31;
	s1 =	sadd.s32 s1, s30  }
0xba: {  	s0 =	sor.u32 s3, s0;
	s1 =	sshll.u32 s1, $0x11  }
0xbb: {  	s0 =	sor.u32 s1, s0  }
0xbc: {  	s0 =	sadd.s32 $0x8F2B, s0  }
0xbd: {  	[sflag:s0] =	ssyncadd.remote.s32 $0x1  }
0xbe: {  	_ =	sfence.sel $0xFFFF  }
0xbf: {  	[dreg:$0x0] =	wrdreg $0xFFFFFFFF;
	(pc) =	sbr.abs _section_cstart, $3  }
0xc0: {  	[dreg:$0x1] =	wrdreg $0xFFFFFFFF  }
0xc1: {  	_ =	task.clear_ibuf [dreg:s7], $0x2FFFF;
	_ =	strace $0x9FFFFFFF  }
0xc2: {  	(tm) =	ssettm $0x7FFFFFFF  }
0xc3: {  	_ =	shalt  }
tec
execute0_lowered:
.L_overlay_start_1:
0x0: {  	(tag) =	ssettag $0x1  }
0x1: {  	s3 =	rddreg [dreg:$0x0];
	s1 =	srdreg.scid  }
0x2: {  	s0 =	stileid.u32;
	s5 =	rddreg [dreg:$0x1];
	s10 =	simm.s32 $0x4F00  }
0x3: {  	s11 =	simm.s32 $0x7680;
	s12 =	simm.s32 $0x80;
	s13 =	simm.s32 $0x400  }
0x4: {  	s14 =	simm.s32 $0x0;
	s4 =	sand.u32 $0x1, s1;
	s2 =	sshll.u32 s0, $0x1  }
0x5: {  	s1 =	rddreg [dreg:$0x2];
	s7 =	sshrl.u32 s0, $0x2;
	s6 =	sor.u32 s4, s2  }
0x6: {  	s2 =	simm.s32 $0x0;
	s7 =	smul.u32 $0x13C00, s7;
	s8 =	sshll.u32 s6, $0x7  }
0x7: {  	s4 =	ssub.s32 $0x2, s4;
	s6 =	smul.u32 $0x4E2, s6;
	s8 =	sand.u32 $0x380, s8  }
0x8: {  	[smem:$0x7FF] =	sst s2;
	s31 =	sshrl.u32 s4, $0x1;
	s7 =	sor.u32 s7, s8  }
0x9: {  	_ =	strace $0x80000047;
	s6 =	sadd.s32 s6, s3;
	s7 =	sshrl.u32 s7, $0x3  }
0xa: {  	s8 =	ssub.s32 s4, s31;
	s4 =	sadd.s32 $0x3600, s6;
	s9 =	sadd.s32 s7, s3  }
0xb: {  	s3 =	sadd.s32 $0xD400, s6;
	s5 =	sadd.s32 s5, s7;
	s7 =	smax.u32 s8, $0x1  }
0xc: {  	v0 =	vimm.f32 $0.0e+00;
	v1 =	vimm.f32 $1.000000000e+00;
	s8 =	simm.s32 $0x1;
	s6 =	sadd.s32 $0x17200, s9;
	s9 =	simm.s32 $0x2780  }
.LBB2_1:
0xd: {  	[tilespmem:s2], [sflag:$0x1] =	stream.linear.gather [hbm4b:s3+s2], $0x2710, $0x38;
	[tilespmem:$0x9E00] =	vst v63  }
0xe: {  	_ =	swait.ge [sflag:s8], $0x2710  }
0xf: {  	[sflag:s8] =	ssyncset.done $0x0  }
0x10: {  	[sflag:s8] =	ssyncadd.s32 $0xFFFFD8F0  }
0x11: {  	[tilespmem:s9], [sflag:$0x1] =	stream.linear.gather [hbm4b:s4+s2], $0x2710, $0x38;
	[tilespmem:$0x9E00] =	vst v63  }
0x12: {  	_ =	swait.ge [sflag:s8], $0x2710  }
0x13: {  	[sflag:s8] =	ssyncset.done $0x0  }
0x14: {  	s15 =	simm.s32 $0x0;
	[sflag:s8] =	ssyncadd.s32 $0xFFFFD8F0  }
.LBB2_2:
0x15: {  	p0 =	sne.s32 s15, $0x9C00  }
.Ltmp0:
0x16: {  	_ = 	snop;
	(pc) =	sbr.rel @p0 .LBB2_2-.Ltmp0, $4  }
0x17: {  	_ = 	snop  }
0x18: {  	s16 =	sshra.s32 s15, $0x2  }
0x19: {  	[tilespmem:s16+$0x4F00] =	vst v0  }
0x1a: {  	s15 =	sadd.s32 $0x40, s15;
	[tilespmem:s16+$0x7680] =	vst v0  }
0x1b: {  	s16 =	simm.s32 $0x0  }
0x1c: {  	s15 =	simm.s32 $0x40;
	v2 =	vld [tilespmem:s16+$0x0]  }
.LBB2_4:
0x1d: {  	p0 =	sne.s32 s15, $0x9C00;
	v3 =	vld [tilespmem:s16+$0x2780];
	_ =	sdelay $0x4  }
.Ltmp1:
0x1e: {  	(pc) =	sbr.rel @p0 .LBB2_4-.Ltmp1, $4  }
0x1f: {  	_ = 	snop  }
0x20: {  	[tilespmem:v2+s10+$0x0] =	vst.idx.add.f32.msk $0xffff, v1  }
0x21: {  	s16 =	sshra.s32 s15, $0x2;
	[tilespmem:v3+s11+$0x0] =	vst.idx.add.f32.msk $0xffff, v1  }
0x22: {  	s15 =	sadd.s32 $0x40, s15;
	v2 =	vld [tilespmem:s16+$0x0]  }
0x23: {  	_ = 	snop  }
0x24: {  	v3 =	vld [tilespmem:s16+$0x2780];
	_ =	sdelay $0x6  }
0x25: {  	[tilespmem:v2+s10+$0x0] =	vst.idx.add.f32.msk $0xffff, v1  }
0x26: {  	[tilespmem:v3+s11+$0x0] =	vst.idx.add.f32.msk $0xffff, v1  }
0x27: {  	[hbm4b:s5+s12] =	stream.strided.scatter [tilespmem:s10], [sflag:$0x1], $0x2780, s13, s12, $0x38;
	[tilespmem:$0x9E00] =	vst v63  }
0x28: {  	s14 =	sadd.s32 $0x1, s14;
	_ =	swait.ge [sflag:s8], $0x2780  }
0x29: {  	p0 =	sne.s32 s14, s7;
	[sflag:s8] =	ssyncset.done $0x0  }
.Ltmp2:
0x2a: {  	[sflag:s8] =	ssyncadd.s32 $0xFFFFD880;
	(pc) =	sbr.rel @p0 .LBB2_1-.Ltmp2, $4  }
0x2b: {  	[hbm4b:s6+s12] =	stream.strided.scatter [tilespmem:s11], [sflag:$0x1], $0x2780, s13, s12, $0x38;
	[tilespmem:$0x9E00] =	vst v63  }
0x2c: {  	_ =	swait.ge [sflag:s8], $0x2780  }
0x2d: {  	[sflag:s8] =	ssyncset.done $0x0  }
0x2e: {  	[sflag:s8] =	ssyncadd.s32 $0xFFFFD880  }
0x2f: {  	_ =	sfence.sel $0x180000  }
0x30: {  	[bflag:$0x0] =	sbarrier.arrive $0xFFFF  }
0x31: {  	p0 =	sne.s32 s0, $0x0;
	_ =	strace $0x90000047  }
0x32: {  	s0 =	sadd.s32 @!p0 $0x100000, s1;
	[bflag:$0x2] =	sbarrier.arrive $0xFFFF  }
0x33: {  	[sflag:s0] =	ssyncadd.tile.s32 @!p0 $0x1;
	_ =	shalt  }
.Lfunc_end2:
_tile_overlayer_lowered:
.L_overlay_start_2:
0x34: {  	(tag) =	ssettag $0x2  }
0x35: {  	s0 =	rddreg [dreg:$0x0];
	s2 =	stileid.u32  }
0x36: {  	s1 =	rddreg [dreg:$0x1];
	p0 =	sne.s32 s2, $0x0  }
0x37: {  	s3 =	rddreg [dreg:$0x2];
	[bflag:$0x3] =	sbarrier.arrive $0xFFFF;
	s2 =	simm.s32 @!p0 $0x1C01  }
0x38: {  	[timem:s3], [sflag:s2] =	dma.local @!p0 [hbm:s0], s1  }
0x39: {  	s0 =	simm.s32 @!p0 $0x1  }
0x3a: {  	_ =	swait.ge @!p0 [sflag:s0], s1  }
0x3b: {  	s1 =	ssub.s32 @!p0 $0x0, s1;
	[sflag:s0] =	ssyncset.done @!p0 $0x0  }
0x3c: {  	[sflag:s0] =	ssyncadd.s32 @!p0 s1  }
0x3d: {  	[bflag:$0x3] =	sbarrier.arrive $0xFFFF  }
0x3e: {  	_ =	shalt  }

// kernel: kernel.14.cloned.1.call-start
scs
__scs_entry_jumppad:
0x0: {  	(pc) =	sbr.rel $0x88, $3  }
0x1: {  	(tag) =	ssettag $0x0;
	lr =	simm.s32 $0x1  }
0x2: {  	[smem:$0x3F95] =	sst lr;
	_ =	strace $0xD0000000  }
0x3: {  	_ = 	snop  }
0x4: {  	_ = 	snop  }
0x5: {  	_ = 	snop  }
0x6: {  	_ = 	snop  }
0x7: {  	_ = 	snop  }
__scs_overlays_trampoline_lowered:
0x8: {  	[smem:$0x3FA4] =	sst s0  }
0x9: {  	[smem:$0x3FA5] =	sst s1  }
0xa: {  	[smem:$0x3FA6] =	sst s2  }
0xb: {  	[smem:$0x3FA7] =	sst s3  }
0xc: {  	[smem:$0x3FA8] =	sst s4  }
0xd: {  	[smem:$0x3FA9] =	sst s5  }
0xe: {  	[smem:$0x3FAA] =	sst s6  }
0xf: {  	[smem:$0x3FAB] =	sst s7  }
0x10: {  	[smem:$0x3FAC] =	sst s8  }
0x11: {  	[smem:$0x3FAD] =	sst s9;
	s0 =	simm.s32 @!p0 $0x0  }
0x12: {  	s1 =	sld [smem:$0x3F93];
	s0 =	simm.s32 @p0 $0x1  }
0x13: {  	[smem:$0x3FAE] =	sst s0;
	s0 =	simm.s32 @!p1 $0x0  }
0x14: {  	s2 =	sld [smem:$0x3F92];
	s0 =	simm.s32 @p1 $0x1  }
0x15: {  	[smem:$0x3FAF] =	sst s0;
	s0 =	simm.s32 @!p2 $0x0  }
0x16: {  	s3 =	sld [smem:$0x3FDB];
	s0 =	simm.s32 @p2 $0x1  }
0x17: {  	s4 =	simm.s32 $0x1BF5;
	[smem:$0x3FB1] =	sst s0  }
0x18: {  	s0 =	sld [smem:$0x3F94];
	_ =	swait.ge [sflag:s4], $0x0  }
0x19: {  	s7 =	sld [smem:$0x3F95]  }
0x1a: {  	s8 =	sadd.s32 $0xFFFFE003, lr  }
0x1b: {  	s9 =	sadd.s32 $0xFFFFFEF7, lr;
	s5 =	simm.s32 $0xFFFFFFFF;
	p2 =	slt.u32 s8, $0xFFFFF086  }
0x1c: {  	p1 =	slt.u32 s9, $0xF7A;
	s5 =	simm.s32 @!p2 $0x0  }
0x1d: {  	s5 =	simm.s32 @p1 $0x1;
	p0 =	seq.s32 s7, s2  }
0x1e: {  	s7 =	smul.u32 @!p0 $0xF7A, s2;
	p2 =	seq.s32 @!p0 s5, $0x0  }
0x1f: {  	s9 =	smul.u32 $0xF7A, s1;
	s8 =	simm.s32 @!p0 $0x1BF5;
	p2 =	por !p2, p0  }
0x20: {  	[sflag:s8] =	ssyncset.s32 @!p0 $0xFFFFF086;
	s6 =	sadd.s32 @!p0 s3, s7;
	s7 =	simm.s32 @!p0 $0x108  }
0x21: {  	s3 =	sadd.s32 s3, s9;
	s6 =	sadd.s32 @!p0 $0x88, s6;
	s7 =	simm.s32 @p2 $0x1082  }
0x22: {  	[simem:s7], [sflag:s8] =	dma.local @!p0 [hbm:s6], $0xF7A  }
0x23: {  	s9 =	sor.u32 $0xD0000000, s2;
	s6 =	simm.s32 $0x108;
	_ =	swait.ge @!p0 [sflag:s8], $0x0  }
0x24: {  	s3 =	sadd.s32 $0x88, s3;
	s6 =	simm.s32 @!p1 $0x1082;
	[sflag:s4] =	ssyncset.s32 $0xFFFFF086  }
0x25: {  	[simem:s6], [sflag:s4] =	dma.local [hbm:s3], $0xF7A  }
0x26: {  	[smem:$0x3F95] =	sst s1;
	(tag) =	ssettag s2;
	_ =	strace s9  }
0x27: {  	s1 =	sld [smem:$0x3FA5]  }
0x28: {  	s2 =	sld [smem:$0x3FA6]  }
0x29: {  	s4 =	sld [smem:$0x3FA8]  }
0x2a: {  	p0 =	seq.s32 s5, $0x0;
	s5 =	sld [smem:$0x3FA9]  }
0x2b: {  	s6 =	sld [smem:$0x3FAA]  }
0x2c: {  	s7 =	sld [smem:$0x3FAB]  }
0x2d: {  	s3 =	simm.s32 $0x108;
	s8 =	sld [smem:$0x3FAC]  }
0x2e: {  	s3 =	simm.s32 @!p0 $0x1082;
	s9 =	sld [smem:$0x3FAD]  }
0x2f: {  	lr =	sadd.s32 s0, s3;
	s0 =	sld [smem:$0x3FA4]  }
0x30: {  	s3 =	sld [smem:$0x3FA7]  }
0x31: {  	[smem:$0x3FB0] =	sst s10  }
0x32: {  	s10 =	sld [smem:$0x3FAE];
	_ =	sdelay $0x3  }
0x33: {  	p0 =	seq.s32 s10, $0x1;
	s10 =	sld [smem:$0x3FB0];
	_ =	sdelay $0x3  }
0x34: {  	[smem:$0x3FB0] =	sst s10  }
0x35: {  	s10 =	sld [smem:$0x3FAF];
	_ =	sdelay $0x3  }
0x36: {  	p1 =	seq.s32 s10, $0x1;
	s10 =	sld [smem:$0x3FB0];
	_ =	sdelay $0x3  }
0x37: {  	[smem:$0x3FB0] =	sst s10  }
0x38: {  	s10 =	sld [smem:$0x3FB1]  }
0x39: {  	_ = 	snop;
	(pc) =	sbr.ind lr, $3  }
0x3a: {  	_ = 	snop  }
0x3b: {  	_ = 	snop  }
0x3c: {  	p2 =	seq.s32 s10, $0x1;
	s10 =	sld [smem:$0x3FB0]  }
0x3d: {  	_ =	shalt  }
0x3e: {  	_ =	shalt  }
0x3f: {  	_ =	shalt  }
0x40: {  	_ =	shalt  }
0x41: {  	_ =	shalt  }
0x42: {  	_ =	shalt  }
0x43: {  	_ =	shalt  }
0x44: {  	_ =	shalt  }
0x45: {  	_ =	shalt  }
0x46: {  	_ =	shalt  }
0x47: {  	_ =	shalt  }
0x48: {  	_ =	shalt  }
0x49: {  	_ =	shalt  }
0x4a: {  	_ =	shalt  }
0x4b: {  	_ =	shalt  }
0x4c: {  	_ =	shalt  }
0x4d: {  	_ =	shalt  }
0x4e: {  	_ =	shalt  }
0x4f: {  	_ =	shalt  }
0x50: {  	_ =	shalt  }
0x51: {  	_ =	shalt  }
0x52: {  	_ =	shalt  }
0x53: {  	_ =	shalt  }
0x54: {  	_ =	shalt  }
0x55: {  	_ =	shalt  }
0x56: {  	_ =	shalt  }
0x57: {  	_ =	shalt  }
0x58: {  	_ =	shalt  }
0x59: {  	_ =	shalt  }
0x5a: {  	_ =	shalt  }
0x5b: {  	_ =	shalt  }
0x5c: {  	_ =	shalt  }
0x5d: {  	_ =	shalt  }
0x5e: {  	_ =	shalt  }
0x5f: {  	_ =	shalt  }
0x60: {  	_ =	shalt  }
0x61: {  	_ =	shalt  }
0x62: {  	_ =	shalt  }
0x63: {  	_ =	shalt  }
0x64: {  	_ =	shalt  }
0x65: {  	_ =	shalt  }
0x66: {  	_ =	shalt  }
0x67: {  	_ =	shalt  }
0x68: {  	_ =	shalt  }
0x69: {  	_ =	shalt  }
0x6a: {  	_ =	shalt  }
0x6b: {  	_ =	shalt  }
0x6c: {  	_ =	shalt  }
0x6d: {  	_ =	shalt  }
0x6e: {  	_ =	shalt  }
0x6f: {  	_ =	shalt  }
0x70: {  	_ =	shalt  }
0x71: {  	_ =	shalt  }
0x72: {  	_ =	shalt  }
0x73: {  	_ =	shalt  }
0x74: {  	_ =	shalt  }
0x75: {  	_ =	shalt  }
0x76: {  	_ =	shalt  }
0x77: {  	_ =	shalt  }
0x78: {  	_ =	shalt  }
0x79: {  	_ =	shalt  }
0x7a: {  	_ =	shalt  }
0x7b: {  	_ =	shalt  }
0x7c: {  	_ =	shalt  }
0x7d: {  	_ =	shalt  }
0x7e: {  	_ =	shalt  }
0x7f: {  	_ =	shalt  }
0x80: {  	_ =	shalt  }
0x81: {  	_ =	shalt  }
0x82: {  	_ =	shalt  }
0x83: {  	_ =	shalt  }
0x84: {  	_ =	shalt  }
0x85: {  	_ =	shalt  }
0x86: {  	_ =	shalt  }
0x87: {  	_ =	shalt  }
.Lfunc_end0:
.L_simem_size_0:
called_computation.1_lowered:
.L_overlay_start_0:
0x88: {  	s2 =	sld [smem:$0x3FD9]  }
0x89: {  	s3 =	sld [smem:$0x3FFE];
	_ =	sdelay $0x1  }
0x8a: {  	s1 =	srdreg.scid  }
0x8b: {  	s0 =	sand.u32 $0x1, s1  }
0x8c: {  	s17 =	sshll.u32 s0, $0xA;
	s2 =	sadd.s32 s3, s2  }
0x8d: {  	s2 =	sadd.s32 s2, s17  }
0x8e: {  	[smem:$0x3FBC] =	sst s2  }
0x8f: {  	_ = 	snop  }
0x90: {  	s2 =	sld [smem:$0x3FD0];
	(tm) =	ssettm $0x1  }
0x91: {  	s18 =	sld [smem:$0x3FFB];
	_ =	sdelay $0x3  }
0x92: {  	_ =	strace s18  }
0x93: {  	s3 =	sld [smem:$0x3FFC];
	_ =	sdelay $0x3  }
0x94: {  	_ =	strace s3  }
0x95: {  	s3 =	sld [smem:$0x3FFD];
	_ =	sdelay $0x3  }
0x96: {  	_ =	strace s3  }
0x97: {  	_ =	strace $0x8FFFFFFF  }
0x98: {  	s19 =	sld [smem:$0x3FDB];
	_ =	sdelay $0x1  }
0x99: {  	s4 =	simm.s32 $_scs_section_size  }
0x9a: {  	s5 =	simm.s32 $_size__tile_overlayer_lowered;
	s6 =	simm.s32 $_tile_overlayer_lowered  }
0x9b: {  	s22 =	simm.s32 $0x1BFF;
	s21 =	sshll.u32 s6, $0x1;
	s3 =	sadd.s32 s4, s19  }
0x9c: {  	s7 =	simm.s32 $0x0;
	s20 =	sshll.u32 s5, $0x1;
	s5 =	sadd.s32 s21, s3  }
0x9d: {  	[timem:s7], [sflag:s22] =	dma.local [hbm:s5], s20  }
0x9e: {  	_ =	swait.ge [sflag:s22], s20  }
0x9f: {  	s4 =	ssub.s32 $0x0, s20;
	[sflag:s22] =	ssyncset.done $0x0  }
0xa0: {  	[sflag:s22] =	ssyncadd.s32 s4;
	_ =	sdelay $0x1  }
0xa1: {  	s23 =	simm.s32 $0x1B8B  }
0xa2: {  	_ =	swait.ge [sflag:s23], $0x1  }
0xa3: {  	[sflag:s23] =	ssyncset.done $0x0  }
0xa4: {  	s25 =	simm.s32 $0x1B8E;
	s24 =	sld [smem:$0x3FFE];
	[sflag:s23] =	ssyncadd.s32 $0xFFFFFFFF  }
0xa5: {  	s26 =	simm.s32 $execute0_lowered;
	[smem:$0x3FD2] =	sst s25  }
0xa6: {  	s5 =	sshll.u32 s26, $0x1;
	_ =	strace $0x80000049;
	[dreg:$0x1] =	wrdreg $0xFFFFFFFF  }
0xa7: {  	s28 =	simm.s32 $_size_execute0_lowered;
	s3 =	sadd.s32 s3, s5;
	[dreg:$0x0] =	wrdreg $0x0  }
0xa8: {  	s5 =	sshll.u32 s28, $0x1;
	[dreg:$0x2] =	wrdreg s3  }
0xa9: {  	[dreg:$0x3] =	wrdreg s5  }
0xaa: {  	[dreg:$0x4] =	wrdreg $0xC0  }
0xab: {  	_ =	task [dreg:s7], $0x5FFFF  }
0xac: {  	[dreg:$0x1] =	wrdreg $0xFFFFFFFF  }
0xad: {  	[dreg:$0x0] =	wrdreg $0x60  }
0xae: {  	[dreg:$0x2] =	wrdreg s2  }
0xaf: {  	[dreg:$0x3] =	wrdreg s24  }
0xb0: {  	[dreg:$0x4] =	wrdreg $0x7B000  }
0xb1: {  	[dreg:$0x5] =	wrdreg $0x9  }
0xb2: {  	_ =	task.clear_ibuf [dreg:s7], $0x6FFFF;
	_ =	strace $0x90000049  }
0xb3: {  	s29 =	simm.s32 $0x9;
	_ =	strace $0x8000004B  }
0xb4: {  	_ =	swait.ge [sflag:s29], $0x1  }
0xb5: {  	[sflag:s29] =	ssyncadd.s32 $0xFFFFFFFF  }
0xb6: {  	_ =	strace $0x9000004B  }
0xb7: {  	_ =	sfence  }
0xb8: {  	s30 =	sld [smem:$0x0];
	_ =	sdelay $0x2  }
0xb9: {  	s31 =	sshll.u32 s1, $0xD;
	s1 =	sshrl.u32 s1, $0x2  }
0xba: {  	s3 =	sand.u32 $0x4000, s31;
	s1 =	sadd.s32 s1, s30  }
0xbb: {  	s0 =	sor.u32 s3, s0;
	s1 =	sshll.u32 s1, $0x11  }
0xbc: {  	s0 =	sor.u32 s1, s0  }
0xbd: {  	s0 =	sadd.s32 $0x8F2B, s0  }
0xbe: {  	[sflag:s0] =	ssyncadd.remote.s32 $0x1  }
0xbf: {  	_ =	sfence.sel $0xFFFF  }
0xc0: {  	[dreg:$0x0] =	wrdreg $0xFFFFFFFF;
	(pc) =	sbr.abs _section_cstart, $3  }
0xc1: {  	[dreg:$0x1] =	wrdreg $0xFFFFFFFF  }
0xc2: {  	_ =	task.clear_ibuf [dreg:s7], $0x2FFFF;
	_ =	strace $0x9FFFFFFF  }
0xc3: {  	(tm) =	ssettm $0x7FFFFFFF  }
tec
execute0_lowered:
.L_overlay_start_1:
0x0: {  	(tag) =	ssettag $0x1  }
0x1: {  	s1 =	rddreg [dreg:$0x0]  }
0x2: {  	s0 =	rddreg [dreg:$0x1]  }
0x3: {  	s2 =	rddreg [dreg:$0x2];
	s3 =	srdreg.scid  }
0x4: {  	s4 =	simm.s32 $0x0;
	s11 =	stileid.u32;
	s28 =	simm.s32 $0x50  }
0x5: {  	s29 =	simm.s32 $0x300;
	s30 =	simm.s32 $0x100;
	s31 =	simm.s32 $0x180  }
0x6: {  	s3 =	sand.u32 $0x1, s3;
	[smem:$0x7FF] =	sst s4;
	s8 =	smul.u32 $0x14000, s11  }
0x7: {  	s5 =	sadd.s32 $0xD400, s0;
	s6 =	sadd.s32 $0x3600, s0;
	s10 =	smul.u32 $0x50000, s11  }
0x8: {  	s22 =	sadd.s32 $0x17200, s0;
	s23 =	sshll.u32 s11, $0x1;
	s17 =	smul.u32 $0x4E20, s11  }
0x9: {  	s26 =	sshll.u32 s11, $0x6;
	s7 =	smul.u32 $0x140000, s3;
	s9 =	ssub.s32 $0x2, s3  }
0xa: {  	_ =	strace $0x8000004A;
	[dreg:$0x4] =	wrdreg s22;
	s24 =	sshrl.u32 s9, $0x1  }
0xb: {  	s7 =	sadd.s32 s8, s7;
	s8 =	sor.u32 s3, s23;
	s3 =	smul.u32 $0x2710, s3  }
0xc: {  	s25 =	sshrl.u32 s10, $0x2;
	s7 =	sshrl.u32 s7, $0x3;
	s8 =	smul.u32 $0x2710, s8  }
0xd: {  	s0 =	sadd.s32 s7, s0;
	s7 =	ssub.s32 s9, s24;
	s9 =	sadd.s32 s25, s2  }
0xe: {  	s21 =	sadd.s32 s3, s17;
	s3 =	simm.s32 $0x1;
	[dreg:$0x5] =	wrdreg s9  }
0xf: {  	s9 =	sor.u32 $0x1C07, s26;
	s8 =	sshrl.u32 s8, $0x3;
	s0 =	sadd.s32 $0x19A00, s0  }
0x10: {  	s24 =	smax.u32 s7, $0x1;
	s25 =	sadd.s32 $0x1E0, s21;
	s26 =	sadd.s32 $0x190, s21  }
0x11: {  	s7 =	simm.s32 $0x200;
	s12 =	sadd.s32 s5, s8;
	s13 =	sadd.s32 s6, s8  }
0x12: {  	s14 =	sadd.s32 $0xA, s8;
	s15 =	sadd.s32 $0x14, s8;
	[dreg:$0x10] =	wrdreg s0  }
0x13: {  	s18 =	sadd.s32 $0x1E, s8;
	s8 =	sadd.s32 $0x4D8, s8;
	[dreg:$0x11] =	wrdreg s24  }
0x14: {  	s22 =	sshrl.u32 s25, $0x3;
	s23 =	sshrl.u32 s26, $0x3;
	[dreg:$0x6] =	wrdreg s12  }
0x15: {  	s0 =	sadd.s32 $0x140, s21;
	[dreg:$0x7] =	wrdreg s13;
	s12 =	sadd.s32 s5, s14  }
0x16: {  	s25 =	simm.s32 $0x7;
	s10 =	sadd.s32 s6, s14;
	[dreg:$0x8] =	wrdreg s12  }
0x17: {  	s26 =	simm.s32 $0x80;
	s16 =	sadd.s32 s5, s15;
	[dreg:$0x9] =	wrdreg s10  }
0x18: {  	s19 =	sadd.s32 s5, s18;
	s11 =	sadd.s32 s6, s18;
	[dreg:$0xa] =	wrdreg s16  }
0x19: {  	s20 =	sadd.s32 s5, s8;
	s8 =	sadd.s32 s6, s8;
	[dreg:$0xc] =	wrdreg s19  }
0x1a: {  	s24 =	sshrl.u32 s0, $0x3;
	s0 =	simm.s32 $0x2B00;
	[dreg:$0xd] =	wrdreg s11  }
0x1b: {  	s13 =	simm.s32 $0x3;
	s14 =	simm.s32 $0x5;
	[dreg:$0xe] =	wrdreg s20  }
0x1c: {  	s10 =	sadd.s32 s6, s15;
	[dreg:$0xf] =	wrdreg s8;
	s8 =	simm.s32 $0x280  }
0x1d: {  	s11 =	simm.s32 $0x2;
	s12 =	simm.s32 $0x4;
	s15 =	simm.s32 $0x6  }
0x1e: {  	s16 =	simm.s32 $0x0;
	[dreg:$0xb] =	wrdreg s10;
	s10 =	simm.s32 $0x5300  }
.LBB2_1:
0x1f: {  	s17 =	rddreg [dreg:$0x5]  }
0x20: {  	s18 =	rddreg [dreg:$0x4];
	s17 =	sshrl.u32 s17, $0x3  }
0x21: {  	[spmem:s17], [sflag:s9] =	dma.local [hbm:s18], $0x2800  }
0x22: {  	_ =	swait.ge [sflag:s25], $0x2800  }
0x23: {  	[sflag:s25] =	ssyncset.done $0x0  }
0x24: {  	[sflag:s25] =	ssyncadd.s32 $0xFFFFD800  }
0x25: {  	[bflag:$0x0] =	sbarrier.arrive $0xFFFF  }
0x26: {  	s20 =	rddreg [dreg:$0x6]  }
0x27: {  	[tilespmem:s4], [sflag:$0x7] =	stream.linear.gather [hbm4b:s20+s4], $0x50, $0x38;
	[tilespmem:$0x1BB00] =	vst v63  }
0x28: {  	_ =	swait.ge [sflag:s25], $0x50  }
0x29: {  	[sflag:s25] =	ssyncset.done $0x0  }
0x2a: {  	s21 =	rddreg [dreg:$0x7];
	[sflag:s25] =	ssyncadd.s32 $0xFFFFFFB0  }
0x2b: {  	[tilespmem:s26], [sflag:$0x7] =	stream.linear.gather [hbm4b:s21+s4], $0x50, $0x38;
	[tilespmem:$0x1BB00] =	vst v63  }
0x2c: {  	_ =	swait.ge [sflag:s25], $0x50  }
0x2d: {  	[sflag:s25] =	ssyncset.done $0x0  }
0x2e: {  	[sflag:s25] =	ssyncadd.s32 $0xFFFFFFB0  }
0x2f: {  	[tilespmem:s29], [sflag:$0x1] =	stream.indirect.gather [hbm4b:s1+s28], $0x80, s4, s28, $0xb8;
	[tilespmem:$0x1BB00] =	vst v63  }
0x30: {  	s19 =	rddreg [dreg:$0x8]  }
0x31: {  	[tilespmem:s30], [sflag:$0x7] =	stream.linear.gather [hbm4b:s19+s4], $0x50, $0x38;
	[tilespmem:$0x1BB00] =	vst v63  }
0x32: {  	_ =	swait.ge [sflag:s25], $0x50  }
0x33: {  	[sflag:s25] =	ssyncset.done $0x0  }
0x34: {  	s20 =	rddreg [dreg:$0x9];
	[sflag:s25] =	ssyncadd.s32 $0xFFFFFFB0  }
0x35: {  	[tilespmem:s31], [sflag:$0x7] =	stream.linear.gather [hbm4b:s20+s4], $0x50, $0x38;
	[tilespmem:$0x1BB00] =	vst v63  }
0x36: {  	_ =	swait.ge [sflag:s25], $0x50  }
0x37: {  	[sflag:s25] =	ssyncset.done $0x0  }
0x38: {  	[sflag:s25] =	ssyncadd.s32 $0xFFFFFFB0  }
0x39: {  	[tilespmem:s0], [sflag:$0x2] =	stream.indirect.gather [hbm4b:s1+s28], $0x80, s30, s28, $0xb8;
	[tilespmem:$0x1BB00] =	vst v63  }
0x3a: {  	_ =	swait.ge [sflag:s3], $0x2800  }
0x3b: {  	[sflag:s3] =	ssyncset.done $0x0  }
0x3c: {  	[sflag:s3] =	ssyncadd.s32 $0xFFFFD800  }
0x3d: {  	[spmem:s2] =	stream.indirect.scatter.add.f32 [tilespmem:s29], [sflag:$0x4], $0x80, s26, s28, $0xb8;
	[tilespmem:$0x1BB00] =	vst v63  }
0x3e: {  	s21 =	rddreg [dreg:$0xa]  }
0x3f: {  	[tilespmem:s7], [sflag:$0x7] =	stream.linear.gather [hbm4b:s21+s4], $0x50, $0x38;
	[tilespmem:$0x1BB00] =	vst v63  }
0x40: {  	_ =	swait.ge [sflag:s25], $0x50  }
0x41: {  	[sflag:s25] =	ssyncset.done $0x0  }
0x42: {  	s19 =	rddreg [dreg:$0xb];
	[sflag:s25] =	ssyncadd.s32 $0xFFFFFFB0  }
0x43: {  	[tilespmem:s8], [sflag:$0x7] =	stream.linear.gather [hbm4b:s19+s4], $0x50, $0x38;
	[tilespmem:$0x1BB00] =	vst v63  }
0x44: {  	_ =	swait.ge [sflag:s25], $0x50  }
0x45: {  	[sflag:s25] =	ssyncset.done $0x0  }
0x46: {  	[sflag:s25] =	ssyncadd.s32 $0xFFFFFFB0  }
0x47: {  	[tilespmem:s10], [sflag:$0x3] =	stream.indirect.gather [hbm4b:s1+s28], $0x80, s7, s28, $0xb8;
	[tilespmem:$0x1BB00] =	vst v63  }
0x48: {  	_ =	swait.ge [sflag:s11], $0x2800  }
0x49: {  	[sflag:s11] =	ssyncset.done $0x0  }
0x4a: {  	[sflag:s11] =	ssyncadd.s32 $0xFFFFD800  }
0x4b: {  	[spmem:s2] =	stream.indirect.scatter.add.f32 [tilespmem:s0], [sflag:$0x5], $0x80, s31, s28, $0xb8;
	[tilespmem:$0x1BB00] =	vst v63  }
0x4c: {  	_ =	swait.ge [sflag:s12], $0x2800  }
0x4d: {  	[sflag:s12] =	ssyncset.done $0x0  }
0x4e: {  	s20 =	rddreg [dreg:$0xc];
	[sflag:s12] =	ssyncadd.s32 $0xFFFFD800  }
0x4f: {  	[tilespmem:s4], [sflag:$0x7] =	stream.linear.gather [hbm4b:s20+s4], $0x50, $0x38;
	[tilespmem:$0x1BB00] =	vst v63  }
0x50: {  	_ =	swait.ge [sflag:s25], $0x50  }
0x51: {  	[sflag:s25] =	ssyncset.done $0x0  }
0x52: {  	s21 =	rddreg [dreg:$0xd];
	[sflag:s25] =	ssyncadd.s32 $0xFFFFFFB0  }
0x53: {  	[tilespmem:s26], [sflag:$0x7] =	stream.linear.gather [hbm4b:s21+s4], $0x50, $0x38;
	[tilespmem:$0x1BB00] =	vst v63  }
0x54: {  	_ =	swait.ge [sflag:s25], $0x50  }
0x55: {  	[sflag:s25] =	ssyncset.done $0x0  }
0x56: {  	[sflag:s25] =	ssyncadd.s32 $0xFFFFFFB0  }
0x57: {  	[tilespmem:s29], [sflag:$0x1] =	stream.indirect.gather [hbm4b:s1+s28], $0x80, s4, s28, $0xb8;
	[tilespmem:$0x1BB00] =	vst v63  }
0x58: {  	_ =	swait.ge [sflag:s13], $0x2800  }
0x59: {  	[sflag:s13] =	ssyncset.done $0x0  }
0x5a: {  	[sflag:s13] =	ssyncadd.s32 $0xFFFFD800  }
0x5b: {  	[spmem:s2] =	stream.indirect.scatter.add.f32 [tilespmem:s10], [sflag:$0x6], $0x80, s8, s28, $0xb8;
	[tilespmem:$0x1BB00] =	vst v63  }
0x5c: {  	_ =	swait.ge [sflag:s14], $0x2800  }
0x5d: {  	[sflag:s14] =	ssyncset.done $0x0  }
0x5e: {  	s19 =	sadd.s32 s5, s24;
	[sflag:s14] =	ssyncadd.s32 $0xFFFFD800  }
0x5f: {  	[tilespmem:s30], [sflag:$0x7] =	stream.linear.gather [hbm4b:s19+s4], $0x50, $0x38;
	[tilespmem:$0x1BB00] =	vst v63  }
0x60: {  	_ =	swait.ge [sflag:s25], $0x50  }
0x61: {  	[sflag:s25] =	ssyncset.done $0x0  }
0x62: {  	s20 =	sadd.s32 s6, s24;
	[sflag:s25] =	ssyncadd.s32 $0xFFFFFFB0  }
0x63: {  	[tilespmem:s31], [sflag:$0x7] =	stream.linear.gather [hbm4b:s20+s4], $0x50, $0x38;
	[tilespmem:$0x1BB00] =	vst v63  }
0x64: {  	_ =	swait.ge [sflag:s25], $0x50  }
0x65: {  	[sflag:s25] =	ssyncset.done $0x0  }
0x66: {  	[sflag:s25] =	ssyncadd.s32 $0xFFFFFFB0  }
0x67: {  	[tilespmem:s0], [sflag:$0x2] =	stream.indirect.gather [hbm4b:s1+s28], $0x80, s30, s28, $0xb8;
	[tilespmem:$0x1BB00] =	vst v63  }
0x68: {  	_ =	swait.ge [sflag:s3], $0x2800  }
0x69: {  	[sflag:s3] =	ssyncset.done $0x0  }
0x6a: {  	[sflag:s3] =	ssyncadd.s32 $0xFFFFD800  }
0x6b: {  	[spmem:s2] =	stream.indirect.scatter.add.f32 [tilespmem:s29], [sflag:$0x4], $0x80, s26, s28, $0xb8;
	[tilespmem:$0x1BB00] =	vst v63  }
0x6c: {  	_ =	swait.ge [sflag:s15], $0x2800  }
0x6d: {  	[sflag:s15] =	ssyncset.done $0x0  }
0x6e: {  	s21 =	sadd.s32 s5, s23;
	[sflag:s15] =	ssyncadd.s32 $0xFFFFD800  }
0x6f: {  	[tilespmem:s7], [sflag:$0x7] =	stream.linear.gather [hbm4b:s21+s4], $0x50, $0x38;
	[tilespmem:$0x1BB00] =	vst v63  }
0x70: {  	_ =	swait.ge [sflag:s25], $0x50  }
0x71: {  	[sflag:s25] =	ssyncset.done $0x0  }
0x72: {  	s19 =	sadd.s32 s6, s23;
	[sflag:s25] =	ssyncadd.s32 $0xFFFFFFB0  }
0x73: {  	[tilespmem:s8], [sflag:$0x7] =	stream.linear.gather [hbm4b:s19+s4], $0x50, $0x38;
	[tilespmem:$0x1BB00] =	vst v63  }
0x74: {  	_ =	swait.ge [sflag:s25], $0x50  }
0x75: {  	[sflag:s25] =	ssyncset.done $0x0  }
0x76: {  	[sflag:s25] =	ssyncadd.s32 $0xFFFFFFB0  }
0x77: {  	[tilespmem:s10], [sflag:$0x3] =	stream.indirect.gather [hbm4b:s1+s28], $0x80, s7, s28, $0xb8;
	[tilespmem:$0x1BB00] =	vst v63  }
0x78: {  	_ =	swait.ge [sflag:s11], $0x2800  }
0x79: {  	[sflag:s11] =	ssyncset.done $0x0  }
0x7a: {  	[sflag:s11] =	ssyncadd.s32 $0xFFFFD800  }
0x7b: {  	[spmem:s2] =	stream.indirect.scatter.add.f32 [tilespmem:s0], [sflag:$0x5], $0x80, s31, s28, $0xb8;
	[tilespmem:$0x1BB00] =	vst v63  }
0x7c: {  	_ =	swait.ge [sflag:s12], $0x2800  }
0x7d: {  	[sflag:s12] =	ssyncset.done $0x0  }
0x7e: {  	s20 =	sadd.s32 s5, s22;
	[sflag:s12] =	ssyncadd.s32 $0xFFFFD800  }
0x7f: {  	[tilespmem:s4], [sflag:$0x7] =	stream.linear.gather [hbm4b:s20+s4], $0x50, $0x38;
	[tilespmem:$0x1BB00] =	vst v63  }
0x80: {  	_ =	swait.ge [sflag:s25], $0x50  }
0x81: {  	[sflag:s25] =	ssyncset.done $0x0  }
0x82: {  	s21 =	sadd.s32 s6, s22;
	[sflag:s25] =	ssyncadd.s32 $0xFFFFFFB0  }
0x83: {  	[tilespmem:s26], [sflag:$0x7] =	stream.linear.gather [hbm4b:s21+s4], $0x50, $0x38;
	[tilespmem:$0x1BB00] =	vst v63  }
0x84: {  	_ =	swait.ge [sflag:s25], $0x50  }
0x85: {  	s18 =	simm.s32 $0x27;
	[sflag:s25] =	ssyncset.done $0x0  }
0x86: {  	s19 =	sadd.s32 $0x1E, s6;
	s20 =	sadd.s32 $0x1E, s5;
	[sflag:s25] =	ssyncadd.s32 $0xFFFFFFB0  }
.LBB2_2:
0x87: {  	[tilespmem:s29], [sflag:$0x1] =	stream.indirect.gather [hbm4b:s1+s28], $0x80, s4, s28, $0xb8;
	[tilespmem:$0x1BB00] =	vst v63  }
0x88: {  	p0 =	sne.s32 s18, $0x1;
	s18 =	sadd.s32 $0xFFFFFFFF, s18;
	_ =	swait.ge [sflag:s13], $0x2800  }
0x89: {  	[sflag:s13] =	ssyncset.done $0x0  }
0x8a: {  	[sflag:s13] =	ssyncadd.s32 $0xFFFFD800  }
0x8b: {  	[spmem:s2] =	stream.indirect.scatter.add.f32 [tilespmem:s10], [sflag:$0x6], $0x80, s8, s28, $0xb8;
	[tilespmem:$0x1BB00] =	vst v63  }
0x8c: {  	_ =	swait.ge [sflag:s14], $0x2800  }
0x8d: {  	[sflag:s14] =	ssyncset.done $0x0  }
0x8e: {  	s21 =	sadd.s32 s20, s24;
	[sflag:s14] =	ssyncadd.s32 $0xFFFFD800  }
0x8f: {  	[tilespmem:s30], [sflag:$0x7] =	stream.linear.gather [hbm4b:s21+s4], $0x50, $0x38;
	[tilespmem:$0x1BB00] =	vst v63  }
0x90: {  	_ =	swait.ge [sflag:s25], $0x50  }
0x91: {  	[sflag:s25] =	ssyncset.done $0x0  }
0x92: {  	s21 =	sadd.s32 s19, s24;
	[sflag:s25] =	ssyncadd.s32 $0xFFFFFFB0  }
0x93: {  	[tilespmem:s31], [sflag:$0x7] =	stream.linear.gather [hbm4b:s21+s4], $0x50, $0x38;
	[tilespmem:$0x1BB00] =	vst v63  }
0x94: {  	_ =	swait.ge [sflag:s25], $0x50  }
0x95: {  	[sflag:s25] =	ssyncset.done $0x0  }
0x96: {  	[sflag:s25] =	ssyncadd.s32 $0xFFFFFFB0  }
0x97: {  	[tilespmem:s0], [sflag:$0x2] =	stream.indirect.gather [hbm4b:s1+s28], $0x80, s30, s28, $0xb8;
	[tilespmem:$0x1BB00] =	vst v63  }
0x98: {  	_ =	swait.ge [sflag:s3], $0x2800  }
0x99: {  	[sflag:s3] =	ssyncset.done $0x0  }
0x9a: {  	[sflag:s3] =	ssyncadd.s32 $0xFFFFD800  }
0x9b: {  	[spmem:s2] =	stream.indirect.scatter.add.f32 [tilespmem:s29], [sflag:$0x4], $0x80, s26, s28, $0xb8;
	[tilespmem:$0x1BB00] =	vst v63  }
0x9c: {  	_ =	swait.ge [sflag:s15], $0x2800  }
0x9d: {  	[sflag:s15] =	ssyncset.done $0x0  }
0x9e: {  	s21 =	sadd.s32 s20, s23;
	[sflag:s15] =	ssyncadd.s32 $0xFFFFD800  }
0x9f: {  	[tilespmem:s7], [sflag:$0x7] =	stream.linear.gather [hbm4b:s21+s4], $0x50, $0x38;
	[tilespmem:$0x1BB00] =	vst v63  }
0xa0: {  	_ =	swait.ge [sflag:s25], $0x50  }
0xa1: {  	[sflag:s25] =	ssyncset.done $0x0  }
0xa2: {  	s21 =	sadd.s32 s19, s23;
	[sflag:s25] =	ssyncadd.s32 $0xFFFFFFB0  }
0xa3: {  	[tilespmem:s8], [sflag:$0x7] =	stream.linear.gather [hbm4b:s21+s4], $0x50, $0x38;
	[tilespmem:$0x1BB00] =	vst v63  }
0xa4: {  	_ =	swait.ge [sflag:s25], $0x50  }
0xa5: {  	[sflag:s25] =	ssyncset.done $0x0  }
0xa6: {  	[sflag:s25] =	ssyncadd.s32 $0xFFFFFFB0  }
0xa7: {  	[tilespmem:s10], [sflag:$0x3] =	stream.indirect.gather [hbm4b:s1+s28], $0x80, s7, s28, $0xb8;
	[tilespmem:$0x1BB00] =	vst v63  }
0xa8: {  	_ =	swait.ge [sflag:s11], $0x2800  }
0xa9: {  	[sflag:s11] =	ssyncset.done $0x0  }
0xaa: {  	[sflag:s11] =	ssyncadd.s32 $0xFFFFD800  }
0xab: {  	[spmem:s2] =	stream.indirect.scatter.add.f32 [tilespmem:s0], [sflag:$0x5], $0x80, s31, s28, $0xb8;
	[tilespmem:$0x1BB00] =	vst v63  }
0xac: {  	_ =	swait.ge [sflag:s12], $0x2800  }
0xad: {  	[sflag:s12] =	ssyncset.done $0x0  }
0xae: {  	s21 =	sadd.s32 s20, s22;
	[sflag:s12] =	ssyncadd.s32 $0xFFFFD800  }
0xaf: {  	[tilespmem:s4], [sflag:$0x7] =	stream.linear.gather [hbm4b:s21+s4], $0x50, $0x38;
	[tilespmem:$0x1BB00] =	vst v63  }
0xb0: {  	_ =	swait.ge [sflag:s25], $0x50  }
0xb1: {  	[sflag:s25] =	ssyncset.done $0x0  }
.Ltmp0:
0xb2: {  	s21 =	sadd.s32 s19, s22;
	[sflag:s25] =	ssyncadd.s32 $0xFFFFFFB0;
	(pc) =	sbr.rel @p0 .LBB2_2-.Ltmp0, $4  }
0xb3: {  	[tilespmem:s26], [sflag:$0x7] =	stream.linear.gather [hbm4b:s21+s4], $0x50, $0x38;
	[tilespmem:$0x1BB00] =	vst v63  }
0xb4: {  	_ =	swait.ge [sflag:s25], $0x50  }
0xb5: {  	[sflag:s25] =	ssyncset.done $0x0  }
0xb6: {  	s20 =	sadd.s32 $0x1E, s20;
	s19 =	sadd.s32 $0x1E, s19;
	[sflag:s25] =	ssyncadd.s32 $0xFFFFFFB0  }
0xb7: {  	[tilespmem:s29], [sflag:$0x1] =	stream.indirect.gather [hbm4b:s1+s28], $0x80, s4, s28, $0xb8;
	[tilespmem:$0x1BB00] =	vst v63  }
0xb8: {  	_ =	swait.ge [sflag:s13], $0x2800  }
0xb9: {  	[sflag:s13] =	ssyncset.done $0x0  }
0xba: {  	[sflag:s13] =	ssyncadd.s32 $0xFFFFD800  }
0xbb: {  	[spmem:s2] =	stream.indirect.scatter.add.f32 [tilespmem:s10], [sflag:$0x6], $0x80, s8, s28, $0xb8;
	[tilespmem:$0x1BB00] =	vst v63  }
0xbc: {  	_ =	swait.ge [sflag:s14], $0x2800  }
0xbd: {  	[sflag:s14] =	ssyncset.done $0x0  }
0xbe: {  	s18 =	rddreg [dreg:$0xe];
	[sflag:s14] =	ssyncadd.s32 $0xFFFFD800  }
0xbf: {  	[tilespmem:s30], [sflag:$0x7] =	stream.linear.gather [hbm4b:s18+s4], $0x50, $0x38;
	[tilespmem:$0x1BB00] =	vst v63  }
0xc0: {  	_ =	swait.ge [sflag:s25], $0x50  }
0xc1: {  	[sflag:s25] =	ssyncset.done $0x0  }
0xc2: {  	s19 =	rddreg [dreg:$0xf];
	[sflag:s25] =	ssyncadd.s32 $0xFFFFFFB0  }
0xc3: {  	[tilespmem:s31], [sflag:$0x7] =	stream.linear.gather [hbm4b:s19+s4], $0x50, $0x38;
	[tilespmem:$0x1BB00] =	vst v63  }
0xc4: {  	_ =	swait.ge [sflag:s25], $0x50  }
0xc5: {  	[sflag:s25] =	ssyncset.done $0x0  }
0xc6: {  	[sflag:s25] =	ssyncadd.s32 $0xFFFFFFB0  }
0xc7: {  	[tilespmem:s0], [sflag:$0x2] =	stream.indirect.gather [hbm4b:s1+s28], $0x80, s30, s28, $0xb8;
	[tilespmem:$0x1BB00] =	vst v63  }
0xc8: {  	_ =	swait.ge [sflag:s3], $0x2800  }
0xc9: {  	[sflag:s3] =	ssyncset.done $0x0  }
0xca: {  	[sflag:s3] =	ssyncadd.s32 $0xFFFFD800  }
0xcb: {  	[spmem:s2] =	stream.indirect.scatter.add.f32 [tilespmem:s29], [sflag:$0x4], $0x80, s26, s28, $0xb8;
	[tilespmem:$0x1BB00] =	vst v63  }
0xcc: {  	_ =	swait.ge [sflag:s15], $0x2800  }
0xcd: {  	[sflag:s15] =	ssyncset.done $0x0  }
0xce: {  	[sflag:s15] =	ssyncadd.s32 $0xFFFFD800  }
0xcf: {  	_ =	swait.ge [sflag:s11], $0x2800  }
0xd0: {  	[sflag:s11] =	ssyncset.done $0x0  }
0xd1: {  	[sflag:s11] =	ssyncadd.s32 $0xFFFFD800  }
0xd2: {  	[spmem:s2] =	stream.indirect.scatter.add.f32 [tilespmem:s0], [sflag:$0x5], $0x80, s31, s28, $0xb8;
	[tilespmem:$0x1BB00] =	vst v63  }
0xd3: {  	_ =	swait.ge [sflag:s12], $0x2800  }
0xd4: {  	[sflag:s12] =	ssyncset.done $0x0  }
0xd5: {  	[sflag:s12] =	ssyncadd.s32 $0xFFFFD800  }
0xd6: {  	_ =	swait.ge [sflag:s14], $0x2800  }
0xd7: {  	[sflag:s14] =	ssyncset.done $0x0  }
0xd8: {  	[sflag:s14] =	ssyncadd.s32 $0xFFFFD800  }
0xd9: {  	[bflag:$0x0] =	sbarrier.arrive $0xFFFF  }
0xda: {  	s20 =	rddreg [dreg:$0x10]  }
0xdb: {  	[hbm:s20], [sflag:s9] =	dma.local [spmem:s17], $0x2800  }
0xdc: {  	_ =	swait.ge [sflag:s25], $0x2800  }
0xdd: {  	s16 =	sadd.s32 $0x1, s16;
	s21 =	rddreg [dreg:$0x11]  }
0xde: {  	p0 =	sne.s32 s16, s21  }
.Ltmp1:
0xdf: {  	_ = 	snop;
	(pc) =	sbr.rel @p0 .LBB2_1-.Ltmp1, $3  }
0xe0: {  	_ =	sdelay $0x1  }
0xe1: {  	[sflag:s25] =	ssyncset.done $0x0  }
0xe2: {  	[sflag:s25] =	ssyncadd.s32 $0xFFFFD800  }
0xe3: {  	_ =	sfence.sel $0x180000  }
0xe4: {  	[bflag:$0x0] =	sbarrier.arrive $0xFFFF  }
0xe5: {  	_ =	strace $0x9000004A  }
0xe6: {  	s0 =	stileid.u32;
	[bflag:$0x2] =	sbarrier.arrive $0xFFFF  }
0xe7: {  	p0 =	sne.s32 s0, $0x0;
	s0 =	rddreg [dreg:$0x3]  }
0xe8: {  	s0 =	sadd.s32 @!p0 $0x100000, s0  }
0xe9: {  	[sflag:s0] =	ssyncadd.tile.s32 @!p0 $0x1;
	_ =	shalt  }
.Lfunc_end2:
_tile_overlayer_lowered:
.L_overlay_start_2:
0xea: {  	(tag) =	ssettag $0x2  }
0xeb: {  	s0 =	rddreg [dreg:$0x0];
	s2 =	stileid.u32  }
0xec: {  	s1 =	rddreg [dreg:$0x1];
	p0 =	sne.s32 s2, $0x0  }
0xed: {  	s3 =	rddreg [dreg:$0x2];
	[bflag:$0x3] =	sbarrier.arrive $0xFFFF;
	s2 =	simm.s32 @!p0 $0x1C07  }
0xee: {  	[timem:s3], [sflag:s2] =	dma.local @!p0 [hbm:s0], s1  }
0xef: {  	s0 =	simm.s32 @!p0 $0x7  }
0xf0: {  	_ =	swait.ge @!p0 [sflag:s0], s1  }
0xf1: {  	s1 =	ssub.s32 @!p0 $0x0, s1;
	[sflag:s0] =	ssyncset.done @!p0 $0x0  }
0xf2: {  	[sflag:s0] =	ssyncadd.s32 @!p0 s1  }
0xf3: {  	[bflag:$0x3] =	sbarrier.arrive $0xFFFF  }
0xf4: {  	_ =	shalt  }

// kernel: kernel.17.cloned.1.call-start
scs
__scs_entry_jumppad:
0x0: {  	(pc) =	sbr.rel $0x88, $3  }
0x1: {  	(tag) =	ssettag $0x0;
	lr =	simm.s32 $0x1  }
0x2: {  	[smem:$0x3F95] =	sst lr;
	_ =	strace $0xD0000000  }
0x3: {  	_ = 	snop  }
0x4: {  	_ = 	snop  }
0x5: {  	_ = 	snop  }
0x6: {  	_ = 	snop  }
0x7: {  	_ = 	snop  }
__scs_overlays_trampoline_lowered:
0x8: {  	[smem:$0x3FA4] =	sst s0  }
0x9: {  	[smem:$0x3FA5] =	sst s1  }
0xa: {  	[smem:$0x3FA6] =	sst s2  }
0xb: {  	[smem:$0x3FA7] =	sst s3  }
0xc: {  	[smem:$0x3FA8] =	sst s4  }
0xd: {  	[smem:$0x3FA9] =	sst s5  }
0xe: {  	[smem:$0x3FAA] =	sst s6  }
0xf: {  	[smem:$0x3FAB] =	sst s7  }
0x10: {  	[smem:$0x3FAC] =	sst s8  }
0x11: {  	[smem:$0x3FAD] =	sst s9;
	s0 =	simm.s32 @!p0 $0x0  }
0x12: {  	s1 =	sld [smem:$0x3F93];
	s0 =	simm.s32 @p0 $0x1  }
0x13: {  	[smem:$0x3FAE] =	sst s0;
	s0 =	simm.s32 @!p1 $0x0  }
0x14: {  	s2 =	sld [smem:$0x3F92];
	s0 =	simm.s32 @p1 $0x1  }
0x15: {  	[smem:$0x3FAF] =	sst s0;
	s0 =	simm.s32 @!p2 $0x0  }
0x16: {  	s3 =	sld [smem:$0x3FDB];
	s0 =	simm.s32 @p2 $0x1  }
0x17: {  	s4 =	simm.s32 $0x1BF5;
	[smem:$0x3FB1] =	sst s0  }
0x18: {  	s0 =	sld [smem:$0x3F94];
	_ =	swait.ge [sflag:s4], $0x0  }
0x19: {  	s7 =	sld [smem:$0x3F95]  }
0x1a: {  	s8 =	sadd.s32 $0xFFFFE003, lr  }
0x1b: {  	s9 =	sadd.s32 $0xFFFFFEF7, lr;
	s5 =	simm.s32 $0xFFFFFFFF;
	p2 =	slt.u32 s8, $0xFFFFF086  }
0x1c: {  	p1 =	slt.u32 s9, $0xF7A;
	s5 =	simm.s32 @!p2 $0x0  }
0x1d: {  	s5 =	simm.s32 @p1 $0x1;
	p0 =	seq.s32 s7, s2  }
0x1e: {  	s7 =	smul.u32 @!p0 $0xF7A, s2;
	p2 =	seq.s32 @!p0 s5, $0x0  }
0x1f: {  	s9 =	smul.u32 $0xF7A, s1;
	s8 =	simm.s32 @!p0 $0x1BF5;
	p2 =	por !p2, p0  }
0x20: {  	[sflag:s8] =	ssyncset.s32 @!p0 $0xFFFFF086;
	s6 =	sadd.s32 @!p0 s3, s7;
	s7 =	simm.s32 @!p0 $0x108  }
0x21: {  	s3 =	sadd.s32 s3, s9;
	s6 =	sadd.s32 @!p0 $0x88, s6;
	s7 =	simm.s32 @p2 $0x1082  }
0x22: {  	[simem:s7], [sflag:s8] =	dma.local @!p0 [hbm:s6], $0xF7A  }
0x23: {  	s9 =	sor.u32 $0xD0000000, s2;
	s6 =	simm.s32 $0x108;
	_ =	swait.ge @!p0 [sflag:s8], $0x0  }
0x24: {  	s3 =	sadd.s32 $0x88, s3;
	s6 =	simm.s32 @!p1 $0x1082;
	[sflag:s4] =	ssyncset.s32 $0xFFFFF086  }
0x25: {  	[simem:s6], [sflag:s4] =	dma.local [hbm:s3], $0xF7A  }
0x26: {  	[smem:$0x3F95] =	sst s1;
	(tag) =	ssettag s2;
	_ =	strace s9  }
0x27: {  	s1 =	sld [smem:$0x3FA5]  }
0x28: {  	s2 =	sld [smem:$0x3FA6]  }
0x29: {  	s4 =	sld [smem:$0x3FA8]  }
0x2a: {  	p0 =	seq.s32 s5, $0x0;
	s5 =	sld [smem:$0x3FA9]  }
0x2b: {  	s6 =	sld [smem:$0x3FAA]  }
0x2c: {  	s7 =	sld [smem:$0x3FAB]  }
0x2d: {  	s3 =	simm.s32 $0x108;
	s8 =	sld [smem:$0x3FAC]  }
0x2e: {  	s3 =	simm.s32 @!p0 $0x1082;
	s9 =	sld [smem:$0x3FAD]  }
0x2f: {  	lr =	sadd.s32 s0, s3;
	s0 =	sld [smem:$0x3FA4]  }
0x30: {  	s3 =	sld [smem:$0x3FA7]  }
0x31: {  	[smem:$0x3FB0] =	sst s10  }
0x32: {  	s10 =	sld [smem:$0x3FAE];
	_ =	sdelay $0x3  }
0x33: {  	p0 =	seq.s32 s10, $0x1;
	s10 =	sld [smem:$0x3FB0];
	_ =	sdelay $0x3  }
0x34: {  	[smem:$0x3FB0] =	sst s10  }
0x35: {  	s10 =	sld [smem:$0x3FAF];
	_ =	sdelay $0x3  }
0x36: {  	p1 =	seq.s32 s10, $0x1;
	s10 =	sld [smem:$0x3FB0];
	_ =	sdelay $0x3  }
0x37: {  	[smem:$0x3FB0] =	sst s10  }
0x38: {  	s10 =	sld [smem:$0x3FB1]  }
0x39: {  	_ = 	snop;
	(pc) =	sbr.ind lr, $3  }
0x3a: {  	_ = 	snop  }
0x3b: {  	_ = 	snop  }
0x3c: {  	p2 =	seq.s32 s10, $0x1;
	s10 =	sld [smem:$0x3FB0]  }
0x3d: {  	_ =	shalt  }
0x3e: {  	_ =	shalt  }
0x3f: {  	_ =	shalt  }
0x40: {  	_ =	shalt  }
0x41: {  	_ =	shalt  }
0x42: {  	_ =	shalt  }
0x43: {  	_ =	shalt  }
0x44: {  	_ =	shalt  }
0x45: {  	_ =	shalt  }
0x46: {  	_ =	shalt  }
0x47: {  	_ =	shalt  }
0x48: {  	_ =	shalt  }
0x49: {  	_ =	shalt  }
0x4a: {  	_ =	shalt  }
0x4b: {  	_ =	shalt  }
0x4c: {  	_ =	shalt  }
0x4d: {  	_ =	shalt  }
0x4e: {  	_ =	shalt  }
0x4f: {  	_ =	shalt  }
0x50: {  	_ =	shalt  }
0x51: {  	_ =	shalt  }
0x52: {  	_ =	shalt  }
0x53: {  	_ =	shalt  }
0x54: {  	_ =	shalt  }
0x55: {  	_ =	shalt  }
0x56: {  	_ =	shalt  }
0x57: {  	_ =	shalt  }
0x58: {  	_ =	shalt  }
0x59: {  	_ =	shalt  }
0x5a: {  	_ =	shalt  }
0x5b: {  	_ =	shalt  }
0x5c: {  	_ =	shalt  }
0x5d: {  	_ =	shalt  }
0x5e: {  	_ =	shalt  }
0x5f: {  	_ =	shalt  }
0x60: {  	_ =	shalt  }
0x61: {  	_ =	shalt  }
0x62: {  	_ =	shalt  }
0x63: {  	_ =	shalt  }
0x64: {  	_ =	shalt  }
0x65: {  	_ =	shalt  }
0x66: {  	_ =	shalt  }
0x67: {  	_ =	shalt  }
0x68: {  	_ =	shalt  }
0x69: {  	_ =	shalt  }
0x6a: {  	_ =	shalt  }
0x6b: {  	_ =	shalt  }
0x6c: {  	_ =	shalt  }
0x6d: {  	_ =	shalt  }
0x6e: {  	_ =	shalt  }
0x6f: {  	_ =	shalt  }
0x70: {  	_ =	shalt  }
0x71: {  	_ =	shalt  }
0x72: {  	_ =	shalt  }
0x73: {  	_ =	shalt  }
0x74: {  	_ =	shalt  }
0x75: {  	_ =	shalt  }
0x76: {  	_ =	shalt  }
0x77: {  	_ =	shalt  }
0x78: {  	_ =	shalt  }
0x79: {  	_ =	shalt  }
0x7a: {  	_ =	shalt  }
0x7b: {  	_ =	shalt  }
0x7c: {  	_ =	shalt  }
0x7d: {  	_ =	shalt  }
0x7e: {  	_ =	shalt  }
0x7f: {  	_ =	shalt  }
0x80: {  	_ =	shalt  }
0x81: {  	_ =	shalt  }
0x82: {  	_ =	shalt  }
0x83: {  	_ =	shalt  }
0x84: {  	_ =	shalt  }
0x85: {  	_ =	shalt  }
0x86: {  	_ =	shalt  }
0x87: {  	_ =	shalt  }
.Lfunc_end0:
.L_simem_size_0:
called_computation.2_lowered:
.L_overlay_start_0:
0x88: {  	s2 =	sld [smem:$0x3FD9]  }
0x89: {  	s3 =	sld [smem:$0x3FFE];
	_ =	sdelay $0x1  }
0x8a: {  	s1 =	srdreg.scid  }
0x8b: {  	s0 =	sand.u32 $0x1, s1  }
0x8c: {  	s17 =	sshll.u32 s0, $0xA;
	s2 =	sadd.s32 s3, s2  }
0x8d: {  	s2 =	sadd.s32 s2, s17  }
0x8e: {  	[smem:$0x3FBC] =	sst s2  }
0x8f: {  	_ = 	snop  }
0x90: {  	s2 =	sld [smem:$0x3FD0];
	(tm) =	ssettm $0x1  }
0x91: {  	s18 =	sld [smem:$0x3FFB];
	_ =	sdelay $0x3  }
0x92: {  	_ =	strace s18  }
0x93: {  	s3 =	sld [smem:$0x3FFC];
	_ =	sdelay $0x3  }
0x94: {  	_ =	strace s3  }
0x95: {  	s3 =	sld [smem:$0x3FFD];
	_ =	sdelay $0x3  }
0x96: {  	_ =	strace s3  }
0x97: {  	_ =	strace $0x8FFFFFFF  }
0x98: {  	s19 =	sld [smem:$0x3FDB];
	_ =	sdelay $0x1  }
0x99: {  	s4 =	simm.s32 $_scs_section_size  }
0x9a: {  	s5 =	simm.s32 $_size__tile_overlayer_lowered;
	s6 =	simm.s32 $_tile_overlayer_lowered  }
0x9b: {  	s22 =	simm.s32 $0x1BFF;
	s21 =	sshll.u32 s6, $0x1;
	s3 =	sadd.s32 s4, s19  }
0x9c: {  	s7 =	simm.s32 $0x0;
	s20 =	sshll.u32 s5, $0x1;
	s5 =	sadd.s32 s21, s3  }
0x9d: {  	[timem:s7], [sflag:s22] =	dma.local [hbm:s5], s20  }
0x9e: {  	_ =	swait.ge [sflag:s22], s20  }
0x9f: {  	s4 =	ssub.s32 $0x0, s20;
	[sflag:s22] =	ssyncset.done $0x0  }
0xa0: {  	[sflag:s22] =	ssyncadd.s32 s4;
	_ =	sdelay $0x1  }
0xa1: {  	s23 =	simm.s32 $0x1B8B  }
0xa2: {  	_ =	swait.ge [sflag:s23], $0x1  }
0xa3: {  	[sflag:s23] =	ssyncset.done $0x0  }
0xa4: {  	s25 =	simm.s32 $0x1B8E;
	s24 =	sld [smem:$0x3FFE];
	[sflag:s23] =	ssyncadd.s32 $0xFFFFFFFF  }
0xa5: {  	s26 =	simm.s32 $execute0_lowered;
	[smem:$0x3FD2] =	sst s25  }
0xa6: {  	s5 =	sshll.u32 s26, $0x1;
	_ =	strace $0x8000004C;
	[dreg:$0x1] =	wrdreg $0xFFFFFFFF  }
0xa7: {  	s28 =	simm.s32 $_size_execute0_lowered;
	s3 =	sadd.s32 s3, s5;
	[dreg:$0x0] =	wrdreg $0x0  }
0xa8: {  	s5 =	sshll.u32 s28, $0x1;
	[dreg:$0x2] =	wrdreg s3  }
0xa9: {  	[dreg:$0x3] =	wrdreg s5  }
0xaa: {  	[dreg:$0x4] =	wrdreg $0xC0  }
0xab: {  	_ =	task [dreg:s7], $0x5FFFF  }
0xac: {  	[dreg:$0x1] =	wrdreg $0xFFFFFFFF  }
0xad: {  	[dreg:$0x0] =	wrdreg $0x60  }
0xae: {  	[dreg:$0x2] =	wrdreg s2  }
0xaf: {  	[dreg:$0x3] =	wrdreg s24  }
0xb0: {  	[dreg:$0x4] =	wrdreg $0x7B000  }
0xb1: {  	[dreg:$0x5] =	wrdreg $0x9  }
0xb2: {  	_ =	task.clear_ibuf [dreg:s7], $0x6FFFF;
	_ =	strace $0x9000004C  }
0xb3: {  	s29 =	simm.s32 $0x9;
	_ =	strace $0x8000004E  }
0xb4: {  	_ =	swait.ge [sflag:s29], $0x1  }
0xb5: {  	[sflag:s29] =	ssyncadd.s32 $0xFFFFFFFF  }
0xb6: {  	_ =	strace $0x9000004E  }
0xb7: {  	_ =	sfence  }
0xb8: {  	s30 =	sld [smem:$0x0];
	_ =	sdelay $0x2  }
0xb9: {  	s31 =	sshll.u32 s1, $0xD;
	s1 =	sshrl.u32 s1, $0x2  }
0xba: {  	s3 =	sand.u32 $0x4000, s31;
	s1 =	sadd.s32 s1, s30  }
0xbb: {  	s0 =	sor.u32 s3, s0;
	s1 =	sshll.u32 s1, $0x11  }
0xbc: {  	s0 =	sor.u32 s1, s0  }
0xbd: {  	s0 =	sadd.s32 $0x8F2B, s0  }
0xbe: {  	[sflag:s0] =	ssyncadd.remote.s32 $0x1  }
0xbf: {  	_ =	sfence.sel $0xFFFF  }
0xc0: {  	[dreg:$0x0] =	wrdreg $0xFFFFFFFF;
	(pc) =	sbr.abs _section_cstart, $3  }
0xc1: {  	[dreg:$0x1] =	wrdreg $0xFFFFFFFF  }
0xc2: {  	_ =	task.clear_ibuf [dreg:s7], $0x2FFFF;
	_ =	strace $0x9FFFFFFF  }
0xc3: {  	(tm) =	ssettm $0x7FFFFFFF  }
tec
execute0_lowered:
.L_overlay_start_1:
0x0: {  	(tag) =	ssettag $0x1  }
0x1: {  	s1 =	rddreg [dreg:$0x0]  }
0x2: {  	s0 =	rddreg [dreg:$0x1]  }
0x3: {  	s2 =	rddreg [dreg:$0x2];
	s3 =	srdreg.scid  }
0x4: {  	s4 =	simm.s32 $0x0;
	s11 =	stileid.u32;
	s28 =	simm.s32 $0x50  }
0x5: {  	s29 =	simm.s32 $0x300;
	s30 =	simm.s32 $0x100;
	s31 =	simm.s32 $0x180  }
0x6: {  	s3 =	sand.u32 $0x1, s3;
	[smem:$0x7FF] =	sst s4;
	s8 =	smul.u32 $0x14000, s11  }
0x7: {  	s5 =	sadd.s32 $0xD400, s0;
	s6 =	sadd.s32 $0x3600, s0;
	s10 =	smul.u32 $0x50000, s11  }
0x8: {  	s22 =	sadd.s32 $0x17200, s0;
	s23 =	sshll.u32 s11, $0x1;
	s17 =	smul.u32 $0x4E20, s11  }
0x9: {  	s26 =	sshll.u32 s11, $0x6;
	s7 =	smul.u32 $0x140000, s3;
	s9 =	ssub.s32 $0x2, s3  }
0xa: {  	_ =	strace $0x8000004D;
	[dreg:$0x4] =	wrdreg s22;
	s24 =	sshrl.u32 s9, $0x1  }
0xb: {  	s7 =	sadd.s32 s8, s7;
	s8 =	sor.u32 s3, s23;
	s3 =	smul.u32 $0x2710, s3  }
0xc: {  	s25 =	sshrl.u32 s10, $0x2;
	s7 =	sshrl.u32 s7, $0x3;
	s8 =	smul.u32 $0x2710, s8  }
0xd: {  	s0 =	sadd.s32 s7, s0;
	s7 =	ssub.s32 s9, s24;
	s9 =	sadd.s32 s25, s2  }
0xe: {  	s21 =	sadd.s32 s3, s17;
	s3 =	simm.s32 $0x1;
	[dreg:$0x5] =	wrdreg s9  }
0xf: {  	s9 =	sor.u32 $0x1C07, s26;
	s8 =	sshrl.u32 s8, $0x3;
	s0 =	sadd.s32 $0x19A00, s0  }
0x10: {  	s24 =	smax.u32 s7, $0x1;
	s25 =	sadd.s32 $0x1E0, s21;
	s26 =	sadd.s32 $0x190, s21  }
0x11: {  	s7 =	simm.s32 $0x200;
	s12 =	sadd.s32 s5, s8;
	s13 =	sadd.s32 s6, s8  }
0x12: {  	s14 =	sadd.s32 $0xA, s8;
	s15 =	sadd.s32 $0x14, s8;
	[dreg:$0x10] =	wrdreg s0  }
0x13: {  	s18 =	sadd.s32 $0x1E, s8;
	s8 =	sadd.s32 $0x4D8, s8;
	[dreg:$0x11] =	wrdreg s24  }
0x14: {  	s22 =	sshrl.u32 s25, $0x3;
	s23 =	sshrl.u32 s26, $0x3;
	[dreg:$0x6] =	wrdreg s12  }
0x15: {  	s0 =	sadd.s32 $0x140, s21;
	[dreg:$0x7] =	wrdreg s13;
	s12 =	sadd.s32 s5, s14  }
0x16: {  	s25 =	simm.s32 $0x7;
	s10 =	sadd.s32 s6, s14;
	[dreg:$0x8] =	wrdreg s12  }
0x17: {  	s26 =	simm.s32 $0x80;
	s16 =	sadd.s32 s5, s15;
	[dreg:$0x9] =	wrdreg s10  }
0x18: {  	s19 =	sadd.s32 s5, s18;
	s11 =	sadd.s32 s6, s18;
	[dreg:$0xa] =	wrdreg s16  }
0x19: {  	s20 =	sadd.s32 s5, s8;
	s8 =	sadd.s32 s6, s8;
	[dreg:$0xc] =	wrdreg s19  }
0x1a: {  	s24 =	sshrl.u32 s0, $0x3;
	s0 =	simm.s32 $0x2B00;
	[dreg:$0xd] =	wrdreg s11  }
0x1b: {  	s13 =	simm.s32 $0x3;
	s14 =	simm.s32 $0x5;
	[dreg:$0xe] =	wrdreg s20  }
0x1c: {  	s10 =	sadd.s32 s6, s15;
	[dreg:$0xf] =	wrdreg s8;
	s8 =	simm.s32 $0x280  }
0x1d: {  	s11 =	simm.s32 $0x2;
	s12 =	simm.s32 $0x4;
	s15 =	simm.s32 $0x6  }
0x1e: {  	s16 =	simm.s32 $0x0;
	[dreg:$0xb] =	wrdreg s10;
	s10 =	simm.s32 $0x5300  }
.LBB2_1:
0x1f: {  	s17 =	rddreg [dreg:$0x5]  }
0x20: {  	s18 =	rddreg [dreg:$0x4];
	s17 =	sshrl.u32 s17, $0x3  }
0x21: {  	[spmem:s17], [sflag:s9] =	dma.local [hbm:s18], $0x2800  }
0x22: {  	_ =	swait.ge [sflag:s25], $0x2800  }
0x23: {  	[sflag:s25] =	ssyncset.done $0x0  }
0x24: {  	[sflag:s25] =	ssyncadd.s32 $0xFFFFD800  }
0x25: {  	[bflag:$0x0] =	sbarrier.arrive $0xFFFF  }
0x26: {  	s20 =	rddreg [dreg:$0x6]  }
0x27: {  	[tilespmem:s4], [sflag:$0x7] =	stream.linear.gather [hbm4b:s20+s4], $0x50, $0x38;
	[tilespmem:$0x1BB00] =	vst v63  }
0x28: {  	_ =	swait.ge [sflag:s25], $0x50  }
0x29: {  	[sflag:s25] =	ssyncset.done $0x0  }
0x2a: {  	s21 =	rddreg [dreg:$0x7];
	[sflag:s25] =	ssyncadd.s32 $0xFFFFFFB0  }
0x2b: {  	[tilespmem:s26], [sflag:$0x7] =	stream.linear.gather [hbm4b:s21+s4], $0x50, $0x38;
	[tilespmem:$0x1BB00] =	vst v63  }
0x2c: {  	_ =	swait.ge [sflag:s25], $0x50  }
0x2d: {  	[sflag:s25] =	ssyncset.done $0x0  }
0x2e: {  	[sflag:s25] =	ssyncadd.s32 $0xFFFFFFB0  }
0x2f: {  	[tilespmem:s29], [sflag:$0x1] =	stream.indirect.gather [hbm4b:s1+s28], $0x80, s4, s28, $0xb8;
	[tilespmem:$0x1BB00] =	vst v63  }
0x30: {  	s19 =	rddreg [dreg:$0x8]  }
0x31: {  	[tilespmem:s30], [sflag:$0x7] =	stream.linear.gather [hbm4b:s19+s4], $0x50, $0x38;
	[tilespmem:$0x1BB00] =	vst v63  }
0x32: {  	_ =	swait.ge [sflag:s25], $0x50  }
0x33: {  	[sflag:s25] =	ssyncset.done $0x0  }
0x34: {  	s20 =	rddreg [dreg:$0x9];
	[sflag:s25] =	ssyncadd.s32 $0xFFFFFFB0  }
0x35: {  	[tilespmem:s31], [sflag:$0x7] =	stream.linear.gather [hbm4b:s20+s4], $0x50, $0x38;
	[tilespmem:$0x1BB00] =	vst v63  }
0x36: {  	_ =	swait.ge [sflag:s25], $0x50  }
0x37: {  	[sflag:s25] =	ssyncset.done $0x0  }
0x38: {  	[sflag:s25] =	ssyncadd.s32 $0xFFFFFFB0  }
0x39: {  	[tilespmem:s0], [sflag:$0x2] =	stream.indirect.gather [hbm4b:s1+s28], $0x80, s30, s28, $0xb8;
	[tilespmem:$0x1BB00] =	vst v63  }
0x3a: {  	_ =	swait.ge [sflag:s3], $0x2800  }
0x3b: {  	[sflag:s3] =	ssyncset.done $0x0  }
0x3c: {  	[sflag:s3] =	ssyncadd.s32 $0xFFFFD800  }
0x3d: {  	[spmem:s2] =	stream.indirect.scatter.add.f32 [tilespmem:s29], [sflag:$0x4], $0x80, s26, s28, $0xb8;
	[tilespmem:$0x1BB00] =	vst v63  }
0x3e: {  	s21 =	rddreg [dreg:$0xa]  }
0x3f: {  	[tilespmem:s7], [sflag:$0x7] =	stream.linear.gather [hbm4b:s21+s4], $0x50, $0x38;
	[tilespmem:$0x1BB00] =	vst v63  }
0x40: {  	_ =	swait.ge [sflag:s25], $0x50  }
0x41: {  	[sflag:s25] =	ssyncset.done $0x0  }
0x42: {  	s19 =	rddreg [dreg:$0xb];
	[sflag:s25] =	ssyncadd.s32 $0xFFFFFFB0  }
0x43: {  	[tilespmem:s8], [sflag:$0x7] =	stream.linear.gather [hbm4b:s19+s4], $0x50, $0x38;
	[tilespmem:$0x1BB00] =	vst v63  }
0x44: {  	_ =	swait.ge [sflag:s25], $0x50  }
0x45: {  	[sflag:s25] =	ssyncset.done $0x0  }
0x46: {  	[sflag:s25] =	ssyncadd.s32 $0xFFFFFFB0  }
0x47: {  	[tilespmem:s10], [sflag:$0x3] =	stream.indirect.gather [hbm4b:s1+s28], $0x80, s7, s28, $0xb8;
	[tilespmem:$0x1BB00] =	vst v63  }
0x48: {  	_ =	swait.ge [sflag:s11], $0x2800  }
0x49: {  	[sflag:s11] =	ssyncset.done $0x0  }
0x4a: {  	[sflag:s11] =	ssyncadd.s32 $0xFFFFD800  }
0x4b: {  	[spmem:s2] =	stream.indirect.scatter.add.f32 [tilespmem:s0], [sflag:$0x5], $0x80, s31, s28, $0xb8;
	[tilespmem:$0x1BB00] =	vst v63  }
0x4c: {  	_ =	swait.ge [sflag:s12], $0x2800  }
0x4d: {  	[sflag:s12] =	ssyncset.done $0x0  }
0x4e: {  	s20 =	rddreg [dreg:$0xc];
	[sflag:s12] =	ssyncadd.s32 $0xFFFFD800  }
0x4f: {  	[tilespmem:s4], [sflag:$0x7] =	stream.linear.gather [hbm4b:s20+s4], $0x50, $0x38;
	[tilespmem:$0x1BB00] =	vst v63  }
0x50: {  	_ =	swait.ge [sflag:s25], $0x50  }
0x51: {  	[sflag:s25] =	ssyncset.done $0x0  }
0x52: {  	s21 =	rddreg [dreg:$0xd];
	[sflag:s25] =	ssyncadd.s32 $0xFFFFFFB0  }
0x53: {  	[tilespmem:s26], [sflag:$0x7] =	stream.linear.gather [hbm4b:s21+s4], $0x50, $0x38;
	[tilespmem:$0x1BB00] =	vst v63  }
0x54: {  	_ =	swait.ge [sflag:s25], $0x50  }
0x55: {  	[sflag:s25] =	ssyncset.done $0x0  }
0x56: {  	[sflag:s25] =	ssyncadd.s32 $0xFFFFFFB0  }
0x57: {  	[tilespmem:s29], [sflag:$0x1] =	stream.indirect.gather [hbm4b:s1+s28], $0x80, s4, s28, $0xb8;
	[tilespmem:$0x1BB00] =	vst v63  }
0x58: {  	_ =	swait.ge [sflag:s13], $0x2800  }
0x59: {  	[sflag:s13] =	ssyncset.done $0x0  }
0x5a: {  	[sflag:s13] =	ssyncadd.s32 $0xFFFFD800  }
0x5b: {  	[spmem:s2] =	stream.indirect.scatter.add.f32 [tilespmem:s10], [sflag:$0x6], $0x80, s8, s28, $0xb8;
	[tilespmem:$0x1BB00] =	vst v63  }
0x5c: {  	_ =	swait.ge [sflag:s14], $0x2800  }
0x5d: {  	[sflag:s14] =	ssyncset.done $0x0  }
0x5e: {  	s19 =	sadd.s32 s5, s24;
	[sflag:s14] =	ssyncadd.s32 $0xFFFFD800  }
0x5f: {  	[tilespmem:s30], [sflag:$0x7] =	stream.linear.gather [hbm4b:s19+s4], $0x50, $0x38;
	[tilespmem:$0x1BB00] =	vst v63  }
0x60: {  	_ =	swait.ge [sflag:s25], $0x50  }
0x61: {  	[sflag:s25] =	ssyncset.done $0x0  }
0x62: {  	s20 =	sadd.s32 s6, s24;
	[sflag:s25] =	ssyncadd.s32 $0xFFFFFFB0  }
0x63: {  	[tilespmem:s31], [sflag:$0x7] =	stream.linear.gather [hbm4b:s20+s4], $0x50, $0x38;
	[tilespmem:$0x1BB00] =	vst v63  }
0x64: {  	_ =	swait.ge [sflag:s25], $0x50  }
0x65: {  	[sflag:s25] =	ssyncset.done $0x0  }
0x66: {  	[sflag:s25] =	ssyncadd.s32 $0xFFFFFFB0  }
0x67: {  	[tilespmem:s0], [sflag:$0x2] =	stream.indirect.gather [hbm4b:s1+s28], $0x80, s30, s28, $0xb8;
	[tilespmem:$0x1BB00] =	vst v63  }
0x68: {  	_ =	swait.ge [sflag:s3], $0x2800  }
0x69: {  	[sflag:s3] =	ssyncset.done $0x0  }
0x6a: {  	[sflag:s3] =	ssyncadd.s32 $0xFFFFD800  }
0x6b: {  	[spmem:s2] =	stream.indirect.scatter.add.f32 [tilespmem:s29], [sflag:$0x4], $0x80, s26, s28, $0xb8;
	[tilespmem:$0x1BB00] =	vst v63  }
0x6c: {  	_ =	swait.ge [sflag:s15], $0x2800  }
0x6d: {  	[sflag:s15] =	ssyncset.done $0x0  }
0x6e: {  	s21 =	sadd.s32 s5, s23;
	[sflag:s15] =	ssyncadd.s32 $0xFFFFD800  }
0x6f: {  	[tilespmem:s7], [sflag:$0x7] =	stream.linear.gather [hbm4b:s21+s4], $0x50, $0x38;
	[tilespmem:$0x1BB00] =	vst v63  }
0x70: {  	_ =	swait.ge [sflag:s25], $0x50  }
0x71: {  	[sflag:s25] =	ssyncset.done $0x0  }
0x72: {  	s19 =	sadd.s32 s6, s23;
	[sflag:s25] =	ssyncadd.s32 $0xFFFFFFB0  }
0x73: {  	[tilespmem:s8], [sflag:$0x7] =	stream.linear.gather [hbm4b:s19+s4], $0x50, $0x38;
	[tilespmem:$0x1BB00] =	vst v63  }
0x74: {  	_ =	swait.ge [sflag:s25], $0x50  }
0x75: {  	[sflag:s25] =	ssyncset.done $0x0  }
0x76: {  	[sflag:s25] =	ssyncadd.s32 $0xFFFFFFB0  }
0x77: {  	[tilespmem:s10], [sflag:$0x3] =	stream.indirect.gather [hbm4b:s1+s28], $0x80, s7, s28, $0xb8;
	[tilespmem:$0x1BB00] =	vst v63  }
0x78: {  	_ =	swait.ge [sflag:s11], $0x2800  }
0x79: {  	[sflag:s11] =	ssyncset.done $0x0  }
0x7a: {  	[sflag:s11] =	ssyncadd.s32 $0xFFFFD800  }
0x7b: {  	[spmem:s2] =	stream.indirect.scatter.add.f32 [tilespmem:s0], [sflag:$0x5], $0x80, s31, s28, $0xb8;
	[tilespmem:$0x1BB00] =	vst v63  }
0x7c: {  	_ =	swait.ge [sflag:s12], $0x2800  }
0x7d: {  	[sflag:s12] =	ssyncset.done $0x0  }
0x7e: {  	s20 =	sadd.s32 s5, s22;
	[sflag:s12] =	ssyncadd.s32 $0xFFFFD800  }
0x7f: {  	[tilespmem:s4], [sflag:$0x7] =	stream.linear.gather [hbm4b:s20+s4], $0x50, $0x38;
	[tilespmem:$0x1BB00] =	vst v63  }
0x80: {  	_ =	swait.ge [sflag:s25], $0x50  }
0x81: {  	[sflag:s25] =	ssyncset.done $0x0  }
0x82: {  	s21 =	sadd.s32 s6, s22;
	[sflag:s25] =	ssyncadd.s32 $0xFFFFFFB0  }
0x83: {  	[tilespmem:s26], [sflag:$0x7] =	stream.linear.gather [hbm4b:s21+s4], $0x50, $0x38;
	[tilespmem:$0x1BB00] =	vst v63  }
0x84: {  	_ =	swait.ge [sflag:s25], $0x50  }
0x85: {  	s18 =	simm.s32 $0x27;
	[sflag:s25] =	ssyncset.done $0x0  }
0x86: {  	s19 =	sadd.s32 $0x1E, s6;
	s20 =	sadd.s32 $0x1E, s5;
	[sflag:s25] =	ssyncadd.s32 $0xFFFFFFB0  }
.LBB2_2:
0x87: {  	[tilespmem:s29], [sflag:$0x1] =	stream.indirect.gather [hbm4b:s1+s28], $0x80, s4, s28, $0xb8;
	[tilespmem:$0x1BB00] =	vst v63  }
0x88: {  	p0 =	sne.s32 s18, $0x1;
	s18 =	sadd.s32 $0xFFFFFFFF, s18;
	_ =	swait.ge [sflag:s13], $0x2800  }
0x89: {  	[sflag:s13] =	ssyncset.done $0x0  }
0x8a: {  	[sflag:s13] =	ssyncadd.s32 $0xFFFFD800  }
0x8b: {  	[spmem:s2] =	stream.indirect.scatter.add.f32 [tilespmem:s10], [sflag:$0x6], $0x80, s8, s28, $0xb8;
	[tilespmem:$0x1BB00] =	vst v63  }
0x8c: {  	_ =	swait.ge [sflag:s14], $0x2800  }
0x8d: {  	[sflag:s14] =	ssyncset.done $0x0  }
0x8e: {  	s21 =	sadd.s32 s20, s24;
	[sflag:s14] =	ssyncadd.s32 $0xFFFFD800  }
0x8f: {  	[tilespmem:s30], [sflag:$0x7] =	stream.linear.gather [hbm4b:s21+s4], $0x50, $0x38;
	[tilespmem:$0x1BB00] =	vst v63  }
0x90: {  	_ =	swait.ge [sflag:s25], $0x50  }
0x91: {  	[sflag:s25] =	ssyncset.done $0x0  }
0x92: {  	s21 =	sadd.s32 s19, s24;
	[sflag:s25] =	ssyncadd.s32 $0xFFFFFFB0  }
0x93: {  	[tilespmem:s31], [sflag:$0x7] =	stream.linear.gather [hbm4b:s21+s4], $0x50, $0x38;
	[tilespmem:$0x1BB00] =	vst v63  }
0x94: {  	_ =	swait.ge [sflag:s25], $0x50  }
0x95: {  	[sflag:s25] =	ssyncset.done $0x0  }
0x96: {  	[sflag:s25] =	ssyncadd.s32 $0xFFFFFFB0  }
0x97: {  	[tilespmem:s0], [sflag:$0x2] =	stream.indirect.gather [hbm4b:s1+s28], $0x80, s30, s28, $0xb8;
	[tilespmem:$0x1BB00] =	vst v63  }
0x98: {  	_ =	swait.ge [sflag:s3], $0x2800  }
0x99: {  	[sflag:s3] =	ssyncset.done $0x0  }
0x9a: {  	[sflag:s3] =	ssyncadd.s32 $0xFFFFD800  }
0x9b: {  	[spmem:s2] =	stream.indirect.scatter.add.f32 [tilespmem:s29], [sflag:$0x4], $0x80, s26, s28, $0xb8;
	[tilespmem:$0x1BB00] =	vst v63  }
0x9c: {  	_ =	swait.ge [sflag:s15], $0x2800  }
0x9d: {  	[sflag:s15] =	ssyncset.done $0x0  }
0x9e: {  	s21 =	sadd.s32 s20, s23;
	[sflag:s15] =	ssyncadd.s32 $0xFFFFD800  }
0x9f: {  	[tilespmem:s7], [sflag:$0x7] =	stream.linear.gather [hbm4b:s21+s4], $0x50, $0x38;
	[tilespmem:$0x1BB00] =	vst v63  }
0xa0: {  	_ =	swait.ge [sflag:s25], $0x50  }
0xa1: {  	[sflag:s25] =	ssyncset.done $0x0  }
0xa2: {  	s21 =	sadd.s32 s19, s23;
	[sflag:s25] =	ssyncadd.s32 $0xFFFFFFB0  }
0xa3: {  	[tilespmem:s8], [sflag:$0x7] =	stream.linear.gather [hbm4b:s21+s4], $0x50, $0x38;
	[tilespmem:$0x1BB00] =	vst v63  }
0xa4: {  	_ =	swait.ge [sflag:s25], $0x50  }
0xa5: {  	[sflag:s25] =	ssyncset.done $0x0  }
0xa6: {  	[sflag:s25] =	ssyncadd.s32 $0xFFFFFFB0  }
0xa7: {  	[tilespmem:s10], [sflag:$0x3] =	stream.indirect.gather [hbm4b:s1+s28], $0x80, s7, s28, $0xb8;
	[tilespmem:$0x1BB00] =	vst v63  }
0xa8: {  	_ =	swait.ge [sflag:s11], $0x2800  }
0xa9: {  	[sflag:s11] =	ssyncset.done $0x0  }
0xaa: {  	[sflag:s11] =	ssyncadd.s32 $0xFFFFD800  }
0xab: {  	[spmem:s2] =	stream.indirect.scatter.add.f32 [tilespmem:s0], [sflag:$0x5], $0x80, s31, s28, $0xb8;
	[tilespmem:$0x1BB00] =	vst v63  }
0xac: {  	_ =	swait.ge [sflag:s12], $0x2800  }
0xad: {  	[sflag:s12] =	ssyncset.done $0x0  }
0xae: {  	s21 =	sadd.s32 s20, s22;
	[sflag:s12] =	ssyncadd.s32 $0xFFFFD800  }
0xaf: {  	[tilespmem:s4], [sflag:$0x7] =	stream.linear.gather [hbm4b:s21+s4], $0x50, $0x38;
	[tilespmem:$0x1BB00] =	vst v63  }
0xb0: {  	_ =	swait.ge [sflag:s25], $0x50  }
0xb1: {  	[sflag:s25] =	ssyncset.done $0x0  }
.Ltmp0:
0xb2: {  	s21 =	sadd.s32 s19, s22;
	[sflag:s25] =	ssyncadd.s32 $0xFFFFFFB0;
	(pc) =	sbr.rel @p0 .LBB2_2-.Ltmp0, $4  }
0xb3: {  	[tilespmem:s26], [sflag:$0x7] =	stream.linear.gather [hbm4b:s21+s4], $0x50, $0x38;
	[tilespmem:$0x1BB00] =	vst v63  }
0xb4: {  	_ =	swait.ge [sflag:s25], $0x50  }
0xb5: {  	[sflag:s25] =	ssyncset.done $0x0  }
0xb6: {  	s20 =	sadd.s32 $0x1E, s20;
	s19 =	sadd.s32 $0x1E, s19;
	[sflag:s25] =	ssyncadd.s32 $0xFFFFFFB0  }
0xb7: {  	[tilespmem:s29], [sflag:$0x1] =	stream.indirect.gather [hbm4b:s1+s28], $0x80, s4, s28, $0xb8;
	[tilespmem:$0x1BB00] =	vst v63  }
0xb8: {  	_ =	swait.ge [sflag:s13], $0x2800  }
0xb9: {  	[sflag:s13] =	ssyncset.done $0x0  }
0xba: {  	[sflag:s13] =	ssyncadd.s32 $0xFFFFD800  }
0xbb: {  	[spmem:s2] =	stream.indirect.scatter.add.f32 [tilespmem:s10], [sflag:$0x6], $0x80, s8, s28, $0xb8;
	[tilespmem:$0x1BB00] =	vst v63  }
0xbc: {  	_ =	swait.ge [sflag:s14], $0x2800  }
0xbd: {  	[sflag:s14] =	ssyncset.done $0x0  }
0xbe: {  	s18 =	rddreg [dreg:$0xe];
	[sflag:s14] =	ssyncadd.s32 $0xFFFFD800  }
0xbf: {  	[tilespmem:s30], [sflag:$0x7] =	stream.linear.gather [hbm4b:s18+s4], $0x50, $0x38;
	[tilespmem:$0x1BB00] =	vst v63  }
0xc0: {  	_ =	swait.ge [sflag:s25], $0x50  }
0xc1: {  	[sflag:s25] =	ssyncset.done $0x0  }
0xc2: {  	s19 =	rddreg [dreg:$0xf];
	[sflag:s25] =	ssyncadd.s32 $0xFFFFFFB0  }
0xc3: {  	[tilespmem:s31], [sflag:$0x7] =	stream.linear.gather [hbm4b:s19+s4], $0x50, $0x38;
	[tilespmem:$0x1BB00] =	vst v63  }
0xc4: {  	_ =	swait.ge [sflag:s25], $0x50  }
0xc5: {  	[sflag:s25] =	ssyncset.done $0x0  }
0xc6: {  	[sflag:s25] =	ssyncadd.s32 $0xFFFFFFB0  }
0xc7: {  	[tilespmem:s0], [sflag:$0x2] =	stream.indirect.gather [hbm4b:s1+s28], $0x80, s30, s28, $0xb8;
	[tilespmem:$0x1BB00] =	vst v63  }
0xc8: {  	_ =	swait.ge [sflag:s3], $0x2800  }
0xc9: {  	[sflag:s3] =	ssyncset.done $0x0  }
0xca: {  	[sflag:s3] =	ssyncadd.s32 $0xFFFFD800  }
0xcb: {  	[spmem:s2] =	stream.indirect.scatter.add.f32 [tilespmem:s29], [sflag:$0x4], $0x80, s26, s28, $0xb8;
	[tilespmem:$0x1BB00] =	vst v63  }
0xcc: {  	_ =	swait.ge [sflag:s15], $0x2800  }
0xcd: {  	[sflag:s15] =	ssyncset.done $0x0  }
0xce: {  	[sflag:s15] =	ssyncadd.s32 $0xFFFFD800  }
0xcf: {  	_ =	swait.ge [sflag:s11], $0x2800  }
0xd0: {  	[sflag:s11] =	ssyncset.done $0x0  }
0xd1: {  	[sflag:s11] =	ssyncadd.s32 $0xFFFFD800  }
0xd2: {  	[spmem:s2] =	stream.indirect.scatter.add.f32 [tilespmem:s0], [sflag:$0x5], $0x80, s31, s28, $0xb8;
	[tilespmem:$0x1BB00] =	vst v63  }
0xd3: {  	_ =	swait.ge [sflag:s12], $0x2800  }
0xd4: {  	[sflag:s12] =	ssyncset.done $0x0  }
0xd5: {  	[sflag:s12] =	ssyncadd.s32 $0xFFFFD800  }
0xd6: {  	_ =	swait.ge [sflag:s14], $0x2800  }
0xd7: {  	[sflag:s14] =	ssyncset.done $0x0  }
0xd8: {  	[sflag:s14] =	ssyncadd.s32 $0xFFFFD800  }
0xd9: {  	[bflag:$0x0] =	sbarrier.arrive $0xFFFF  }
0xda: {  	s20 =	rddreg [dreg:$0x10]  }
0xdb: {  	[hbm:s20], [sflag:s9] =	dma.local [spmem:s17], $0x2800  }
0xdc: {  	_ =	swait.ge [sflag:s25], $0x2800  }
0xdd: {  	s16 =	sadd.s32 $0x1, s16;
	s21 =	rddreg [dreg:$0x11]  }
0xde: {  	p0 =	sne.s32 s16, s21  }
.Ltmp1:
0xdf: {  	_ = 	snop;
	(pc) =	sbr.rel @p0 .LBB2_1-.Ltmp1, $3  }
0xe0: {  	_ =	sdelay $0x1  }
0xe1: {  	[sflag:s25] =	ssyncset.done $0x0  }
0xe2: {  	[sflag:s25] =	ssyncadd.s32 $0xFFFFD800  }
0xe3: {  	_ =	sfence.sel $0x180000  }
0xe4: {  	[bflag:$0x0] =	sbarrier.arrive $0xFFFF  }
0xe5: {  	_ =	strace $0x9000004D  }
0xe6: {  	s0 =	stileid.u32;
	[bflag:$0x2] =	sbarrier.arrive $0xFFFF  }
0xe7: {  	p0 =	sne.s32 s0, $0x0;
	s0 =	rddreg [dreg:$0x3]  }
0xe8: {  	s0 =	sadd.s32 @!p0 $0x100000, s0  }
0xe9: {  	[sflag:s0] =	ssyncadd.tile.s32 @!p0 $0x1;
	_ =	shalt  }
.Lfunc_end2:
_tile_overlayer_lowered:
.L_overlay_start_2:
0xea: {  	(tag) =	ssettag $0x2  }
0xeb: {  	s0 =	rddreg [dreg:$0x0];
	s2 =	stileid.u32  }
0xec: {  	s1 =	rddreg [dreg:$0x1];
	p0 =	sne.s32 s2, $0x0  }
0xed: {  	s3 =	rddreg [dreg:$0x2];
	[bflag:$0x3] =	sbarrier.arrive $0xFFFF;
	s2 =	simm.s32 @!p0 $0x1C07  }
0xee: {  	[timem:s3], [sflag:s2] =	dma.local @!p0 [hbm:s0], s1  }
0xef: {  	s0 =	simm.s32 @!p0 $0x7  }
0xf0: {  	_ =	swait.ge @!p0 [sflag:s0], s1  }
0xf1: {  	s1 =	ssub.s32 @!p0 $0x0, s1;
	[sflag:s0] =	ssyncset.done @!p0 $0x0  }
0xf2: {  	[sflag:s0] =	ssyncadd.s32 @!p0 s1  }
0xf3: {  	[bflag:$0x3] =	sbarrier.arrive $0xFFFF  }
0xf4: {  	_ =	shalt  }

// kernel: kernel.20.cloned.1.call-start
scs
__scs_entry_jumppad:
0x0: {  	(pc) =	sbr.rel $0x88, $3  }
0x1: {  	(tag) =	ssettag $0x0;
	lr =	simm.s32 $0x1  }
0x2: {  	[smem:$0x3F95] =	sst lr;
	_ =	strace $0xD0000000  }
0x3: {  	_ = 	snop  }
0x4: {  	_ = 	snop  }
0x5: {  	_ = 	snop  }
0x6: {  	_ = 	snop  }
0x7: {  	_ = 	snop  }
__scs_overlays_trampoline_lowered:
0x8: {  	[smem:$0x3FA4] =	sst s0  }
0x9: {  	[smem:$0x3FA5] =	sst s1  }
0xa: {  	[smem:$0x3FA6] =	sst s2  }
0xb: {  	[smem:$0x3FA7] =	sst s3  }
0xc: {  	[smem:$0x3FA8] =	sst s4  }
0xd: {  	[smem:$0x3FA9] =	sst s5  }
0xe: {  	[smem:$0x3FAA] =	sst s6  }
0xf: {  	[smem:$0x3FAB] =	sst s7  }
0x10: {  	[smem:$0x3FAC] =	sst s8  }
0x11: {  	[smem:$0x3FAD] =	sst s9;
	s0 =	simm.s32 @!p0 $0x0  }
0x12: {  	s1 =	sld [smem:$0x3F93];
	s0 =	simm.s32 @p0 $0x1  }
0x13: {  	[smem:$0x3FAE] =	sst s0;
	s0 =	simm.s32 @!p1 $0x0  }
0x14: {  	s2 =	sld [smem:$0x3F92];
	s0 =	simm.s32 @p1 $0x1  }
0x15: {  	[smem:$0x3FAF] =	sst s0;
	s0 =	simm.s32 @!p2 $0x0  }
0x16: {  	s3 =	sld [smem:$0x3FDB];
	s0 =	simm.s32 @p2 $0x1  }
0x17: {  	s4 =	simm.s32 $0x1BF5;
	[smem:$0x3FB1] =	sst s0  }
0x18: {  	s0 =	sld [smem:$0x3F94];
	_ =	swait.ge [sflag:s4], $0x0  }
0x19: {  	s7 =	sld [smem:$0x3F95]  }
0x1a: {  	s8 =	sadd.s32 $0xFFFFE003, lr  }
0x1b: {  	s9 =	sadd.s32 $0xFFFFFEF7, lr;
	s5 =	simm.s32 $0xFFFFFFFF;
	p2 =	slt.u32 s8, $0xFFFFF086  }
0x1c: {  	p1 =	slt.u32 s9, $0xF7A;
	s5 =	simm.s32 @!p2 $0x0  }
0x1d: {  	s5 =	simm.s32 @p1 $0x1;
	p0 =	seq.s32 s7, s2  }
0x1e: {  	s7 =	smul.u32 @!p0 $0xF7A, s2;
	p2 =	seq.s32 @!p0 s5, $0x0  }
0x1f: {  	s9 =	smul.u32 $0xF7A, s1;
	s8 =	simm.s32 @!p0 $0x1BF5;
	p2 =	por !p2, p0  }
0x20: {  	[sflag:s8] =	ssyncset.s32 @!p0 $0xFFFFF086;
	s6 =	sadd.s32 @!p0 s3, s7;
	s7 =	simm.s32 @!p0 $0x108  }
0x21: {  	s3 =	sadd.s32 s3, s9;
	s6 =	sadd.s32 @!p0 $0x88, s6;
	s7 =	simm.s32 @p2 $0x1082  }
0x22: {  	[simem:s7], [sflag:s8] =	dma.local @!p0 [hbm:s6], $0xF7A  }
0x23: {  	s9 =	sor.u32 $0xD0000000, s2;
	s6 =	simm.s32 $0x108;
	_ =	swait.ge @!p0 [sflag:s8], $0x0  }
0x24: {  	s3 =	sadd.s32 $0x88, s3;
	s6 =	simm.s32 @!p1 $0x1082;
	[sflag:s4] =	ssyncset.s32 $0xFFFFF086  }
0x25: {  	[simem:s6], [sflag:s4] =	dma.local [hbm:s3], $0xF7A  }
0x26: {  	[smem:$0x3F95] =	sst s1;
	(tag) =	ssettag s2;
	_ =	strace s9  }
0x27: {  	s1 =	sld [smem:$0x3FA5]  }
0x28: {  	s2 =	sld [smem:$0x3FA6]  }
0x29: {  	s4 =	sld [smem:$0x3FA8]  }
0x2a: {  	p0 =	seq.s32 s5, $0x0;
	s5 =	sld [smem:$0x3FA9]  }
0x2b: {  	s6 =	sld [smem:$0x3FAA]  }
0x2c: {  	s7 =	sld [smem:$0x3FAB]  }
0x2d: {  	s3 =	simm.s32 $0x108;
	s8 =	sld [smem:$0x3FAC]  }
0x2e: {  	s3 =	simm.s32 @!p0 $0x1082;
	s9 =	sld [smem:$0x3FAD]  }
0x2f: {  	lr =	sadd.s32 s0, s3;
	s0 =	sld [smem:$0x3FA4]  }
0x30: {  	s3 =	sld [smem:$0x3FA7]  }
0x31: {  	[smem:$0x3FB0] =	sst s10  }
0x32: {  	s10 =	sld [smem:$0x3FAE];
	_ =	sdelay $0x3  }
0x33: {  	p0 =	seq.s32 s10, $0x1;
	s10 =	sld [smem:$0x3FB0];
	_ =	sdelay $0x3  }
0x34: {  	[smem:$0x3FB0] =	sst s10  }
0x35: {  	s10 =	sld [smem:$0x3FAF];
	_ =	sdelay $0x3  }
0x36: {  	p1 =	seq.s32 s10, $0x1;
	s10 =	sld [smem:$0x3FB0];
	_ =	sdelay $0x3  }
0x37: {  	[smem:$0x3FB0] =	sst s10  }
0x38: {  	s10 =	sld [smem:$0x3FB1]  }
0x39: {  	_ = 	snop;
	(pc) =	sbr.ind lr, $3  }
0x3a: {  	_ = 	snop  }
0x3b: {  	_ = 	snop  }
0x3c: {  	p2 =	seq.s32 s10, $0x1;
	s10 =	sld [smem:$0x3FB0]  }
0x3d: {  	_ =	shalt  }
0x3e: {  	_ =	shalt  }
0x3f: {  	_ =	shalt  }
0x40: {  	_ =	shalt  }
0x41: {  	_ =	shalt  }
0x42: {  	_ =	shalt  }
0x43: {  	_ =	shalt  }
0x44: {  	_ =	shalt  }
0x45: {  	_ =	shalt  }
0x46: {  	_ =	shalt  }
0x47: {  	_ =	shalt  }
0x48: {  	_ =	shalt  }
0x49: {  	_ =	shalt  }
0x4a: {  	_ =	shalt  }
0x4b: {  	_ =	shalt  }
0x4c: {  	_ =	shalt  }
0x4d: {  	_ =	shalt  }
0x4e: {  	_ =	shalt  }
0x4f: {  	_ =	shalt  }
0x50: {  	_ =	shalt  }
0x51: {  	_ =	shalt  }
0x52: {  	_ =	shalt  }
0x53: {  	_ =	shalt  }
0x54: {  	_ =	shalt  }
0x55: {  	_ =	shalt  }
0x56: {  	_ =	shalt  }
0x57: {  	_ =	shalt  }
0x58: {  	_ =	shalt  }
0x59: {  	_ =	shalt  }
0x5a: {  	_ =	shalt  }
0x5b: {  	_ =	shalt  }
0x5c: {  	_ =	shalt  }
0x5d: {  	_ =	shalt  }
0x5e: {  	_ =	shalt  }
0x5f: {  	_ =	shalt  }
0x60: {  	_ =	shalt  }
0x61: {  	_ =	shalt  }
0x62: {  	_ =	shalt  }
0x63: {  	_ =	shalt  }
0x64: {  	_ =	shalt  }
0x65: {  	_ =	shalt  }
0x66: {  	_ =	shalt  }
0x67: {  	_ =	shalt  }
0x68: {  	_ =	shalt  }
0x69: {  	_ =	shalt  }
0x6a: {  	_ =	shalt  }
0x6b: {  	_ =	shalt  }
0x6c: {  	_ =	shalt  }
0x6d: {  	_ =	shalt  }
0x6e: {  	_ =	shalt  }
0x6f: {  	_ =	shalt  }
0x70: {  	_ =	shalt  }
0x71: {  	_ =	shalt  }
0x72: {  	_ =	shalt  }
0x73: {  	_ =	shalt  }
0x74: {  	_ =	shalt  }
0x75: {  	_ =	shalt  }
0x76: {  	_ =	shalt  }
0x77: {  	_ =	shalt  }
0x78: {  	_ =	shalt  }
0x79: {  	_ =	shalt  }
0x7a: {  	_ =	shalt  }
0x7b: {  	_ =	shalt  }
0x7c: {  	_ =	shalt  }
0x7d: {  	_ =	shalt  }
0x7e: {  	_ =	shalt  }
0x7f: {  	_ =	shalt  }
0x80: {  	_ =	shalt  }
0x81: {  	_ =	shalt  }
0x82: {  	_ =	shalt  }
0x83: {  	_ =	shalt  }
0x84: {  	_ =	shalt  }
0x85: {  	_ =	shalt  }
0x86: {  	_ =	shalt  }
0x87: {  	_ =	shalt  }
.Lfunc_end0:
.L_simem_size_0:
called_computation.3_lowered:
.L_overlay_start_0:
0x88: {  	s2 =	sld [smem:$0x3FD9]  }
0x89: {  	s3 =	sld [smem:$0x3FFE];
	_ =	sdelay $0x1  }
0x8a: {  	s1 =	srdreg.scid  }
0x8b: {  	s0 =	sand.u32 $0x1, s1  }
0x8c: {  	s17 =	sshll.u32 s0, $0xA;
	s2 =	sadd.s32 s3, s2  }
0x8d: {  	s2 =	sadd.s32 s2, s17  }
0x8e: {  	[smem:$0x3FBC] =	sst s2  }
0x8f: {  	_ = 	snop  }
0x90: {  	s2 =	sld [smem:$0x3FD0];
	(tm) =	ssettm $0x1  }
0x91: {  	s18 =	sld [smem:$0x3FFB];
	_ =	sdelay $0x3  }
0x92: {  	_ =	strace s18  }
0x93: {  	s3 =	sld [smem:$0x3FFC];
	_ =	sdelay $0x3  }
0x94: {  	_ =	strace s3  }
0x95: {  	s3 =	sld [smem:$0x3FFD];
	_ =	sdelay $0x3  }
0x96: {  	_ =	strace s3  }
0x97: {  	_ =	strace $0x8FFFFFFF  }
0x98: {  	s19 =	sld [smem:$0x3FDB];
	_ =	sdelay $0x1  }
0x99: {  	s4 =	simm.s32 $_scs_section_size  }
0x9a: {  	s5 =	simm.s32 $_size__tile_overlayer_lowered;
	s6 =	simm.s32 $_tile_overlayer_lowered  }
0x9b: {  	s22 =	simm.s32 $0x1BFF;
	s21 =	sshll.u32 s6, $0x1;
	s3 =	sadd.s32 s4, s19  }
0x9c: {  	s7 =	simm.s32 $0x0;
	s20 =	sshll.u32 s5, $0x1;
	s5 =	sadd.s32 s21, s3  }
0x9d: {  	[timem:s7], [sflag:s22] =	dma.local [hbm:s5], s20  }
0x9e: {  	_ =	swait.ge [sflag:s22], s20  }
0x9f: {  	s4 =	ssub.s32 $0x0, s20;
	[sflag:s22] =	ssyncset.done $0x0  }
0xa0: {  	[sflag:s22] =	ssyncadd.s32 s4;
	_ =	sdelay $0x1  }
0xa1: {  	s23 =	simm.s32 $0x1B8B  }
0xa2: {  	_ =	swait.ge [sflag:s23], $0x1  }
0xa3: {  	[sflag:s23] =	ssyncset.done $0x0  }
0xa4: {  	s25 =	simm.s32 $0x1B8E;
	s24 =	sld [smem:$0x3FFE];
	[sflag:s23] =	ssyncadd.s32 $0xFFFFFFFF  }
0xa5: {  	s26 =	simm.s32 $execute0_lowered;
	[smem:$0x3FD2] =	sst s25  }
0xa6: {  	s5 =	sshll.u32 s26, $0x1;
	_ =	strace $0x8000004F;
	[dreg:$0x1] =	wrdreg $0xFFFFFFFF  }
0xa7: {  	s28 =	simm.s32 $_size_execute0_lowered;
	s3 =	sadd.s32 s3, s5;
	[dreg:$0x0] =	wrdreg $0x0  }
0xa8: {  	s5 =	sshll.u32 s28, $0x1;
	[dreg:$0x2] =	wrdreg s3  }
0xa9: {  	[dreg:$0x3] =	wrdreg s5  }
0xaa: {  	[dreg:$0x4] =	wrdreg $0xC0  }
0xab: {  	_ =	task [dreg:s7], $0x5FFFF  }
0xac: {  	[dreg:$0x1] =	wrdreg $0xFFFFFFFF  }
0xad: {  	[dreg:$0x0] =	wrdreg $0x60  }
0xae: {  	[dreg:$0x2] =	wrdreg s2  }
0xaf: {  	[dreg:$0x3] =	wrdreg s24  }
0xb0: {  	[dreg:$0x4] =	wrdreg $0x7B000  }
0xb1: {  	[dreg:$0x5] =	wrdreg $0x9  }
0xb2: {  	_ =	task.clear_ibuf [dreg:s7], $0x6FFFF;
	_ =	strace $0x9000004F  }
0xb3: {  	s29 =	simm.s32 $0x9;
	_ =	strace $0x80000051  }
0xb4: {  	_ =	swait.ge [sflag:s29], $0x1  }
0xb5: {  	[sflag:s29] =	ssyncadd.s32 $0xFFFFFFFF  }
0xb6: {  	_ =	strace $0x90000051  }
0xb7: {  	_ =	sfence  }
0xb8: {  	s30 =	sld [smem:$0x0];
	_ =	sdelay $0x2  }
0xb9: {  	s31 =	sshll.u32 s1, $0xD;
	s1 =	sshrl.u32 s1, $0x2  }
0xba: {  	s3 =	sand.u32 $0x4000, s31;
	s1 =	sadd.s32 s1, s30  }
0xbb: {  	s0 =	sor.u32 s3, s0;
	s1 =	sshll.u32 s1, $0x11  }
0xbc: {  	s0 =	sor.u32 s1, s0  }
0xbd: {  	s0 =	sadd.s32 $0x8F2B, s0  }
0xbe: {  	[sflag:s0] =	ssyncadd.remote.s32 $0x1  }
0xbf: {  	_ =	sfence.sel $0xFFFF  }
0xc0: {  	[dreg:$0x0] =	wrdreg $0xFFFFFFFF;
	(pc) =	sbr.abs _section_cstart, $3  }
0xc1: {  	[dreg:$0x1] =	wrdreg $0xFFFFFFFF  }
0xc2: {  	_ =	task.clear_ibuf [dreg:s7], $0x2FFFF;
	_ =	strace $0x9FFFFFFF  }
0xc3: {  	(tm) =	ssettm $0x7FFFFFFF  }
tec
execute0_lowered:
.L_overlay_start_1:
0x0: {  	(tag) =	ssettag $0x1  }
0x1: {  	s1 =	rddreg [dreg:$0x0]  }
0x2: {  	s0 =	rddreg [dreg:$0x1]  }
0x3: {  	s2 =	rddreg [dreg:$0x2];
	s3 =	srdreg.scid  }
0x4: {  	s4 =	simm.s32 $0x0;
	s11 =	stileid.u32;
	s28 =	simm.s32 $0x50  }
0x5: {  	s29 =	simm.s32 $0x300;
	s30 =	simm.s32 $0x100;
	s31 =	simm.s32 $0x180  }
0x6: {  	s3 =	sand.u32 $0x1, s3;
	[smem:$0x7FF] =	sst s4;
	s8 =	smul.u32 $0x14000, s11  }
0x7: {  	s5 =	sadd.s32 $0xD400, s0;
	s6 =	sadd.s32 $0x3600, s0;
	s10 =	smul.u32 $0x50000, s11  }
0x8: {  	s22 =	sadd.s32 $0x17200, s0;
	s23 =	sshll.u32 s11, $0x1;
	s17 =	smul.u32 $0x4E20, s11  }
0x9: {  	s26 =	sshll.u32 s11, $0x6;
	s7 =	smul.u32 $0x140000, s3;
	s9 =	ssub.s32 $0x2, s3  }
0xa: {  	_ =	strace $0x80000050;
	[dreg:$0x4] =	wrdreg s22;
	s24 =	sshrl.u32 s9, $0x1  }
0xb: {  	s7 =	sadd.s32 s8, s7;
	s8 =	sor.u32 s3, s23;
	s3 =	smul.u32 $0x2710, s3  }
0xc: {  	s25 =	sshrl.u32 s10, $0x2;
	s7 =	sshrl.u32 s7, $0x3;
	s8 =	smul.u32 $0x2710, s8  }
0xd: {  	s0 =	sadd.s32 s7, s0;
	s7 =	ssub.s32 s9, s24;
	s9 =	sadd.s32 s25, s2  }
0xe: {  	s21 =	sadd.s32 s3, s17;
	s3 =	simm.s32 $0x1;
	[dreg:$0x5] =	wrdreg s9  }
0xf: {  	s9 =	sor.u32 $0x1C07, s26;
	s8 =	sshrl.u32 s8, $0x3;
	s0 =	sadd.s32 $0x19A00, s0  }
0x10: {  	s24 =	smax.u32 s7, $0x1;
	s25 =	sadd.s32 $0x1E0, s21;
	s26 =	sadd.s32 $0x190, s21  }
0x11: {  	s7 =	simm.s32 $0x200;
	s12 =	sadd.s32 s5, s8;
	s13 =	sadd.s32 s6, s8  }
0x12: {  	s14 =	sadd.s32 $0xA, s8;
	s15 =	sadd.s32 $0x14, s8;
	[dreg:$0x10] =	wrdreg s0  }
0x13: {  	s18 =	sadd.s32 $0x1E, s8;
	s8 =	sadd.s32 $0x4D8, s8;
	[dreg:$0x11] =	wrdreg s24  }
0x14: {  	s22 =	sshrl.u32 s25, $0x3;
	s23 =	sshrl.u32 s26, $0x3;
	[dreg:$0x6] =	wrdreg s12  }
0x15: {  	s0 =	sadd.s32 $0x140, s21;
	[dreg:$0x7] =	wrdreg s13;
	s12 =	sadd.s32 s5, s14  }
0x16: {  	s25 =	simm.s32 $0x7;
	s10 =	sadd.s32 s6, s14;
	[dreg:$0x8] =	wrdreg s12  }
0x17: {  	s26 =	simm.s32 $0x80;
	s16 =	sadd.s32 s5, s15;
	[dreg:$0x9] =	wrdreg s10  }
0x18: {  	s19 =	sadd.s32 s5, s18;
	s11 =	sadd.s32 s6, s18;
	[dreg:$0xa] =	wrdreg s16  }
0x19: {  	s20 =	sadd.s32 s5, s8;
	s8 =	sadd.s32 s6, s8;
	[dreg:$0xc] =	wrdreg s19  }
0x1a: {  	s24 =	sshrl.u32 s0, $0x3;
	s0 =	simm.s32 $0x2B00;
	[dreg:$0xd] =	wrdreg s11  }
0x1b: {  	s13 =	simm.s32 $0x3;
	s14 =	simm.s32 $0x5;
	[dreg:$0xe] =	wrdreg s20  }
0x1c: {  	s10 =	sadd.s32 s6, s15;
	[dreg:$0xf] =	wrdreg s8;
	s8 =	simm.s32 $0x280  }
0x1d: {  	s11 =	simm.s32 $0x2;
	s12 =	simm.s32 $0x4;
	s15 =	simm.s32 $0x6  }
0x1e: {  	s16 =	simm.s32 $0x0;
	[dreg:$0xb] =	wrdreg s10;
	s10 =	simm.s32 $0x5300  }
.LBB2_1:
0x1f: {  	s17 =	rddreg [dreg:$0x5]  }
0x20: {  	s18 =	rddreg [dreg:$0x4];
	s17 =	sshrl.u32 s17, $0x3  }
0x21: {  	[spmem:s17], [sflag:s9] =	dma.local [hbm:s18], $0x2800  }
0x22: {  	_ =	swait.ge [sflag:s25], $0x2800  }
0x23: {  	[sflag:s25] =	ssyncset.done $0x0  }
0x24: {  	[sflag:s25] =	ssyncadd.s32 $0xFFFFD800  }
0x25: {  	[bflag:$0x0] =	sbarrier.arrive $0xFFFF  }
0x26: {  	s20 =	rddreg [dreg:$0x6]  }
0x27: {  	[tilespmem:s4], [sflag:$0x7] =	stream.linear.gather [hbm4b:s20+s4], $0x50, $0x38;
	[tilespmem:$0x1BB00] =	vst v63  }
0x28: {  	_ =	swait.ge [sflag:s25], $0x50  }
0x29: {  	[sflag:s25] =	ssyncset.done $0x0  }
0x2a: {  	s21 =	rddreg [dreg:$0x7];
	[sflag:s25] =	ssyncadd.s32 $0xFFFFFFB0  }
0x2b: {  	[tilespmem:s26], [sflag:$0x7] =	stream.linear.gather [hbm4b:s21+s4], $0x50, $0x38;
	[tilespmem:$0x1BB00] =	vst v63  }
0x2c: {  	_ =	swait.ge [sflag:s25], $0x50  }
0x2d: {  	[sflag:s25] =	ssyncset.done $0x0  }
0x2e: {  	[sflag:s25] =	ssyncadd.s32 $0xFFFFFFB0  }
0x2f: {  	[tilespmem:s29], [sflag:$0x1] =	stream.indirect.gather [hbm4b:s1+s28], $0x80, s4, s28, $0xb8;
	[tilespmem:$0x1BB00] =	vst v63  }
0x30: {  	s19 =	rddreg [dreg:$0x8]  }
0x31: {  	[tilespmem:s30], [sflag:$0x7] =	stream.linear.gather [hbm4b:s19+s4], $0x50, $0x38;
	[tilespmem:$0x1BB00] =	vst v63  }
0x32: {  	_ =	swait.ge [sflag:s25], $0x50  }
0x33: {  	[sflag:s25] =	ssyncset.done $0x0  }
0x34: {  	s20 =	rddreg [dreg:$0x9];
	[sflag:s25] =	ssyncadd.s32 $0xFFFFFFB0  }
0x35: {  	[tilespmem:s31], [sflag:$0x7] =	stream.linear.gather [hbm4b:s20+s4], $0x50, $0x38;
	[tilespmem:$0x1BB00] =	vst v63  }
0x36: {  	_ =	swait.ge [sflag:s25], $0x50  }
0x37: {  	[sflag:s25] =	ssyncset.done $0x0  }
0x38: {  	[sflag:s25] =	ssyncadd.s32 $0xFFFFFFB0  }
0x39: {  	[tilespmem:s0], [sflag:$0x2] =	stream.indirect.gather [hbm4b:s1+s28], $0x80, s30, s28, $0xb8;
	[tilespmem:$0x1BB00] =	vst v63  }
0x3a: {  	_ =	swait.ge [sflag:s3], $0x2800  }
0x3b: {  	[sflag:s3] =	ssyncset.done $0x0  }
0x3c: {  	[sflag:s3] =	ssyncadd.s32 $0xFFFFD800  }
0x3d: {  	[spmem:s2] =	stream.indirect.scatter.add.f32 [tilespmem:s29], [sflag:$0x4], $0x80, s26, s28, $0xb8;
	[tilespmem:$0x1BB00] =	vst v63  }
0x3e: {  	s21 =	rddreg [dreg:$0xa]  }
0x3f: {  	[tilespmem:s7], [sflag:$0x7] =	stream.linear.gather [hbm4b:s21+s4], $0x50, $0x38;
	[tilespmem:$0x1BB00] =	vst v63  }
0x40: {  	_ =	swait.ge [sflag:s25], $0x50  }
0x41: {  	[sflag:s25] =	ssyncset.done $0x0  }
0x42: {  	s19 =	rddreg [dreg:$0xb];
	[sflag:s25] =	ssyncadd.s32 $0xFFFFFFB0  }
0x43: {  	[tilespmem:s8], [sflag:$0x7] =	stream.linear.gather [hbm4b:s19+s4], $0x50, $0x38;
	[tilespmem:$0x1BB00] =	vst v63  }
0x44: {  	_ =	swait.ge [sflag:s25], $0x50  }
0x45: {  	[sflag:s25] =	ssyncset.done $0x0  }
0x46: {  	[sflag:s25] =	ssyncadd.s32 $0xFFFFFFB0  }
0x47: {  	[tilespmem:s10], [sflag:$0x3] =	stream.indirect.gather [hbm4b:s1+s28], $0x80, s7, s28, $0xb8;
	[tilespmem:$0x1BB00] =	vst v63  }
0x48: {  	_ =	swait.ge [sflag:s11], $0x2800  }
0x49: {  	[sflag:s11] =	ssyncset.done $0x0  }
0x4a: {  	[sflag:s11] =	ssyncadd.s32 $0xFFFFD800  }
0x4b: {  	[spmem:s2] =	stream.indirect.scatter.add.f32 [tilespmem:s0], [sflag:$0x5], $0x80, s31, s28, $0xb8;
	[tilespmem:$0x1BB00] =	vst v63  }
0x4c: {  	_ =	swait.ge [sflag:s12], $0x2800  }
0x4d: {  	[sflag:s12] =	ssyncset.done $0x0  }
0x4e: {  	s20 =	rddreg [dreg:$0xc];
	[sflag:s12] =	ssyncadd.s32 $0xFFFFD800  }
0x4f: {  	[tilespmem:s4], [sflag:$0x7] =	stream.linear.gather [hbm4b:s20+s4], $0x50, $0x38;
	[tilespmem:$0x1BB00] =	vst v63  }
0x50: {  	_ =	swait.ge [sflag:s25], $0x50  }
0x51: {  	[sflag:s25] =	ssyncset.done $0x0  }
0x52: {  	s21 =	rddreg [dreg:$0xd];
	[sflag:s25] =	ssyncadd.s32 $0xFFFFFFB0  }
0x53: {  	[tilespmem:s26], [sflag:$0x7] =	stream.linear.gather [hbm4b:s21+s4], $0x50, $0x38;
	[tilespmem:$0x1BB00] =	vst v63  }
0x54: {  	_ =	swait.ge [sflag:s25], $0x50  }
0x55: {  	[sflag:s25] =	ssyncset.done $0x0  }
0x56: {  	[sflag:s25] =	ssyncadd.s32 $0xFFFFFFB0  }
0x57: {  	[tilespmem:s29], [sflag:$0x1] =	stream.indirect.gather [hbm4b:s1+s28], $0x80, s4, s28, $0xb8;
	[tilespmem:$0x1BB00] =	vst v63  }
0x58: {  	_ =	swait.ge [sflag:s13], $0x2800  }
0x59: {  	[sflag:s13] =	ssyncset.done $0x0  }
0x5a: {  	[sflag:s13] =	ssyncadd.s32 $0xFFFFD800  }
0x5b: {  	[spmem:s2] =	stream.indirect.scatter.add.f32 [tilespmem:s10], [sflag:$0x6], $0x80, s8, s28, $0xb8;
	[tilespmem:$0x1BB00] =	vst v63  }
0x5c: {  	_ =	swait.ge [sflag:s14], $0x2800  }
0x5d: {  	[sflag:s14] =	ssyncset.done $0x0  }
0x5e: {  	s19 =	sadd.s32 s5, s24;
	[sflag:s14] =	ssyncadd.s32 $0xFFFFD800  }
0x5f: {  	[tilespmem:s30], [sflag:$0x7] =	stream.linear.gather [hbm4b:s19+s4], $0x50, $0x38;
	[tilespmem:$0x1BB00] =	vst v63  }
0x60: {  	_ =	swait.ge [sflag:s25], $0x50  }
0x61: {  	[sflag:s25] =	ssyncset.done $0x0  }
0x62: {  	s20 =	sadd.s32 s6, s24;
	[sflag:s25] =	ssyncadd.s32 $0xFFFFFFB0  }
0x63: {  	[tilespmem:s31], [sflag:$0x7] =	stream.linear.gather [hbm4b:s20+s4], $0x50, $0x38;
	[tilespmem:$0x1BB00] =	vst v63  }
0x64: {  	_ =	swait.ge [sflag:s25], $0x50  }
0x65: {  	[sflag:s25] =	ssyncset.done $0x0  }
0x66: {  	[sflag:s25] =	ssyncadd.s32 $0xFFFFFFB0  }
0x67: {  	[tilespmem:s0], [sflag:$0x2] =	stream.indirect.gather [hbm4b:s1+s28], $0x80, s30, s28, $0xb8;
	[tilespmem:$0x1BB00] =	vst v63  }
0x68: {  	_ =	swait.ge [sflag:s3], $0x2800  }
0x69: {  	[sflag:s3] =	ssyncset.done $0x0  }
0x6a: {  	[sflag:s3] =	ssyncadd.s32 $0xFFFFD800  }
0x6b: {  	[spmem:s2] =	stream.indirect.scatter.add.f32 [tilespmem:s29], [sflag:$0x4], $0x80, s26, s28, $0xb8;
	[tilespmem:$0x1BB00] =	vst v63  }
0x6c: {  	_ =	swait.ge [sflag:s15], $0x2800  }
0x6d: {  	[sflag:s15] =	ssyncset.done $0x0  }
0x6e: {  	s21 =	sadd.s32 s5, s23;
	[sflag:s15] =	ssyncadd.s32 $0xFFFFD800  }
0x6f: {  	[tilespmem:s7], [sflag:$0x7] =	stream.linear.gather [hbm4b:s21+s4], $0x50, $0x38;
	[tilespmem:$0x1BB00] =	vst v63  }
0x70: {  	_ =	swait.ge [sflag:s25], $0x50  }
0x71: {  	[sflag:s25] =	ssyncset.done $0x0  }
0x72: {  	s19 =	sadd.s32 s6, s23;
	[sflag:s25] =	ssyncadd.s32 $0xFFFFFFB0  }
0x73: {  	[tilespmem:s8], [sflag:$0x7] =	stream.linear.gather [hbm4b:s19+s4], $0x50, $0x38;
	[tilespmem:$0x1BB00] =	vst v63  }
0x74: {  	_ =	swait.ge [sflag:s25], $0x50  }
0x75: {  	[sflag:s25] =	ssyncset.done $0x0  }
0x76: {  	[sflag:s25] =	ssyncadd.s32 $0xFFFFFFB0  }
0x77: {  	[tilespmem:s10], [sflag:$0x3] =	stream.indirect.gather [hbm4b:s1+s28], $0x80, s7, s28, $0xb8;
	[tilespmem:$0x1BB00] =	vst v63  }
0x78: {  	_ =	swait.ge [sflag:s11], $0x2800  }
0x79: {  	[sflag:s11] =	ssyncset.done $0x0  }
0x7a: {  	[sflag:s11] =	ssyncadd.s32 $0xFFFFD800  }
0x7b: {  	[spmem:s2] =	stream.indirect.scatter.add.f32 [tilespmem:s0], [sflag:$0x5], $0x80, s31, s28, $0xb8;
	[tilespmem:$0x1BB00] =	vst v63  }
0x7c: {  	_ =	swait.ge [sflag:s12], $0x2800  }
0x7d: {  	[sflag:s12] =	ssyncset.done $0x0  }
0x7e: {  	s20 =	sadd.s32 s5, s22;
	[sflag:s12] =	ssyncadd.s32 $0xFFFFD800  }
0x7f: {  	[tilespmem:s4], [sflag:$0x7] =	stream.linear.gather [hbm4b:s20+s4], $0x50, $0x38;
	[tilespmem:$0x1BB00] =	vst v63  }
0x80: {  	_ =	swait.ge [sflag:s25], $0x50  }
0x81: {  	[sflag:s25] =	ssyncset.done $0x0  }
0x82: {  	s21 =	sadd.s32 s6, s22;
	[sflag:s25] =	ssyncadd.s32 $0xFFFFFFB0  }
0x83: {  	[tilespmem:s26], [sflag:$0x7] =	stream.linear.gather [hbm4b:s21+s4], $0x50, $0x38;
	[tilespmem:$0x1BB00] =	vst v63  }
0x84: {  	_ =	swait.ge [sflag:s25], $0x50  }
0x85: {  	s18 =	simm.s32 $0x27;
	[sflag:s25] =	ssyncset.done $0x0  }
0x86: {  	s19 =	sadd.s32 $0x1E, s6;
	s20 =	sadd.s32 $0x1E, s5;
	[sflag:s25] =	ssyncadd.s32 $0xFFFFFFB0  }
.LBB2_2:
0x87: {  	[tilespmem:s29], [sflag:$0x1] =	stream.indirect.gather [hbm4b:s1+s28], $0x80, s4, s28, $0xb8;
	[tilespmem:$0x1BB00] =	vst v63  }
0x88: {  	p0 =	sne.s32 s18, $0x1;
	s18 =	sadd.s32 $0xFFFFFFFF, s18;
	_ =	swait.ge [sflag:s13], $0x2800  }
0x89: {  	[sflag:s13] =	ssyncset.done $0x0  }
0x8a: {  	[sflag:s13] =	ssyncadd.s32 $0xFFFFD800  }
0x8b: {  	[spmem:s2] =	stream.indirect.scatter.add.f32 [tilespmem:s10], [sflag:$0x6], $0x80, s8, s28, $0xb8;
	[tilespmem:$0x1BB00] =	vst v63  }
0x8c: {  	_ =	swait.ge [sflag:s14], $0x2800  }
0x8d: {  	[sflag:s14] =	ssyncset.done $0x0  }
0x8e: {  	s21 =	sadd.s32 s20, s24;
	[sflag:s14] =	ssyncadd.s32 $0xFFFFD800  }
0x8f: {  	[tilespmem:s30], [sflag:$0x7] =	stream.linear.gather [hbm4b:s21+s4], $0x50, $0x38;
	[tilespmem:$0x1BB00] =	vst v63  }
0x90: {  	_ =	swait.ge [sflag:s25], $0x50  }
0x91: {  	[sflag:s25] =	ssyncset.done $0x0  }
0x92: {  	s21 =	sadd.s32 s19, s24;
	[sflag:s25] =	ssyncadd.s32 $0xFFFFFFB0  }
0x93: {  	[tilespmem:s31], [sflag:$0x7] =	stream.linear.gather [hbm4b:s21+s4], $0x50, $0x38;
	[tilespmem:$0x1BB00] =	vst v63  }
0x94: {  	_ =	swait.ge [sflag:s25], $0x50  }
0x95: {  	[sflag:s25] =	ssyncset.done $0x0  }
0x96: {  	[sflag:s25] =	ssyncadd.s32 $0xFFFFFFB0  }
0x97: {  	[tilespmem:s0], [sflag:$0x2] =	stream.indirect.gather [hbm4b:s1+s28], $0x80, s30, s28, $0xb8;
	[tilespmem:$0x1BB00] =	vst v63  }
0x98: {  	_ =	swait.ge [sflag:s3], $0x2800  }
0x99: {  	[sflag:s3] =	ssyncset.done $0x0  }
0x9a: {  	[sflag:s3] =	ssyncadd.s32 $0xFFFFD800  }
0x9b: {  	[spmem:s2] =	stream.indirect.scatter.add.f32 [tilespmem:s29], [sflag:$0x4], $0x80, s26, s28, $0xb8;
	[tilespmem:$0x1BB00] =	vst v63  }
0x9c: {  	_ =	swait.ge [sflag:s15], $0x2800  }
0x9d: {  	[sflag:s15] =	ssyncset.done $0x0  }
0x9e: {  	s21 =	sadd.s32 s20, s23;
	[sflag:s15] =	ssyncadd.s32 $0xFFFFD800  }
0x9f: {  	[tilespmem:s7], [sflag:$0x7] =	stream.linear.gather [hbm4b:s21+s4], $0x50, $0x38;
	[tilespmem:$0x1BB00] =	vst v63  }
0xa0: {  	_ =	swait.ge [sflag:s25], $0x50  }
0xa1: {  	[sflag:s25] =	ssyncset.done $0x0  }
0xa2: {  	s21 =	sadd.s32 s19, s23;
	[sflag:s25] =	ssyncadd.s32 $0xFFFFFFB0  }
0xa3: {  	[tilespmem:s8], [sflag:$0x7] =	stream.linear.gather [hbm4b:s21+s4], $0x50, $0x38;
	[tilespmem:$0x1BB00] =	vst v63  }
0xa4: {  	_ =	swait.ge [sflag:s25], $0x50  }
0xa5: {  	[sflag:s25] =	ssyncset.done $0x0  }
0xa6: {  	[sflag:s25] =	ssyncadd.s32 $0xFFFFFFB0  }
0xa7: {  	[tilespmem:s10], [sflag:$0x3] =	stream.indirect.gather [hbm4b:s1+s28], $0x80, s7, s28, $0xb8;
	[tilespmem:$0x1BB00] =	vst v63  }
0xa8: {  	_ =	swait.ge [sflag:s11], $0x2800  }
0xa9: {  	[sflag:s11] =	ssyncset.done $0x0  }
0xaa: {  	[sflag:s11] =	ssyncadd.s32 $0xFFFFD800  }
0xab: {  	[spmem:s2] =	stream.indirect.scatter.add.f32 [tilespmem:s0], [sflag:$0x5], $0x80, s31, s28, $0xb8;
	[tilespmem:$0x1BB00] =	vst v63  }
0xac: {  	_ =	swait.ge [sflag:s12], $0x2800  }
0xad: {  	[sflag:s12] =	ssyncset.done $0x0  }
0xae: {  	s21 =	sadd.s32 s20, s22;
	[sflag:s12] =	ssyncadd.s32 $0xFFFFD800  }
0xaf: {  	[tilespmem:s4], [sflag:$0x7] =	stream.linear.gather [hbm4b:s21+s4], $0x50, $0x38;
	[tilespmem:$0x1BB00] =	vst v63  }
0xb0: {  	_ =	swait.ge [sflag:s25], $0x50  }
0xb1: {  	[sflag:s25] =	ssyncset.done $0x0  }
.Ltmp0:
0xb2: {  	s21 =	sadd.s32 s19, s22;
	[sflag:s25] =	ssyncadd.s32 $0xFFFFFFB0;
	(pc) =	sbr.rel @p0 .LBB2_2-.Ltmp0, $4  }
0xb3: {  	[tilespmem:s26], [sflag:$0x7] =	stream.linear.gather [hbm4b:s21+s4], $0x50, $0x38;
	[tilespmem:$0x1BB00] =	vst v63  }
0xb4: {  	_ =	swait.ge [sflag:s25], $0x50  }
0xb5: {  	[sflag:s25] =	ssyncset.done $0x0  }
0xb6: {  	s20 =	sadd.s32 $0x1E, s20;
	s19 =	sadd.s32 $0x1E, s19;
	[sflag:s25] =	ssyncadd.s32 $0xFFFFFFB0  }
0xb7: {  	[tilespmem:s29], [sflag:$0x1] =	stream.indirect.gather [hbm4b:s1+s28], $0x80, s4, s28, $0xb8;
	[tilespmem:$0x1BB00] =	vst v63  }
0xb8: {  	_ =	swait.ge [sflag:s13], $0x2800  }
0xb9: {  	[sflag:s13] =	ssyncset.done $0x0  }
0xba: {  	[sflag:s13] =	ssyncadd.s32 $0xFFFFD800  }
0xbb: {  	[spmem:s2] =	stream.indirect.scatter.add.f32 [tilespmem:s10], [sflag:$0x6], $0x80, s8, s28, $0xb8;
	[tilespmem:$0x1BB00] =	vst v63  }
0xbc: {  	_ =	swait.ge [sflag:s14], $0x2800  }
0xbd: {  	[sflag:s14] =	ssyncset.done $0x0  }
0xbe: {  	s18 =	rddreg [dreg:$0xe];
	[sflag:s14] =	ssyncadd.s32 $0xFFFFD800  }
0xbf: {  	[tilespmem:s30], [sflag:$0x7] =	stream.linear.gather [hbm4b:s18+s4], $0x50, $0x38;
	[tilespmem:$0x1BB00] =	vst v63  }
0xc0: {  	_ =	swait.ge [sflag:s25], $0x50  }
0xc1: {  	[sflag:s25] =	ssyncset.done $0x0  }
0xc2: {  	s19 =	rddreg [dreg:$0xf];
	[sflag:s25] =	ssyncadd.s32 $0xFFFFFFB0  }
0xc3: {  	[tilespmem:s31], [sflag:$0x7] =	stream.linear.gather [hbm4b:s19+s4], $0x50, $0x38;
	[tilespmem:$0x1BB00] =	vst v63  }
0xc4: {  	_ =	swait.ge [sflag:s25], $0x50  }
0xc5: {  	[sflag:s25] =	ssyncset.done $0x0  }
0xc6: {  	[sflag:s25] =	ssyncadd.s32 $0xFFFFFFB0  }
0xc7: {  	[tilespmem:s0], [sflag:$0x2] =	stream.indirect.gather [hbm4b:s1+s28], $0x80, s30, s28, $0xb8;
	[tilespmem:$0x1BB00] =	vst v63  }
0xc8: {  	_ =	swait.ge [sflag:s3], $0x2800  }
0xc9: {  	[sflag:s3] =	ssyncset.done $0x0  }
0xca: {  	[sflag:s3] =	ssyncadd.s32 $0xFFFFD800  }
0xcb: {  	[spmem:s2] =	stream.indirect.scatter.add.f32 [tilespmem:s29], [sflag:$0x4], $0x80, s26, s28, $0xb8;
	[tilespmem:$0x1BB00] =	vst v63  }
0xcc: {  	_ =	swait.ge [sflag:s15], $0x2800  }
0xcd: {  	[sflag:s15] =	ssyncset.done $0x0  }
0xce: {  	[sflag:s15] =	ssyncadd.s32 $0xFFFFD800  }
0xcf: {  	_ =	swait.ge [sflag:s11], $0x2800  }
0xd0: {  	[sflag:s11] =	ssyncset.done $0x0  }
0xd1: {  	[sflag:s11] =	ssyncadd.s32 $0xFFFFD800  }
0xd2: {  	[spmem:s2] =	stream.indirect.scatter.add.f32 [tilespmem:s0], [sflag:$0x5], $0x80, s31, s28, $0xb8;
	[tilespmem:$0x1BB00] =	vst v63  }
0xd3: {  	_ =	swait.ge [sflag:s12], $0x2800  }
0xd4: {  	[sflag:s12] =	ssyncset.done $0x0  }
0xd5: {  	[sflag:s12] =	ssyncadd.s32 $0xFFFFD800  }
0xd6: {  	_ =	swait.ge [sflag:s14], $0x2800  }
0xd7: {  	[sflag:s14] =	ssyncset.done $0x0  }
0xd8: {  	[sflag:s14] =	ssyncadd.s32 $0xFFFFD800  }
0xd9: {  	[bflag:$0x0] =	sbarrier.arrive $0xFFFF  }
0xda: {  	s20 =	rddreg [dreg:$0x10]  }
0xdb: {  	[hbm:s20], [sflag:s9] =	dma.local [spmem:s17], $0x2800  }
0xdc: {  	_ =	swait.ge [sflag:s25], $0x2800  }
0xdd: {  	s16 =	sadd.s32 $0x1, s16;
	s21 =	rddreg [dreg:$0x11]  }
0xde: {  	p0 =	sne.s32 s16, s21  }
.Ltmp1:
0xdf: {  	_ = 	snop;
	(pc) =	sbr.rel @p0 .LBB2_1-.Ltmp1, $3  }
0xe0: {  	_ =	sdelay $0x1  }
0xe1: {  	[sflag:s25] =	ssyncset.done $0x0  }
0xe2: {  	[sflag:s25] =	ssyncadd.s32 $0xFFFFD800  }
0xe3: {  	_ =	sfence.sel $0x180000  }
0xe4: {  	[bflag:$0x0] =	sbarrier.arrive $0xFFFF  }
0xe5: {  	_ =	strace $0x90000050  }
0xe6: {  	s0 =	stileid.u32;
	[bflag:$0x2] =	sbarrier.arrive $0xFFFF  }
0xe7: {  	p0 =	sne.s32 s0, $0x0;
	s0 =	rddreg [dreg:$0x3]  }
0xe8: {  	s0 =	sadd.s32 @!p0 $0x100000, s0  }
0xe9: {  	[sflag:s0] =	ssyncadd.tile.s32 @!p0 $0x1;
	_ =	shalt  }
.Lfunc_end2:
_tile_overlayer_lowered:
.L_overlay_start_2:
0xea: {  	(tag) =	ssettag $0x2  }
0xeb: {  	s0 =	rddreg [dreg:$0x0];
	s2 =	stileid.u32  }
0xec: {  	s1 =	rddreg [dreg:$0x1];
	p0 =	sne.s32 s2, $0x0  }
0xed: {  	s3 =	rddreg [dreg:$0x2];
	[bflag:$0x3] =	sbarrier.arrive $0xFFFF;
	s2 =	simm.s32 @!p0 $0x1C07  }
0xee: {  	[timem:s3], [sflag:s2] =	dma.local @!p0 [hbm:s0], s1  }
0xef: {  	s0 =	simm.s32 @!p0 $0x7  }
0xf0: {  	_ =	swait.ge @!p0 [sflag:s0], s1  }
0xf1: {  	s1 =	ssub.s32 @!p0 $0x0, s1;
	[sflag:s0] =	ssyncset.done @!p0 $0x0  }
0xf2: {  	[sflag:s0] =	ssyncadd.s32 @!p0 s1  }
0xf3: {  	[bflag:$0x3] =	sbarrier.arrive $0xFFFF  }
0xf4: {  	_ =	shalt  }

</sc_bundles>
